<compile_context>
chip_gen: v7x
topology: tpu7x:2x2x1
jax: 0.10.2.dev20260603
libtpu: 0.0.44.dev20260713+nightly
codegen_flags: <defaults>
</compile_context>

<pallas_src>
import jax
import jax.numpy as jnp
from jax import lax
from jax.experimental import pallas as pl
from jax.experimental.pallas import tpu as pltpu
from jax.experimental.pallas import tpu_sc as plsc

VOCAB = 100000
DIM = 300
DIMP = 384
B = 1024
L = 50

NW = 32
TOTAL = B * L
CHUNK = 50
CH_PER_W = TOTAL // (NW * CHUNK)
ROWS_PER_W = TOTAL // NW


_TP_COLS = 1024


def _tp_body(tt_ref, o_ref):
    o_ref[:, :DIM] = tt_ref[...].T
    o_ref[:, DIM:] = jnp.zeros((_TP_COLS, DIMP - DIM), jnp.float32)


_tc_transpose_pad = pl.pallas_call(
    _tp_body,
    grid=(pl.cdiv(VOCAB, _TP_COLS),),
    in_specs=[pl.BlockSpec((DIM, _TP_COLS), lambda i: (0, i))],
    out_specs=pl.BlockSpec((_TP_COLS, DIMP), lambda i: (i, 0)),
    out_shape=jax.ShapeDtypeStruct((VOCAB, DIMP), jnp.float32),
)



_NBUF = 4


def _sc_body(table, src_idx, tgt_idx, dest_idx, out_src, out_tgt,
             sidx_v, tidx_v, dest_v, rows0, rows1, rows2, rows3, gsem, wsem):
    wid = lax.axis_index("s") * 2 + lax.axis_index("c")
    rows = [rows0, rows1, rows2, rows3]
    pltpu.sync_copy(src_idx.at[wid], sidx_v)
    pltpu.sync_copy(tgt_idx.at[wid], tidx_v)
    pltpu.sync_copy(dest_idx.at[wid], dest_v)

    def gather(idx_v, j, k):
        return pltpu.make_async_copy(
            table.at[idx_v.at[j]], rows[k], gsem.at[k])

    def write(out, j, k):
        return pltpu.make_async_copy(
            rows[k], out.at[dest_v.at[j]], wsem.at[k])

    def run(idx_v, out):
        for k in range(_NBUF - 1):
            gather(idx_v, k, k).start()

        def body(j4, carry):
            for k in range(_NBUF):
                c = _NBUF * j4 + k
                km1 = (k - 1) % _NBUF
                gather(idx_v, c, k).wait()
                write(out, c, k).start()
                nxt = c + _NBUF - 1

                @pl.when(jnp.logical_and(c >= 1, nxt < CH_PER_W))
                def _():
                    write(out, c - 1, km1).wait()

                @pl.when(nxt < CH_PER_W)
                def _():
                    gather(idx_v, nxt, km1).start()

            return carry

        lax.fori_loop(0, CH_PER_W // _NBUF, body, 0, unroll=False)
        for k in range(_NBUF):
            write(out, CH_PER_W - _NBUF + k, k).wait()

    run(sidx_v, out_src)
    run(tidx_v, out_tgt)


_sc_gather = pl.kernel(
    _sc_body,
    out_type=(
        jax.ShapeDtypeStruct((TOTAL, DIMP), jnp.float32),
        jax.ShapeDtypeStruct((TOTAL, DIMP), jnp.float32),
    ),
    mesh=plsc.VectorSubcoreMesh(core_axis_name="c", subcore_axis_name="s"),
    scratch_types=[
        pltpu.VMEM((CH_PER_W, CHUNK), jnp.int32),
        pltpu.VMEM((CH_PER_W, CHUNK), jnp.int32),
        pltpu.VMEM((CH_PER_W, CHUNK), jnp.int32),
        pltpu.VMEM((CHUNK, DIMP), jnp.float32),
        pltpu.VMEM((CHUNK, DIMP), jnp.float32),
        pltpu.VMEM((CHUNK, DIMP), jnp.float32),
        pltpu.VMEM((CHUNK, DIMP), jnp.float32),
        pltpu.SemaphoreType.DMA((_NBUF,)),
        pltpu.SemaphoreType.DMA((_NBUF,)),
    ],
)



def _out_body(s_ref, t_ref, os_ref, ot_ref):
    os_ref[0] = s_ref[0][:, :DIM].T
    ot_ref[0] = t_ref[0][:, :DIM].T


_tc_out = pl.pallas_call(
    _out_body,
    grid=(L,),
    in_specs=[
        pl.BlockSpec((1, B, DIMP), lambda i: (i, 0, 0)),
        pl.BlockSpec((1, B, DIMP), lambda i: (i, 0, 0)),
    ],
    out_specs=[
        pl.BlockSpec((1, DIM, B), lambda i: (i, 0, 0)),
        pl.BlockSpec((1, DIM, B), lambda i: (i, 0, 0)),
    ],
    out_shape=[
        jax.ShapeDtypeStruct((L, DIM, B), jnp.float32),
        jax.ShapeDtypeStruct((L, DIM, B), jnp.float32),
    ],
)


def kernel(src, tgt, embedding_matrix):
    table_p = _tc_transpose_pad(embedding_matrix.T)
    src3 = src.reshape(NW, CH_PER_W, CHUNK)
    tgt3 = tgt.reshape(NW, CH_PER_W, CHUNK)
    g = jnp.arange(TOTAL, dtype=jnp.int32)
    dest3 = ((g % L) * B + g // L).reshape(NW, CH_PER_W, CHUNK)
    pad_src, pad_tgt = _sc_gather(table_p, src3, tgt3, dest3)
    ys, yt = _tc_out(pad_src.reshape(L, B, DIMP), pad_tgt.reshape(L, B, DIMP))
    return (jnp.transpose(ys, (2, 0, 1)), jnp.transpose(yt, (2, 0, 1)))

# --- scband reference (transcript-rebuilt; emitter-appended) ---
"""Pipeline reference for scband-embedding-model-3015067042387 (READ-ONLY COPY).

The authoritative reference and input builder live on the scoring server;
editing this copy changes nothing except your own understanding.
"""

import jax, jax.numpy as jnp
import numpy as np

VOCAB = 100000
DIM = 300
B = 1024
L = 50

def setup_inputs(seed: int = 0) -> dict:
    key = jax.random.key(seed)
    k1, k2, k3 = jax.random.split(key, 3)
    src = jax.random.randint(k1, (B, L), 0, VOCAB, dtype=jnp.int64 if jax.config.jax_enable_x64 else jnp.int32).astype(jnp.int32)
    tgt = jax.random.randint(k2, (B, L), 0, VOCAB, dtype=jnp.int64 if jax.config.jax_enable_x64 else jnp.int32).astype(jnp.int32)
    embedding_matrix = jax.random.normal(k3, (VOCAB, DIM), dtype=jnp.float32)
    return {"src": src, "tgt": tgt, "embedding_matrix": embedding_matrix}

def reference(src, tgt, embedding_matrix):
    # nn.Embedding.from_pretrained(embedding_matrix, freeze=True): pure row gather
    src_embedding = jnp.take(embedding_matrix, src, axis=0)
    tgt_embedding = jnp.take(embedding_matrix, tgt, axis=0)
    return (src_embedding, tgt_embedding)

if __name__ == "__main__":
    import jax
    _d = setup_inputs()
    print(jax.jit(kernel)(*tuple(_d.values())))

</pallas_src>

<mosaic_0001>
#map = affine_map<(d0, d1) -> (0, 0)>
#map1 = affine_map<(d0, d1) -> (0, 0, 0)>
module attributes {stable_mosaic.version = 14 : i64} {
  func.func @_sc_body(%arg0: i32, %arg1: i32, %arg2: memref<100000x384xf32, #tpu.memory_space<hbm>>, %arg3: memref<32x32x50xi32, #tpu.memory_space<hbm>>, %arg4: memref<32x32x50xi32, #tpu.memory_space<hbm>>, %arg5: memref<32x32x50xi32, #tpu.memory_space<hbm>>, %arg6: memref<51200x384xf32, #tpu.memory_space<hbm>>, %arg7: memref<51200x384xf32, #tpu.memory_space<hbm>>, %arg8: memref<32x50xi32, #tpu.memory_space<vmem>>, %arg9: memref<32x50xi32, #tpu.memory_space<vmem>>, %arg10: memref<32x50xi32, #tpu.memory_space<vmem>>, %arg11: memref<50x384xf32, #tpu.memory_space<vmem>>, %arg12: memref<50x384xf32, #tpu.memory_space<vmem>>, %arg13: memref<50x384xf32, #tpu.memory_space<vmem>>, %arg14: memref<50x384xf32, #tpu.memory_space<vmem>>, %arg15: memref<4x!tpu.dma_semaphore, #tpu.memory_space<semaphore_mem>>, %arg16: memref<4x!tpu.dma_semaphore, #tpu.memory_space<semaphore_mem>>) attributes {dimension_semantics = [#tpu.dimension_semantics<core_parallel>, #tpu.dimension_semantics<subcore_parallel>], iteration_bounds = array<i64: 2, 16>, scalar_prefetch = 0 : i64, scratch_operands = 9 : i64, tpu.core_type = #tpu.core_type<sc_vector_subcore>, window_params = [{transform_indices = #map}, {transform_indices = #map1}, {transform_indices = #map1}, {transform_indices = #map1}, {transform_indices = #map}, {transform_indices = #map}]} {
    %mul3A = arith.constant 2 : i32
    %mul3A_0 = arith.muli %arg1, %mul3A : i32
    %add3A = arith.addi %mul3A_0, %arg0 : i32
    "tpu.region"() ({
      %run_scoped3A = tpu.sem_alloc : memref<!tpu.dma_semaphore, #tpu.memory_space<semaphore_mem>>
      %dma_start3A_150 = arith.constant 0 : i32
      %dma_start3A_151 = arith.constant 0 : i32
      %dma_start3A_152 = tpu.memref_slice %arg3[%add3A, %dma_start3A_150, %dma_start3A_151] : memref<32x32x50xi32, #tpu.memory_space<hbm>> -> memref<1x32x50xi32, #tpu.memory_space<hbm>>
      %dma_start3A_153 = tpu.memref_squeeze %dma_start3A_152 : memref<1x32x50xi32, #tpu.memory_space<hbm>> -> memref<32x50xi32, #tpu.memory_space<hbm>>
      %dma_start3A_154 = arith.constant 0 : i32
      %dma_start3A_155 = arith.constant 0 : i32
      %dma_start3A_156 = tpu.memref_slice %arg3[%add3A, %dma_start3A_154, %dma_start3A_155] : memref<32x32x50xi32, #tpu.memory_space<hbm>> -> memref<1x32x50xi32, #tpu.memory_space<hbm>>
      %dma_start3A_157 = tpu.memref_squeeze %dma_start3A_156 : memref<1x32x50xi32, #tpu.memory_space<hbm>> -> memref<32x50xi32, #tpu.memory_space<hbm>>
      tpu.enqueue_dma source(%dma_start3A_157 : memref<32x50xi32, #tpu.memory_space<hbm>>) target(%arg8 : memref<32x50xi32, #tpu.memory_space<vmem>>) target_semaphore(%run_scoped3A : memref<!tpu.dma_semaphore, #tpu.memory_space<semaphore_mem>>)
      %dma_wait3A_158 = arith.constant 0 : i32
      %dma_wait3A_159 = arith.constant 0 : i32
      %dma_wait3A_160 = tpu.memref_slice %arg3[%add3A, %dma_wait3A_158, %dma_wait3A_159] : memref<32x32x50xi32, #tpu.memory_space<hbm>> -> memref<1x32x50xi32, #tpu.memory_space<hbm>>
      %dma_wait3A_161 = tpu.memref_squeeze %dma_wait3A_160 : memref<1x32x50xi32, #tpu.memory_space<hbm>> -> memref<32x50xi32, #tpu.memory_space<hbm>>
      %dma_wait3A_162 = arith.constant 0 : i32
      %dma_wait3A_163 = arith.constant 0 : i32
      %dma_wait3A_164 = tpu.memref_slice %arg3[%add3A, %dma_wait3A_162, %dma_wait3A_163] : memref<32x32x50xi32, #tpu.memory_space<hbm>> -> memref<1x32x50xi32, #tpu.memory_space<hbm>>
      %dma_wait3A_165 = tpu.memref_squeeze %dma_wait3A_164 : memref<1x32x50xi32, #tpu.memory_space<hbm>> -> memref<32x50xi32, #tpu.memory_space<hbm>>
      tpu.wait_dma2 semaphore(%run_scoped3A : memref<!tpu.dma_semaphore, #tpu.memory_space<semaphore_mem>>) src(%dma_wait3A_165 : memref<32x50xi32, #tpu.memory_space<hbm>>) dst(%arg8 : memref<32x50xi32, #tpu.memory_space<vmem>>)
      tpu.yield
    }) : () -> ()
    "tpu.region"() ({
      %run_scoped3A = tpu.sem_alloc : memref<!tpu.dma_semaphore, #tpu.memory_space<semaphore_mem>>
      %dma_start3A_150 = arith.constant 0 : i32
      %dma_start3A_151 = arith.constant 0 : i32
      %dma_start3A_152 = tpu.memref_slice %arg4[%add3A, %dma_start3A_150, %dma_start3A_151] : memref<32x32x50xi32, #tpu.memory_space<hbm>> -> memref<1x32x50xi32, #tpu.memory_space<hbm>>
      %dma_start3A_153 = tpu.memref_squeeze %dma_start3A_152 : memref<1x32x50xi32, #tpu.memory_space<hbm>> -> memref<32x50xi32, #tpu.memory_space<hbm>>
      %dma_start3A_154 = arith.constant 0 : i32
      %dma_start3A_155 = arith.constant 0 : i32
      %dma_start3A_156 = tpu.memref_slice %arg4[%add3A, %dma_start3A_154, %dma_start3A_155] : memref<32x32x50xi32, #tpu.memory_space<hbm>> -> memref<1x32x50xi32, #tpu.memory_space<hbm>>
      %dma_start3A_157 = tpu.memref_squeeze %dma_start3A_156 : memref<1x32x50xi32, #tpu.memory_space<hbm>> -> memref<32x50xi32, #tpu.memory_space<hbm>>
      tpu.enqueue_dma source(%dma_start3A_157 : memref<32x50xi32, #tpu.memory_space<hbm>>) target(%arg9 : memref<32x50xi32, #tpu.memory_space<vmem>>) target_semaphore(%run_scoped3A : memref<!tpu.dma_semaphore, #tpu.memory_space<semaphore_mem>>)
      %dma_wait3A_158 = arith.constant 0 : i32
      %dma_wait3A_159 = arith.constant 0 : i32
      %dma_wait3A_160 = tpu.memref_slice %arg4[%add3A, %dma_wait3A_158, %dma_wait3A_159] : memref<32x32x50xi32, #tpu.memory_space<hbm>> -> memref<1x32x50xi32, #tpu.memory_space<hbm>>
      %dma_wait3A_161 = tpu.memref_squeeze %dma_wait3A_160 : memref<1x32x50xi32, #tpu.memory_space<hbm>> -> memref<32x50xi32, #tpu.memory_space<hbm>>
      %dma_wait3A_162 = arith.constant 0 : i32
      %dma_wait3A_163 = arith.constant 0 : i32
      %dma_wait3A_164 = tpu.memref_slice %arg4[%add3A, %dma_wait3A_162, %dma_wait3A_163] : memref<32x32x50xi32, #tpu.memory_space<hbm>> -> memref<1x32x50xi32, #tpu.memory_space<hbm>>
      %dma_wait3A_165 = tpu.memref_squeeze %dma_wait3A_164 : memref<1x32x50xi32, #tpu.memory_space<hbm>> -> memref<32x50xi32, #tpu.memory_space<hbm>>
      tpu.wait_dma2 semaphore(%run_scoped3A : memref<!tpu.dma_semaphore, #tpu.memory_space<semaphore_mem>>) src(%dma_wait3A_165 : memref<32x50xi32, #tpu.memory_space<hbm>>) dst(%arg9 : memref<32x50xi32, #tpu.memory_space<vmem>>)
      tpu.yield
    }) : () -> ()
    "tpu.region"() ({
      %run_scoped3A = tpu.sem_alloc : memref<!tpu.dma_semaphore, #tpu.memory_space<semaphore_mem>>
      %dma_start3A_150 = arith.constant 0 : i32
      %dma_start3A_151 = arith.constant 0 : i32
      %dma_start3A_152 = tpu.memref_slice %arg5[%add3A, %dma_start3A_150, %dma_start3A_151] : memref<32x32x50xi32, #tpu.memory_space<hbm>> -> memref<1x32x50xi32, #tpu.memory_space<hbm>>
      %dma_start3A_153 = tpu.memref_squeeze %dma_start3A_152 : memref<1x32x50xi32, #tpu.memory_space<hbm>> -> memref<32x50xi32, #tpu.memory_space<hbm>>
      %dma_start3A_154 = arith.constant 0 : i32
      %dma_start3A_155 = arith.constant 0 : i32
      %dma_start3A_156 = tpu.memref_slice %arg5[%add3A, %dma_start3A_154, %dma_start3A_155] : memref<32x32x50xi32, #tpu.memory_space<hbm>> -> memref<1x32x50xi32, #tpu.memory_space<hbm>>
      %dma_start3A_157 = tpu.memref_squeeze %dma_start3A_156 : memref<1x32x50xi32, #tpu.memory_space<hbm>> -> memref<32x50xi32, #tpu.memory_space<hbm>>
      tpu.enqueue_dma source(%dma_start3A_157 : memref<32x50xi32, #tpu.memory_space<hbm>>) target(%arg10 : memref<32x50xi32, #tpu.memory_space<vmem>>) target_semaphore(%run_scoped3A : memref<!tpu.dma_semaphore, #tpu.memory_space<semaphore_mem>>)
      %dma_wait3A_158 = arith.constant 0 : i32
      %dma_wait3A_159 = arith.constant 0 : i32
      %dma_wait3A_160 = tpu.memref_slice %arg5[%add3A, %dma_wait3A_158, %dma_wait3A_159] : memref<32x32x50xi32, #tpu.memory_space<hbm>> -> memref<1x32x50xi32, #tpu.memory_space<hbm>>
      %dma_wait3A_161 = tpu.memref_squeeze %dma_wait3A_160 : memref<1x32x50xi32, #tpu.memory_space<hbm>> -> memref<32x50xi32, #tpu.memory_space<hbm>>
      %dma_wait3A_162 = arith.constant 0 : i32
      %dma_wait3A_163 = arith.constant 0 : i32
      %dma_wait3A_164 = tpu.memref_slice %arg5[%add3A, %dma_wait3A_162, %dma_wait3A_163] : memref<32x32x50xi32, #tpu.memory_space<hbm>> -> memref<1x32x50xi32, #tpu.memory_space<hbm>>
      %dma_wait3A_165 = tpu.memref_squeeze %dma_wait3A_164 : memref<1x32x50xi32, #tpu.memory_space<hbm>> -> memref<32x50xi32, #tpu.memory_space<hbm>>
      tpu.wait_dma2 semaphore(%run_scoped3A : memref<!tpu.dma_semaphore, #tpu.memory_space<semaphore_mem>>) src(%dma_wait3A_165 : memref<32x50xi32, #tpu.memory_space<hbm>>) dst(%arg10 : memref<32x50xi32, #tpu.memory_space<vmem>>)
      tpu.yield
    }) : () -> ()
    %dma_start3A = arith.constant 0 : i32
    %dma_start3A_1 = arith.constant 0 : i32
    %dma_start3A_2 = arith.constant 0 : i32
    %dma_start3A_3 = tpu.memref_slice %arg8[%dma_start3A, %dma_start3A_2] : memref<32x50xi32, #tpu.memory_space<vmem>> -> memref<1x50xi32, #tpu.memory_space<vmem>>
    %dma_start3A_4 = tpu.memref_squeeze %dma_start3A_3 : memref<1x50xi32, #tpu.memory_space<vmem>> -> memref<50xi32, #tpu.memory_space<vmem>>
    %dma_start3A_5 = arith.constant 0 : i32
    %dma_start3A_6 = arith.constant 0 : i32
    %dma_start3A_7 = tpu.memref_slice %arg2[%dma_start3A_5, %dma_start3A_6] : memref<100000x384xf32, #tpu.memory_space<hbm>> -> memref<100000x384xf32, #tpu.memory_space<hbm>>
    %dma_start3A_8 = tpu.memref_slice %arg15[%dma_start3A_1] : memref<4x!tpu.dma_semaphore, #tpu.memory_space<semaphore_mem>> -> memref<1x!tpu.dma_semaphore, #tpu.memory_space<semaphore_mem>>
    %dma_start3A_9 = tpu.memref_squeeze %dma_start3A_8 : memref<1x!tpu.dma_semaphore, #tpu.memory_space<semaphore_mem>> -> memref<!tpu.dma_semaphore, #tpu.memory_space<semaphore_mem>>
    tpu.enqueue_indirect_dma source(%dma_start3A_7 : memref<100000x384xf32, #tpu.memory_space<hbm>>) target(%arg11 : memref<50x384xf32, #tpu.memory_space<vmem>>) offsets(%dma_start3A_4 : memref<50xi32, #tpu.memory_space<vmem>>) semaphore(%dma_start3A_9 : memref<!tpu.dma_semaphore, #tpu.memory_space<semaphore_mem>>)
    %dma_start3A_10 = arith.constant 1 : i32
    %dma_start3A_11 = arith.constant 1 : i32
    %dma_start3A_12 = arith.constant 0 : i32
    %dma_start3A_13 = tpu.memref_slice %arg8[%dma_start3A_10, %dma_start3A_12] : memref<32x50xi32, #tpu.memory_space<vmem>> -> memref<1x50xi32, #tpu.memory_space<vmem>>
    %dma_start3A_14 = tpu.memref_squeeze %dma_start3A_13 : memref<1x50xi32, #tpu.memory_space<vmem>> -> memref<50xi32, #tpu.memory_space<vmem>>
    %dma_start3A_15 = arith.constant 0 : i32
    %dma_start3A_16 = arith.constant 0 : i32
    %dma_start3A_17 = tpu.memref_slice %arg2[%dma_start3A_15, %dma_start3A_16] : memref<100000x384xf32, #tpu.memory_space<hbm>> -> memref<100000x384xf32, #tpu.memory_space<hbm>>
    %dma_start3A_18 = tpu.memref_slice %arg15[%dma_start3A_11] : memref<4x!tpu.dma_semaphore, #tpu.memory_space<semaphore_mem>> -> memref<1x!tpu.dma_semaphore, #tpu.memory_space<semaphore_mem>>
    %dma_start3A_19 = tpu.memref_squeeze %dma_start3A_18 : memref<1x!tpu.dma_semaphore, #tpu.memory_space<semaphore_mem>> -> memref<!tpu.dma_semaphore, #tpu.memory_space<semaphore_mem>>
    tpu.enqueue_indirect_dma source(%dma_start3A_17 : memref<100000x384xf32, #tpu.memory_space<hbm>>) target(%arg12 : memref<50x384xf32, #tpu.memory_space<vmem>>) offsets(%dma_start3A_14 : memref<50xi32, #tpu.memory_space<vmem>>) semaphore(%dma_start3A_19 : memref<!tpu.dma_semaphore, #tpu.memory_space<semaphore_mem>>)
    %dma_start3A_20 = arith.constant 2 : i32
    %dma_start3A_21 = arith.constant 2 : i32
    %dma_start3A_22 = arith.constant 0 : i32
    %dma_start3A_23 = tpu.memref_slice %arg8[%dma_start3A_20, %dma_start3A_22] : memref<32x50xi32, #tpu.memory_space<vmem>> -> memref<1x50xi32, #tpu.memory_space<vmem>>
    %dma_start3A_24 = tpu.memref_squeeze %dma_start3A_23 : memref<1x50xi32, #tpu.memory_space<vmem>> -> memref<50xi32, #tpu.memory_space<vmem>>
    %dma_start3A_25 = arith.constant 0 : i32
    %dma_start3A_26 = arith.constant 0 : i32
    %dma_start3A_27 = tpu.memref_slice %arg2[%dma_start3A_25, %dma_start3A_26] : memref<100000x384xf32, #tpu.memory_space<hbm>> -> memref<100000x384xf32, #tpu.memory_space<hbm>>
    %dma_start3A_28 = tpu.memref_slice %arg15[%dma_start3A_21] : memref<4x!tpu.dma_semaphore, #tpu.memory_space<semaphore_mem>> -> memref<1x!tpu.dma_semaphore, #tpu.memory_space<semaphore_mem>>
    %dma_start3A_29 = tpu.memref_squeeze %dma_start3A_28 : memref<1x!tpu.dma_semaphore, #tpu.memory_space<semaphore_mem>> -> memref<!tpu.dma_semaphore, #tpu.memory_space<semaphore_mem>>
    tpu.enqueue_indirect_dma source(%dma_start3A_27 : memref<100000x384xf32, #tpu.memory_space<hbm>>) target(%arg13 : memref<50x384xf32, #tpu.memory_space<vmem>>) offsets(%dma_start3A_24 : memref<50xi32, #tpu.memory_space<vmem>>) semaphore(%dma_start3A_29 : memref<!tpu.dma_semaphore, #tpu.memory_space<semaphore_mem>>)
    %scan3A = arith.constant 0 : i32
    %scan3A_30 = arith.constant 0 : i32
    %scan3A_31 = arith.constant 8 : i32
    %scan3A_32 = arith.addi %scan3A_30, %scan3A_31 : i32
    %scan3A_33 = arith.constant 1 : i32
    scf.for %scan3A_150 = %scan3A_30 to %scan3A_32 step %scan3A_33  : i32 {
      %mul3A_151 = arith.constant 4 : i32
      %mul3A_152 = arith.muli %mul3A_151, %scan3A_150 : i32
      %add3A_153 = arith.constant 0 : i32
      %add3A_154 = arith.addi %mul3A_152, %add3A_153 : i32
      %dma_wait3A_155 = arith.constant 0 : i32
      %dma_wait3A_156 = arith.constant 0 : i32
      %dma_wait3A_157 = tpu.memref_slice %arg8[%add3A_154, %dma_wait3A_156] : memref<32x50xi32, #tpu.memory_space<vmem>> -> memref<1x50xi32, #tpu.memory_space<vmem>>
      %dma_wait3A_158 = tpu.memref_squeeze %dma_wait3A_157 : memref<1x50xi32, #tpu.memory_space<vmem>> -> memref<50xi32, #tpu.memory_space<vmem>>
      %dma_wait3A_159 = arith.constant 0 : i32
      %dma_wait3A_160 = arith.constant 0 : i32
      %dma_wait3A_161 = tpu.memref_slice %arg2[%dma_wait3A_159, %dma_wait3A_160] : memref<100000x384xf32, #tpu.memory_space<hbm>> -> memref<100000x384xf32, #tpu.memory_space<hbm>>
      %dma_wait3A_162 = tpu.memref_slice %arg15[%dma_wait3A_155] : memref<4x!tpu.dma_semaphore, #tpu.memory_space<semaphore_mem>> -> memref<1x!tpu.dma_semaphore, #tpu.memory_space<semaphore_mem>>
      %dma_wait3A_163 = tpu.memref_squeeze %dma_wait3A_162 : memref<1x!tpu.dma_semaphore, #tpu.memory_space<semaphore_mem>> -> memref<!tpu.dma_semaphore, #tpu.memory_space<semaphore_mem>>
      tpu.wait_indirect_dma semaphore(%dma_wait3A_163 : memref<!tpu.dma_semaphore, #tpu.memory_space<semaphore_mem>>) src(%dma_wait3A_161 : memref<100000x384xf32, #tpu.memory_space<hbm>>) dst(%arg11 : memref<50x384xf32, #tpu.memory_space<vmem>>)
      %dma_start3A_164 = arith.constant 0 : i32
      %dma_start3A_165 = arith.constant 0 : i32
      %dma_start3A_166 = tpu.memref_slice %arg10[%add3A_154, %dma_start3A_165] : memref<32x50xi32, #tpu.memory_space<vmem>> -> memref<1x50xi32, #tpu.memory_space<vmem>>
      %dma_start3A_167 = tpu.memref_squeeze %dma_start3A_166 : memref<1x50xi32, #tpu.memory_space<vmem>> -> memref<50xi32, #tpu.memory_space<vmem>>
      %dma_start3A_168 = arith.constant 0 : i32
      %dma_start3A_169 = arith.constant 0 : i32
      %dma_start3A_170 = tpu.memref_slice %arg6[%dma_start3A_168, %dma_start3A_169] : memref<51200x384xf32, #tpu.memory_space<hbm>> -> memref<51200x384xf32, #tpu.memory_space<hbm>>
      %dma_start3A_171 = tpu.memref_slice %arg16[%dma_start3A_164] : memref<4x!tpu.dma_semaphore, #tpu.memory_space<semaphore_mem>> -> memref<1x!tpu.dma_semaphore, #tpu.memory_space<semaphore_mem>>
      %dma_start3A_172 = tpu.memref_squeeze %dma_start3A_171 : memref<1x!tpu.dma_semaphore, #tpu.memory_space<semaphore_mem>> -> memref<!tpu.dma_semaphore, #tpu.memory_space<semaphore_mem>>
      tpu.enqueue_indirect_dma source(%arg11 : memref<50x384xf32, #tpu.memory_space<vmem>>) target(%dma_start3A_170 : memref<51200x384xf32, #tpu.memory_space<hbm>>) offsets(%dma_start3A_167 : memref<50xi32, #tpu.memory_space<vmem>>) semaphore(%dma_start3A_172 : memref<!tpu.dma_semaphore, #tpu.memory_space<semaphore_mem>>)
      %add3A_173 = arith.constant 4 : i32
      %add3A_174 = arith.addi %add3A_154, %add3A_173 : i32
      %sub3A = arith.constant 1 : i32
      %sub3A_175 = arith.subi %add3A_174, %sub3A : i32
      %ge3A = arith.constant 1 : i32
      %ge3A_176 = arith.cmpi sge, %add3A_154, %ge3A : i32
      %lt3A = arith.constant 32 : i32
      %lt3A_177 = arith.cmpi slt, %sub3A_175, %lt3A : i32
      %and3A = arith.andi %ge3A_176, %lt3A_177 : i1
      %convert_element_type3A = arith.extui %and3A : i1 to i32
      %cond3A = arith.constant 0 : i32
      %cond3A_178 = arith.cmpi ne, %convert_element_type3A, %cond3A : i32
      scf.if %cond3A_178 {
        %sub3A_301 = arith.constant 1 : i32
        %sub3A_302 = arith.subi %add3A_154, %sub3A_301 : i32
        %dma_wait3A_303 = arith.constant 3 : i32
        %dma_wait3A_304 = arith.constant 0 : i32
        %dma_wait3A_305 = tpu.memref_slice %arg10[%sub3A_302, %dma_wait3A_304] : memref<32x50xi32, #tpu.memory_space<vmem>> -> memref<1x50xi32, #tpu.memory_space<vmem>>
        %dma_wait3A_306 = tpu.memref_squeeze %dma_wait3A_305 : memref<1x50xi32, #tpu.memory_space<vmem>> -> memref<50xi32, #tpu.memory_space<vmem>>
        %dma_wait3A_307 = arith.constant 0 : i32
        %dma_wait3A_308 = arith.constant 0 : i32
        %dma_wait3A_309 = tpu.memref_slice %arg6[%dma_wait3A_307, %dma_wait3A_308] : memref<51200x384xf32, #tpu.memory_space<hbm>> -> memref<51200x384xf32, #tpu.memory_space<hbm>>
        %dma_wait3A_310 = tpu.memref_slice %arg16[%dma_wait3A_303] : memref<4x!tpu.dma_semaphore, #tpu.memory_space<semaphore_mem>> -> memref<1x!tpu.dma_semaphore, #tpu.memory_space<semaphore_mem>>
        %dma_wait3A_311 = tpu.memref_squeeze %dma_wait3A_310 : memref<1x!tpu.dma_semaphore, #tpu.memory_space<semaphore_mem>> -> memref<!tpu.dma_semaphore, #tpu.memory_space<semaphore_mem>>
        tpu.wait_indirect_dma semaphore(%dma_wait3A_311 : memref<!tpu.dma_semaphore, #tpu.memory_space<semaphore_mem>>) src(%arg14 : memref<50x384xf32, #tpu.memory_space<vmem>>) dst(%dma_wait3A_309 : memref<51200x384xf32, #tpu.memory_space<hbm>>)
      } else {
      }
      %lt3A_179 = arith.constant 32 : i32
      %lt3A_180 = arith.cmpi slt, %sub3A_175, %lt3A_179 : i32
      %convert_element_type3A_181 = arith.extui %lt3A_180 : i1 to i32
      %cond3A_182 = arith.constant 0 : i32
      %cond3A_183 = arith.cmpi ne, %convert_element_type3A_181, %cond3A_182 : i32
      scf.if %cond3A_183 {
        %dma_start3A_301 = arith.constant 3 : i32
        %dma_start3A_302 = arith.constant 0 : i32
        %dma_start3A_303 = tpu.memref_slice %arg8[%sub3A_175, %dma_start3A_302] : memref<32x50xi32, #tpu.memory_space<vmem>> -> memref<1x50xi32, #tpu.memory_space<vmem>>
        %dma_start3A_304 = tpu.memref_squeeze %dma_start3A_303 : memref<1x50xi32, #tpu.memory_space<vmem>> -> memref<50xi32, #tpu.memory_space<vmem>>
        %dma_start3A_305 = arith.constant 0 : i32
        %dma_start3A_306 = arith.constant 0 : i32
        %dma_start3A_307 = tpu.memref_slice %arg2[%dma_start3A_305, %dma_start3A_306] : memref<100000x384xf32, #tpu.memory_space<hbm>> -> memref<100000x384xf32, #tpu.memory_space<hbm>>
        %dma_start3A_308 = tpu.memref_slice %arg15[%dma_start3A_301] : memref<4x!tpu.dma_semaphore, #tpu.memory_space<semaphore_mem>> -> memref<1x!tpu.dma_semaphore, #tpu.memory_space<semaphore_mem>>
        %dma_start3A_309 = tpu.memref_squeeze %dma_start3A_308 : memref<1x!tpu.dma_semaphore, #tpu.memory_space<semaphore_mem>> -> memref<!tpu.dma_semaphore, #tpu.memory_space<semaphore_mem>>
        tpu.enqueue_indirect_dma source(%dma_start3A_307 : memref<100000x384xf32, #tpu.memory_space<hbm>>) target(%arg14 : memref<50x384xf32, #tpu.memory_space<vmem>>) offsets(%dma_start3A_304 : memref<50xi32, #tpu.memory_space<vmem>>) semaphore(%dma_start3A_309 : memref<!tpu.dma_semaphore, #tpu.memory_space<semaphore_mem>>)
      } else {
      }
      %mul3A_184 = arith.constant 4 : i32
      %mul3A_185 = arith.muli %mul3A_184, %scan3A_150 : i32
      %add3A_186 = arith.constant 1 : i32
      %add3A_187 = arith.addi %mul3A_185, %add3A_186 : i32
      %dma_wait3A_188 = arith.constant 1 : i32
      %dma_wait3A_189 = arith.constant 0 : i32
      %dma_wait3A_190 = tpu.memref_slice %arg8[%add3A_187, %dma_wait3A_189] : memref<32x50xi32, #tpu.memory_space<vmem>> -> memref<1x50xi32, #tpu.memory_space<vmem>>
      %dma_wait3A_191 = tpu.memref_squeeze %dma_wait3A_190 : memref<1x50xi32, #tpu.memory_space<vmem>> -> memref<50xi32, #tpu.memory_space<vmem>>
      %dma_wait3A_192 = arith.constant 0 : i32
      %dma_wait3A_193 = arith.constant 0 : i32
      %dma_wait3A_194 = tpu.memref_slice %arg2[%dma_wait3A_192, %dma_wait3A_193] : memref<100000x384xf32, #tpu.memory_space<hbm>> -> memref<100000x384xf32, #tpu.memory_space<hbm>>
      %dma_wait3A_195 = tpu.memref_slice %arg15[%dma_wait3A_188] : memref<4x!tpu.dma_semaphore, #tpu.memory_space<semaphore_mem>> -> memref<1x!tpu.dma_semaphore, #tpu.memory_space<semaphore_mem>>
      %dma_wait3A_196 = tpu.memref_squeeze %dma_wait3A_195 : memref<1x!tpu.dma_semaphore, #tpu.memory_space<semaphore_mem>> -> memref<!tpu.dma_semaphore, #tpu.memory_space<semaphore_mem>>
      tpu.wait_indirect_dma semaphore(%dma_wait3A_196 : memref<!tpu.dma_semaphore, #tpu.memory_space<semaphore_mem>>) src(%dma_wait3A_194 : memref<100000x384xf32, #tpu.memory_space<hbm>>) dst(%arg12 : memref<50x384xf32, #tpu.memory_space<vmem>>)
      %dma_start3A_197 = arith.constant 1 : i32
      %dma_start3A_198 = arith.constant 0 : i32
      %dma_start3A_199 = tpu.memref_slice %arg10[%add3A_187, %dma_start3A_198] : memref<32x50xi32, #tpu.memory_space<vmem>> -> memref<1x50xi32, #tpu.memory_space<vmem>>
      %dma_start3A_200 = tpu.memref_squeeze %dma_start3A_199 : memref<1x50xi32, #tpu.memory_space<vmem>> -> memref<50xi32, #tpu.memory_space<vmem>>
      %dma_start3A_201 = arith.constant 0 : i32
      %dma_start3A_202 = arith.constant 0 : i32
      %dma_start3A_203 = tpu.memref_slice %arg6[%dma_start3A_201, %dma_start3A_202] : memref<51200x384xf32, #tpu.memory_space<hbm>> -> memref<51200x384xf32, #tpu.memory_space<hbm>>
      %dma_start3A_204 = tpu.memref_slice %arg16[%dma_start3A_197] : memref<4x!tpu.dma_semaphore, #tpu.memory_space<semaphore_mem>> -> memref<1x!tpu.dma_semaphore, #tpu.memory_space<semaphore_mem>>
      %dma_start3A_205 = tpu.memref_squeeze %dma_start3A_204 : memref<1x!tpu.dma_semaphore, #tpu.memory_space<semaphore_mem>> -> memref<!tpu.dma_semaphore, #tpu.memory_space<semaphore_mem>>
      tpu.enqueue_indirect_dma source(%arg12 : memref<50x384xf32, #tpu.memory_space<vmem>>) target(%dma_start3A_203 : memref<51200x384xf32, #tpu.memory_space<hbm>>) offsets(%dma_start3A_200 : memref<50xi32, #tpu.memory_space<vmem>>) semaphore(%dma_start3A_205 : memref<!tpu.dma_semaphore, #tpu.memory_space<semaphore_mem>>)
      %add3A_206 = arith.constant 4 : i32
      %add3A_207 = arith.addi %add3A_187, %add3A_206 : i32
      %sub3A_208 = arith.constant 1 : i32
      %sub3A_209 = arith.subi %add3A_207, %sub3A_208 : i32
      %ge3A_210 = arith.constant 1 : i32
      %ge3A_211 = arith.cmpi sge, %add3A_187, %ge3A_210 : i32
      %lt3A_212 = arith.constant 32 : i32
      %lt3A_213 = arith.cmpi slt, %sub3A_209, %lt3A_212 : i32
      %and3A_214 = arith.andi %ge3A_211, %lt3A_213 : i1
      %convert_element_type3A_215 = arith.extui %and3A_214 : i1 to i32
      %cond3A_216 = arith.constant 0 : i32
      %cond3A_217 = arith.cmpi ne, %convert_element_type3A_215, %cond3A_216 : i32
      scf.if %cond3A_217 {
        %sub3A_301 = arith.constant 1 : i32
        %sub3A_302 = arith.subi %add3A_187, %sub3A_301 : i32
        %dma_wait3A_303 = arith.constant 0 : i32
        %dma_wait3A_304 = arith.constant 0 : i32
        %dma_wait3A_305 = tpu.memref_slice %arg10[%sub3A_302, %dma_wait3A_304] : memref<32x50xi32, #tpu.memory_space<vmem>> -> memref<1x50xi32, #tpu.memory_space<vmem>>
        %dma_wait3A_306 = tpu.memref_squeeze %dma_wait3A_305 : memref<1x50xi32, #tpu.memory_space<vmem>> -> memref<50xi32, #tpu.memory_space<vmem>>
        %dma_wait3A_307 = arith.constant 0 : i32
        %dma_wait3A_308 = arith.constant 0 : i32
        %dma_wait3A_309 = tpu.memref_slice %arg6[%dma_wait3A_307, %dma_wait3A_308] : memref<51200x384xf32, #tpu.memory_space<hbm>> -> memref<51200x384xf32, #tpu.memory_space<hbm>>
        %dma_wait3A_310 = tpu.memref_slice %arg16[%dma_wait3A_303] : memref<4x!tpu.dma_semaphore, #tpu.memory_space<semaphore_mem>> -> memref<1x!tpu.dma_semaphore, #tpu.memory_space<semaphore_mem>>
        %dma_wait3A_311 = tpu.memref_squeeze %dma_wait3A_310 : memref<1x!tpu.dma_semaphore, #tpu.memory_space<semaphore_mem>> -> memref<!tpu.dma_semaphore, #tpu.memory_space<semaphore_mem>>
        tpu.wait_indirect_dma semaphore(%dma_wait3A_311 : memref<!tpu.dma_semaphore, #tpu.memory_space<semaphore_mem>>) src(%arg11 : memref<50x384xf32, #tpu.memory_space<vmem>>) dst(%dma_wait3A_309 : memref<51200x384xf32, #tpu.memory_space<hbm>>)
      } else {
      }
      %lt3A_218 = arith.constant 32 : i32
      %lt3A_219 = arith.cmpi slt, %sub3A_209, %lt3A_218 : i32
      %convert_element_type3A_220 = arith.extui %lt3A_219 : i1 to i32
      %cond3A_221 = arith.constant 0 : i32
      %cond3A_222 = arith.cmpi ne, %convert_element_type3A_220, %cond3A_221 : i32
      scf.if %cond3A_222 {
        %dma_start3A_301 = arith.constant 0 : i32
        %dma_start3A_302 = arith.constant 0 : i32
        %dma_start3A_303 = tpu.memref_slice %arg8[%sub3A_209, %dma_start3A_302] : memref<32x50xi32, #tpu.memory_space<vmem>> -> memref<1x50xi32, #tpu.memory_space<vmem>>
        %dma_start3A_304 = tpu.memref_squeeze %dma_start3A_303 : memref<1x50xi32, #tpu.memory_space<vmem>> -> memref<50xi32, #tpu.memory_space<vmem>>
        %dma_start3A_305 = arith.constant 0 : i32
        %dma_start3A_306 = arith.constant 0 : i32
        %dma_start3A_307 = tpu.memref_slice %arg2[%dma_start3A_305, %dma_start3A_306] : memref<100000x384xf32, #tpu.memory_space<hbm>> -> memref<100000x384xf32, #tpu.memory_space<hbm>>
        %dma_start3A_308 = tpu.memref_slice %arg15[%dma_start3A_301] : memref<4x!tpu.dma_semaphore, #tpu.memory_space<semaphore_mem>> -> memref<1x!tpu.dma_semaphore, #tpu.memory_space<semaphore_mem>>
        %dma_start3A_309 = tpu.memref_squeeze %dma_start3A_308 : memref<1x!tpu.dma_semaphore, #tpu.memory_space<semaphore_mem>> -> memref<!tpu.dma_semaphore, #tpu.memory_space<semaphore_mem>>
        tpu.enqueue_indirect_dma source(%dma_start3A_307 : memref<100000x384xf32, #tpu.memory_space<hbm>>) target(%arg11 : memref<50x384xf32, #tpu.memory_space<vmem>>) offsets(%dma_start3A_304 : memref<50xi32, #tpu.memory_space<vmem>>) semaphore(%dma_start3A_309 : memref<!tpu.dma_semaphore, #tpu.memory_space<semaphore_mem>>)
      } else {
      }
      %mul3A_223 = arith.constant 4 : i32
      %mul3A_224 = arith.muli %mul3A_223, %scan3A_150 : i32
      %add3A_225 = arith.constant 2 : i32
      %add3A_226 = arith.addi %mul3A_224, %add3A_225 : i32
      %dma_wait3A_227 = arith.constant 2 : i32
      %dma_wait3A_228 = arith.constant 0 : i32
      %dma_wait3A_229 = tpu.memref_slice %arg8[%add3A_226, %dma_wait3A_228] : memref<32x50xi32, #tpu.memory_space<vmem>> -> memref<1x50xi32, #tpu.memory_space<vmem>>
      %dma_wait3A_230 = tpu.memref_squeeze %dma_wait3A_229 : memref<1x50xi32, #tpu.memory_space<vmem>> -> memref<50xi32, #tpu.memory_space<vmem>>
      %dma_wait3A_231 = arith.constant 0 : i32
      %dma_wait3A_232 = arith.constant 0 : i32
      %dma_wait3A_233 = tpu.memref_slice %arg2[%dma_wait3A_231, %dma_wait3A_232] : memref<100000x384xf32, #tpu.memory_space<hbm>> -> memref<100000x384xf32, #tpu.memory_space<hbm>>
      %dma_wait3A_234 = tpu.memref_slice %arg15[%dma_wait3A_227] : memref<4x!tpu.dma_semaphore, #tpu.memory_space<semaphore_mem>> -> memref<1x!tpu.dma_semaphore, #tpu.memory_space<semaphore_mem>>
      %dma_wait3A_235 = tpu.memref_squeeze %dma_wait3A_234 : memref<1x!tpu.dma_semaphore, #tpu.memory_space<semaphore_mem>> -> memref<!tpu.dma_semaphore, #tpu.memory_space<semaphore_mem>>
      tpu.wait_indirect_dma semaphore(%dma_wait3A_235 : memref<!tpu.dma_semaphore, #tpu.memory_space<semaphore_mem>>) src(%dma_wait3A_233 : memref<100000x384xf32, #tpu.memory_space<hbm>>) dst(%arg13 : memref<50x384xf32, #tpu.memory_space<vmem>>)
      %dma_start3A_236 = arith.constant 2 : i32
      %dma_start3A_237 = arith.constant 0 : i32
      %dma_start3A_238 = tpu.memref_slice %arg10[%add3A_226, %dma_start3A_237] : memref<32x50xi32, #tpu.memory_space<vmem>> -> memref<1x50xi32, #tpu.memory_space<vmem>>
      %dma_start3A_239 = tpu.memref_squeeze %dma_start3A_238 : memref<1x50xi32, #tpu.memory_space<vmem>> -> memref<50xi32, #tpu.memory_space<vmem>>
      %dma_start3A_240 = arith.constant 0 : i32
      %dma_start3A_241 = arith.constant 0 : i32
      %dma_start3A_242 = tpu.memref_slice %arg6[%dma_start3A_240, %dma_start3A_241] : memref<51200x384xf32, #tpu.memory_space<hbm>> -> memref<51200x384xf32, #tpu.memory_space<hbm>>
      %dma_start3A_243 = tpu.memref_slice %arg16[%dma_start3A_236] : memref<4x!tpu.dma_semaphore, #tpu.memory_space<semaphore_mem>> -> memref<1x!tpu.dma_semaphore, #tpu.memory_space<semaphore_mem>>
      %dma_start3A_244 = tpu.memref_squeeze %dma_start3A_243 : memref<1x!tpu.dma_semaphore, #tpu.memory_space<semaphore_mem>> -> memref<!tpu.dma_semaphore, #tpu.memory_space<semaphore_mem>>
      tpu.enqueue_indirect_dma source(%arg13 : memref<50x384xf32, #tpu.memory_space<vmem>>) target(%dma_start3A_242 : memref<51200x384xf32, #tpu.memory_space<hbm>>) offsets(%dma_start3A_239 : memref<50xi32, #tpu.memory_space<vmem>>) semaphore(%dma_start3A_244 : memref<!tpu.dma_semaphore, #tpu.memory_space<semaphore_mem>>)
      %add3A_245 = arith.constant 4 : i32
      %add3A_246 = arith.addi %add3A_226, %add3A_245 : i32
      %sub3A_247 = arith.constant 1 : i32
      %sub3A_248 = arith.subi %add3A_246, %sub3A_247 : i32
      %ge3A_249 = arith.constant 1 : i32
      %ge3A_250 = arith.cmpi sge, %add3A_226, %ge3A_249 : i32
      %lt3A_251 = arith.constant 32 : i32
      %lt3A_252 = arith.cmpi slt, %sub3A_248, %lt3A_251 : i32
      %and3A_253 = arith.andi %ge3A_250, %lt3A_252 : i1
      %convert_element_type3A_254 = arith.extui %and3A_253 : i1 to i32
      %cond3A_255 = arith.constant 0 : i32
      %cond3A_256 = arith.cmpi ne, %convert_element_type3A_254, %cond3A_255 : i32
      scf.if %cond3A_256 {
        %sub3A_301 = arith.constant 1 : i32
        %sub3A_302 = arith.subi %add3A_226, %sub3A_301 : i32
        %dma_wait3A_303 = arith.constant 1 : i32
        %dma_wait3A_304 = arith.constant 0 : i32
        %dma_wait3A_305 = tpu.memref_slice %arg10[%sub3A_302, %dma_wait3A_304] : memref<32x50xi32, #tpu.memory_space<vmem>> -> memref<1x50xi32, #tpu.memory_space<vmem>>
        %dma_wait3A_306 = tpu.memref_squeeze %dma_wait3A_305 : memref<1x50xi32, #tpu.memory_space<vmem>> -> memref<50xi32, #tpu.memory_space<vmem>>
        %dma_wait3A_307 = arith.constant 0 : i32
        %dma_wait3A_308 = arith.constant 0 : i32
        %dma_wait3A_309 = tpu.memref_slice %arg6[%dma_wait3A_307, %dma_wait3A_308] : memref<51200x384xf32, #tpu.memory_space<hbm>> -> memref<51200x384xf32, #tpu.memory_space<hbm>>
        %dma_wait3A_310 = tpu.memref_slice %arg16[%dma_wait3A_303] : memref<4x!tpu.dma_semaphore, #tpu.memory_space<semaphore_mem>> -> memref<1x!tpu.dma_semaphore, #tpu.memory_space<semaphore_mem>>
        %dma_wait3A_311 = tpu.memref_squeeze %dma_wait3A_310 : memref<1x!tpu.dma_semaphore, #tpu.memory_space<semaphore_mem>> -> memref<!tpu.dma_semaphore, #tpu.memory_space<semaphore_mem>>
        tpu.wait_indirect_dma semaphore(%dma_wait3A_311 : memref<!tpu.dma_semaphore, #tpu.memory_space<semaphore_mem>>) src(%arg12 : memref<50x384xf32, #tpu.memory_space<vmem>>) dst(%dma_wait3A_309 : memref<51200x384xf32, #tpu.memory_space<hbm>>)
      } else {
      }
      %lt3A_257 = arith.constant 32 : i32
      %lt3A_258 = arith.cmpi slt, %sub3A_248, %lt3A_257 : i32
      %convert_element_type3A_259 = arith.extui %lt3A_258 : i1 to i32
      %cond3A_260 = arith.constant 0 : i32
      %cond3A_261 = arith.cmpi ne, %convert_element_type3A_259, %cond3A_260 : i32
      scf.if %cond3A_261 {
        %dma_start3A_301 = arith.constant 1 : i32
        %dma_start3A_302 = arith.constant 0 : i32
        %dma_start3A_303 = tpu.memref_slice %arg8[%sub3A_248, %dma_start3A_302] : memref<32x50xi32, #tpu.memory_space<vmem>> -> memref<1x50xi32, #tpu.memory_space<vmem>>
        %dma_start3A_304 = tpu.memref_squeeze %dma_start3A_303 : memref<1x50xi32, #tpu.memory_space<vmem>> -> memref<50xi32, #tpu.memory_space<vmem>>
        %dma_start3A_305 = arith.constant 0 : i32
        %dma_start3A_306 = arith.constant 0 : i32
        %dma_start3A_307 = tpu.memref_slice %arg2[%dma_start3A_305, %dma_start3A_306] : memref<100000x384xf32, #tpu.memory_space<hbm>> -> memref<100000x384xf32, #tpu.memory_space<hbm>>
        %dma_start3A_308 = tpu.memref_slice %arg15[%dma_start3A_301] : memref<4x!tpu.dma_semaphore, #tpu.memory_space<semaphore_mem>> -> memref<1x!tpu.dma_semaphore, #tpu.memory_space<semaphore_mem>>
        %dma_start3A_309 = tpu.memref_squeeze %dma_start3A_308 : memref<1x!tpu.dma_semaphore, #tpu.memory_space<semaphore_mem>> -> memref<!tpu.dma_semaphore, #tpu.memory_space<semaphore_mem>>
        tpu.enqueue_indirect_dma source(%dma_start3A_307 : memref<100000x384xf32, #tpu.memory_space<hbm>>) target(%arg12 : memref<50x384xf32, #tpu.memory_space<vmem>>) offsets(%dma_start3A_304 : memref<50xi32, #tpu.memory_space<vmem>>) semaphore(%dma_start3A_309 : memref<!tpu.dma_semaphore, #tpu.memory_space<semaphore_mem>>)
      } else {
      }
      %mul3A_262 = arith.constant 4 : i32
      %mul3A_263 = arith.muli %mul3A_262, %scan3A_150 : i32
      %add3A_264 = arith.constant 3 : i32
      %add3A_265 = arith.addi %mul3A_263, %add3A_264 : i32
      %dma_wait3A_266 = arith.constant 3 : i32
      %dma_wait3A_267 = arith.constant 0 : i32
      %dma_wait3A_268 = tpu.memref_slice %arg8[%add3A_265, %dma_wait3A_267] : memref<32x50xi32, #tpu.memory_space<vmem>> -> memref<1x50xi32, #tpu.memory_space<vmem>>
      %dma_wait3A_269 = tpu.memref_squeeze %dma_wait3A_268 : memref<1x50xi32, #tpu.memory_space<vmem>> -> memref<50xi32, #tpu.memory_space<vmem>>
      %dma_wait3A_270 = arith.constant 0 : i32
      %dma_wait3A_271 = arith.constant 0 : i32
      %dma_wait3A_272 = tpu.memref_slice %arg2[%dma_wait3A_270, %dma_wait3A_271] : memref<100000x384xf32, #tpu.memory_space<hbm>> -> memref<100000x384xf32, #tpu.memory_space<hbm>>
      %dma_wait3A_273 = tpu.memref_slice %arg15[%dma_wait3A_266] : memref<4x!tpu.dma_semaphore, #tpu.memory_space<semaphore_mem>> -> memref<1x!tpu.dma_semaphore, #tpu.memory_space<semaphore_mem>>
      %dma_wait3A_274 = tpu.memref_squeeze %dma_wait3A_273 : memref<1x!tpu.dma_semaphore, #tpu.memory_space<semaphore_mem>> -> memref<!tpu.dma_semaphore, #tpu.memory_space<semaphore_mem>>
      tpu.wait_indirect_dma semaphore(%dma_wait3A_274 : memref<!tpu.dma_semaphore, #tpu.memory_space<semaphore_mem>>) src(%dma_wait3A_272 : memref<100000x384xf32, #tpu.memory_space<hbm>>) dst(%arg14 : memref<50x384xf32, #tpu.memory_space<vmem>>)
      %dma_start3A_275 = arith.constant 3 : i32
      %dma_start3A_276 = arith.constant 0 : i32
      %dma_start3A_277 = tpu.memref_slice %arg10[%add3A_265, %dma_start3A_276] : memref<32x50xi32, #tpu.memory_space<vmem>> -> memref<1x50xi32, #tpu.memory_space<vmem>>
      %dma_start3A_278 = tpu.memref_squeeze %dma_start3A_277 : memref<1x50xi32, #tpu.memory_space<vmem>> -> memref<50xi32, #tpu.memory_space<vmem>>
      %dma_start3A_279 = arith.constant 0 : i32
      %dma_start3A_280 = arith.constant 0 : i32
      %dma_start3A_281 = tpu.memref_slice %arg6[%dma_start3A_279, %dma_start3A_280] : memref<51200x384xf32, #tpu.memory_space<hbm>> -> memref<51200x384xf32, #tpu.memory_space<hbm>>
      %dma_start3A_282 = tpu.memref_slice %arg16[%dma_start3A_275] : memref<4x!tpu.dma_semaphore, #tpu.memory_space<semaphore_mem>> -> memref<1x!tpu.dma_semaphore, #tpu.memory_space<semaphore_mem>>
      %dma_start3A_283 = tpu.memref_squeeze %dma_start3A_282 : memref<1x!tpu.dma_semaphore, #tpu.memory_space<semaphore_mem>> -> memref<!tpu.dma_semaphore, #tpu.memory_space<semaphore_mem>>
      tpu.enqueue_indirect_dma source(%arg14 : memref<50x384xf32, #tpu.memory_space<vmem>>) target(%dma_start3A_281 : memref<51200x384xf32, #tpu.memory_space<hbm>>) offsets(%dma_start3A_278 : memref<50xi32, #tpu.memory_space<vmem>>) semaphore(%dma_start3A_283 : memref<!tpu.dma_semaphore, #tpu.memory_space<semaphore_mem>>)
      %add3A_284 = arith.constant 4 : i32
      %add3A_285 = arith.addi %add3A_265, %add3A_284 : i32
      %sub3A_286 = arith.constant 1 : i32
      %sub3A_287 = arith.subi %add3A_285, %sub3A_286 : i32
      %ge3A_288 = arith.constant 1 : i32
      %ge3A_289 = arith.cmpi sge, %add3A_265, %ge3A_288 : i32
      %lt3A_290 = arith.constant 32 : i32
      %lt3A_291 = arith.cmpi slt, %sub3A_287, %lt3A_290 : i32
      %and3A_292 = arith.andi %ge3A_289, %lt3A_291 : i1
      %convert_element_type3A_293 = arith.extui %and3A_292 : i1 to i32
      %cond3A_294 = arith.constant 0 : i32
      %cond3A_295 = arith.cmpi ne, %convert_element_type3A_293, %cond3A_294 : i32
      scf.if %cond3A_295 {
        %sub3A_301 = arith.constant 1 : i32
        %sub3A_302 = arith.subi %add3A_265, %sub3A_301 : i32
        %dma_wait3A_303 = arith.constant 2 : i32
        %dma_wait3A_304 = arith.constant 0 : i32
        %dma_wait3A_305 = tpu.memref_slice %arg10[%sub3A_302, %dma_wait3A_304] : memref<32x50xi32, #tpu.memory_space<vmem>> -> memref<1x50xi32, #tpu.memory_space<vmem>>
        %dma_wait3A_306 = tpu.memref_squeeze %dma_wait3A_305 : memref<1x50xi32, #tpu.memory_space<vmem>> -> memref<50xi32, #tpu.memory_space<vmem>>
        %dma_wait3A_307 = arith.constant 0 : i32
        %dma_wait3A_308 = arith.constant 0 : i32
        %dma_wait3A_309 = tpu.memref_slice %arg6[%dma_wait3A_307, %dma_wait3A_308] : memref<51200x384xf32, #tpu.memory_space<hbm>> -> memref<51200x384xf32, #tpu.memory_space<hbm>>
        %dma_wait3A_310 = tpu.memref_slice %arg16[%dma_wait3A_303] : memref<4x!tpu.dma_semaphore, #tpu.memory_space<semaphore_mem>> -> memref<1x!tpu.dma_semaphore, #tpu.memory_space<semaphore_mem>>
        %dma_wait3A_311 = tpu.memref_squeeze %dma_wait3A_310 : memref<1x!tpu.dma_semaphore, #tpu.memory_space<semaphore_mem>> -> memref<!tpu.dma_semaphore, #tpu.memory_space<semaphore_mem>>
        tpu.wait_indirect_dma semaphore(%dma_wait3A_311 : memref<!tpu.dma_semaphore, #tpu.memory_space<semaphore_mem>>) src(%arg13 : memref<50x384xf32, #tpu.memory_space<vmem>>) dst(%dma_wait3A_309 : memref<51200x384xf32, #tpu.memory_space<hbm>>)
      } else {
      }
      %lt3A_296 = arith.constant 32 : i32
      %lt3A_297 = arith.cmpi slt, %sub3A_287, %lt3A_296 : i32
      %convert_element_type3A_298 = arith.extui %lt3A_297 : i1 to i32
      %cond3A_299 = arith.constant 0 : i32
      %cond3A_300 = arith.cmpi ne, %convert_element_type3A_298, %cond3A_299 : i32
      scf.if %cond3A_300 {
        %dma_start3A_301 = arith.constant 2 : i32
        %dma_start3A_302 = arith.constant 0 : i32
        %dma_start3A_303 = tpu.memref_slice %arg8[%sub3A_287, %dma_start3A_302] : memref<32x50xi32, #tpu.memory_space<vmem>> -> memref<1x50xi32, #tpu.memory_space<vmem>>
        %dma_start3A_304 = tpu.memref_squeeze %dma_start3A_303 : memref<1x50xi32, #tpu.memory_space<vmem>> -> memref<50xi32, #tpu.memory_space<vmem>>
        %dma_start3A_305 = arith.constant 0 : i32
        %dma_start3A_306 = arith.constant 0 : i32
        %dma_start3A_307 = tpu.memref_slice %arg2[%dma_start3A_305, %dma_start3A_306] : memref<100000x384xf32, #tpu.memory_space<hbm>> -> memref<100000x384xf32, #tpu.memory_space<hbm>>
        %dma_start3A_308 = tpu.memref_slice %arg15[%dma_start3A_301] : memref<4x!tpu.dma_semaphore, #tpu.memory_space<semaphore_mem>> -> memref<1x!tpu.dma_semaphore, #tpu.memory_space<semaphore_mem>>
        %dma_start3A_309 = tpu.memref_squeeze %dma_start3A_308 : memref<1x!tpu.dma_semaphore, #tpu.memory_space<semaphore_mem>> -> memref<!tpu.dma_semaphore, #tpu.memory_space<semaphore_mem>>
        tpu.enqueue_indirect_dma source(%dma_start3A_307 : memref<100000x384xf32, #tpu.memory_space<hbm>>) target(%arg13 : memref<50x384xf32, #tpu.memory_space<vmem>>) offsets(%dma_start3A_304 : memref<50xi32, #tpu.memory_space<vmem>>) semaphore(%dma_start3A_309 : memref<!tpu.dma_semaphore, #tpu.memory_space<semaphore_mem>>)
      } else {
      }
    }
    %scan3A_34 = arith.constant 8 : i32
    %dma_wait3A = arith.constant 28 : i32
    %dma_wait3A_35 = arith.constant 0 : i32
    %dma_wait3A_36 = arith.constant 0 : i32
    %dma_wait3A_37 = tpu.memref_slice %arg10[%dma_wait3A, %dma_wait3A_36] : memref<32x50xi32, #tpu.memory_space<vmem>> -> memref<1x50xi32, #tpu.memory_space<vmem>>
    %dma_wait3A_38 = tpu.memref_squeeze %dma_wait3A_37 : memref<1x50xi32, #tpu.memory_space<vmem>> -> memref<50xi32, #tpu.memory_space<vmem>>
    %dma_wait3A_39 = arith.constant 0 : i32
    %dma_wait3A_40 = arith.constant 0 : i32
    %dma_wait3A_41 = tpu.memref_slice %arg6[%dma_wait3A_39, %dma_wait3A_40] : memref<51200x384xf32, #tpu.memory_space<hbm>> -> memref<51200x384xf32, #tpu.memory_space<hbm>>
    %dma_wait3A_42 = tpu.memref_slice %arg16[%dma_wait3A_35] : memref<4x!tpu.dma_semaphore, #tpu.memory_space<semaphore_mem>> -> memref<1x!tpu.dma_semaphore, #tpu.memory_space<semaphore_mem>>
    %dma_wait3A_43 = tpu.memref_squeeze %dma_wait3A_42 : memref<1x!tpu.dma_semaphore, #tpu.memory_space<semaphore_mem>> -> memref<!tpu.dma_semaphore, #tpu.memory_space<semaphore_mem>>
    tpu.wait_indirect_dma semaphore(%dma_wait3A_43 : memref<!tpu.dma_semaphore, #tpu.memory_space<semaphore_mem>>) src(%arg11 : memref<50x384xf32, #tpu.memory_space<vmem>>) dst(%dma_wait3A_41 : memref<51200x384xf32, #tpu.memory_space<hbm>>)
    %dma_wait3A_44 = arith.constant 29 : i32
    %dma_wait3A_45 = arith.constant 1 : i32
    %dma_wait3A_46 = arith.constant 0 : i32
    %dma_wait3A_47 = tpu.memref_slice %arg10[%dma_wait3A_44, %dma_wait3A_46] : memref<32x50xi32, #tpu.memory_space<vmem>> -> memref<1x50xi32, #tpu.memory_space<vmem>>
    %dma_wait3A_48 = tpu.memref_squeeze %dma_wait3A_47 : memref<1x50xi32, #tpu.memory_space<vmem>> -> memref<50xi32, #tpu.memory_space<vmem>>
    %dma_wait3A_49 = arith.constant 0 : i32
    %dma_wait3A_50 = arith.constant 0 : i32
    %dma_wait3A_51 = tpu.memref_slice %arg6[%dma_wait3A_49, %dma_wait3A_50] : memref<51200x384xf32, #tpu.memory_space<hbm>> -> memref<51200x384xf32, #tpu.memory_space<hbm>>
    %dma_wait3A_52 = tpu.memref_slice %arg16[%dma_wait3A_45] : memref<4x!tpu.dma_semaphore, #tpu.memory_space<semaphore_mem>> -> memref<1x!tpu.dma_semaphore, #tpu.memory_space<semaphore_mem>>
    %dma_wait3A_53 = tpu.memref_squeeze %dma_wait3A_52 : memref<1x!tpu.dma_semaphore, #tpu.memory_space<semaphore_mem>> -> memref<!tpu.dma_semaphore, #tpu.memory_space<semaphore_mem>>
    tpu.wait_indirect_dma semaphore(%dma_wait3A_53 : memref<!tpu.dma_semaphore, #tpu.memory_space<semaphore_mem>>) src(%arg12 : memref<50x384xf32, #tpu.memory_space<vmem>>) dst(%dma_wait3A_51 : memref<51200x384xf32, #tpu.memory_space<hbm>>)
    %dma_wait3A_54 = arith.constant 30 : i32
    %dma_wait3A_55 = arith.constant 2 : i32
    %dma_wait3A_56 = arith.constant 0 : i32
    %dma_wait3A_57 = tpu.memref_slice %arg10[%dma_wait3A_54, %dma_wait3A_56] : memref<32x50xi32, #tpu.memory_space<vmem>> -> memref<1x50xi32, #tpu.memory_space<vmem>>
    %dma_wait3A_58 = tpu.memref_squeeze %dma_wait3A_57 : memref<1x50xi32, #tpu.memory_space<vmem>> -> memref<50xi32, #tpu.memory_space<vmem>>
    %dma_wait3A_59 = arith.constant 0 : i32
    %dma_wait3A_60 = arith.constant 0 : i32
    %dma_wait3A_61 = tpu.memref_slice %arg6[%dma_wait3A_59, %dma_wait3A_60] : memref<51200x384xf32, #tpu.memory_space<hbm>> -> memref<51200x384xf32, #tpu.memory_space<hbm>>
    %dma_wait3A_62 = tpu.memref_slice %arg16[%dma_wait3A_55] : memref<4x!tpu.dma_semaphore, #tpu.memory_space<semaphore_mem>> -> memref<1x!tpu.dma_semaphore, #tpu.memory_space<semaphore_mem>>
    %dma_wait3A_63 = tpu.memref_squeeze %dma_wait3A_62 : memref<1x!tpu.dma_semaphore, #tpu.memory_space<semaphore_mem>> -> memref<!tpu.dma_semaphore, #tpu.memory_space<semaphore_mem>>
    tpu.wait_indirect_dma semaphore(%dma_wait3A_63 : memref<!tpu.dma_semaphore, #tpu.memory_space<semaphore_mem>>) src(%arg13 : memref<50x384xf32, #tpu.memory_space<vmem>>) dst(%dma_wait3A_61 : memref<51200x384xf32, #tpu.memory_space<hbm>>)
    %dma_wait3A_64 = arith.constant 31 : i32
    %dma_wait3A_65 = arith.constant 3 : i32
    %dma_wait3A_66 = arith.constant 0 : i32
    %dma_wait3A_67 = tpu.memref_slice %arg10[%dma_wait3A_64, %dma_wait3A_66] : memref<32x50xi32, #tpu.memory_space<vmem>> -> memref<1x50xi32, #tpu.memory_space<vmem>>
    %dma_wait3A_68 = tpu.memref_squeeze %dma_wait3A_67 : memref<1x50xi32, #tpu.memory_space<vmem>> -> memref<50xi32, #tpu.memory_space<vmem>>
    %dma_wait3A_69 = arith.constant 0 : i32
    %dma_wait3A_70 = arith.constant 0 : i32
    %dma_wait3A_71 = tpu.memref_slice %arg6[%dma_wait3A_69, %dma_wait3A_70] : memref<51200x384xf32, #tpu.memory_space<hbm>> -> memref<51200x384xf32, #tpu.memory_space<hbm>>
    %dma_wait3A_72 = tpu.memref_slice %arg16[%dma_wait3A_65] : memref<4x!tpu.dma_semaphore, #tpu.memory_space<semaphore_mem>> -> memref<1x!tpu.dma_semaphore, #tpu.memory_space<semaphore_mem>>
    %dma_wait3A_73 = tpu.memref_squeeze %dma_wait3A_72 : memref<1x!tpu.dma_semaphore, #tpu.memory_space<semaphore_mem>> -> memref<!tpu.dma_semaphore, #tpu.memory_space<semaphore_mem>>
    tpu.wait_indirect_dma semaphore(%dma_wait3A_73 : memref<!tpu.dma_semaphore, #tpu.memory_space<semaphore_mem>>) src(%arg14 : memref<50x384xf32, #tpu.memory_space<vmem>>) dst(%dma_wait3A_71 : memref<51200x384xf32, #tpu.memory_space<hbm>>)
    %dma_start3A_74 = arith.constant 0 : i32
    %dma_start3A_75 = arith.constant 0 : i32
    %dma_start3A_76 = arith.constant 0 : i32
    %dma_start3A_77 = tpu.memref_slice %arg9[%dma_start3A_74, %dma_start3A_76] : memref<32x50xi32, #tpu.memory_space<vmem>> -> memref<1x50xi32, #tpu.memory_space<vmem>>
    %dma_start3A_78 = tpu.memref_squeeze %dma_start3A_77 : memref<1x50xi32, #tpu.memory_space<vmem>> -> memref<50xi32, #tpu.memory_space<vmem>>
    %dma_start3A_79 = arith.constant 0 : i32
    %dma_start3A_80 = arith.constant 0 : i32
    %dma_start3A_81 = tpu.memref_slice %arg2[%dma_start3A_79, %dma_start3A_80] : memref<100000x384xf32, #tpu.memory_space<hbm>> -> memref<100000x384xf32, #tpu.memory_space<hbm>>
    %dma_start3A_82 = tpu.memref_slice %arg15[%dma_start3A_75] : memref<4x!tpu.dma_semaphore, #tpu.memory_space<semaphore_mem>> -> memref<1x!tpu.dma_semaphore, #tpu.memory_space<semaphore_mem>>
    %dma_start3A_83 = tpu.memref_squeeze %dma_start3A_82 : memref<1x!tpu.dma_semaphore, #tpu.memory_space<semaphore_mem>> -> memref<!tpu.dma_semaphore, #tpu.memory_space<semaphore_mem>>
    tpu.enqueue_indirect_dma source(%dma_start3A_81 : memref<100000x384xf32, #tpu.memory_space<hbm>>) target(%arg11 : memref<50x384xf32, #tpu.memory_space<vmem>>) offsets(%dma_start3A_78 : memref<50xi32, #tpu.memory_space<vmem>>) semaphore(%dma_start3A_83 : memref<!tpu.dma_semaphore, #tpu.memory_space<semaphore_mem>>)
    %dma_start3A_84 = arith.constant 1 : i32
    %dma_start3A_85 = arith.constant 1 : i32
    %dma_start3A_86 = arith.constant 0 : i32
    %dma_start3A_87 = tpu.memref_slice %arg9[%dma_start3A_84, %dma_start3A_86] : memref<32x50xi32, #tpu.memory_space<vmem>> -> memref<1x50xi32, #tpu.memory_space<vmem>>
    %dma_start3A_88 = tpu.memref_squeeze %dma_start3A_87 : memref<1x50xi32, #tpu.memory_space<vmem>> -> memref<50xi32, #tpu.memory_space<vmem>>
    %dma_start3A_89 = arith.constant 0 : i32
    %dma_start3A_90 = arith.constant 0 : i32
    %dma_start3A_91 = tpu.memref_slice %arg2[%dma_start3A_89, %dma_start3A_90] : memref<100000x384xf32, #tpu.memory_space<hbm>> -> memref<100000x384xf32, #tpu.memory_space<hbm>>
    %dma_start3A_92 = tpu.memref_slice %arg15[%dma_start3A_85] : memref<4x!tpu.dma_semaphore, #tpu.memory_space<semaphore_mem>> -> memref<1x!tpu.dma_semaphore, #tpu.memory_space<semaphore_mem>>
    %dma_start3A_93 = tpu.memref_squeeze %dma_start3A_92 : memref<1x!tpu.dma_semaphore, #tpu.memory_space<semaphore_mem>> -> memref<!tpu.dma_semaphore, #tpu.memory_space<semaphore_mem>>
    tpu.enqueue_indirect_dma source(%dma_start3A_91 : memref<100000x384xf32, #tpu.memory_space<hbm>>) target(%arg12 : memref<50x384xf32, #tpu.memory_space<vmem>>) offsets(%dma_start3A_88 : memref<50xi32, #tpu.memory_space<vmem>>) semaphore(%dma_start3A_93 : memref<!tpu.dma_semaphore, #tpu.memory_space<semaphore_mem>>)
    %dma_start3A_94 = arith.constant 2 : i32
    %dma_start3A_95 = arith.constant 2 : i32
    %dma_start3A_96 = arith.constant 0 : i32
    %dma_start3A_97 = tpu.memref_slice %arg9[%dma_start3A_94, %dma_start3A_96] : memref<32x50xi32, #tpu.memory_space<vmem>> -> memref<1x50xi32, #tpu.memory_space<vmem>>
    %dma_start3A_98 = tpu.memref_squeeze %dma_start3A_97 : memref<1x50xi32, #tpu.memory_space<vmem>> -> memref<50xi32, #tpu.memory_space<vmem>>
    %dma_start3A_99 = arith.constant 0 : i32
    %dma_start3A_100 = arith.constant 0 : i32
    %dma_start3A_101 = tpu.memref_slice %arg2[%dma_start3A_99, %dma_start3A_100] : memref<100000x384xf32, #tpu.memory_space<hbm>> -> memref<100000x384xf32, #tpu.memory_space<hbm>>
    %dma_start3A_102 = tpu.memref_slice %arg15[%dma_start3A_95] : memref<4x!tpu.dma_semaphore, #tpu.memory_space<semaphore_mem>> -> memref<1x!tpu.dma_semaphore, #tpu.memory_space<semaphore_mem>>
    %dma_start3A_103 = tpu.memref_squeeze %dma_start3A_102 : memref<1x!tpu.dma_semaphore, #tpu.memory_space<semaphore_mem>> -> memref<!tpu.dma_semaphore, #tpu.memory_space<semaphore_mem>>
    tpu.enqueue_indirect_dma source(%dma_start3A_101 : memref<100000x384xf32, #tpu.memory_space<hbm>>) target(%arg13 : memref<50x384xf32, #tpu.memory_space<vmem>>) offsets(%dma_start3A_98 : memref<50xi32, #tpu.memory_space<vmem>>) semaphore(%dma_start3A_103 : memref<!tpu.dma_semaphore, #tpu.memory_space<semaphore_mem>>)
    %scan3A_104 = arith.constant 0 : i32
    %scan3A_105 = arith.constant 0 : i32
    %scan3A_106 = arith.constant 8 : i32
    %scan3A_107 = arith.addi %scan3A_105, %scan3A_106 : i32
    %scan3A_108 = arith.constant 1 : i32
    scf.for %scan3A_150 = %scan3A_105 to %scan3A_107 step %scan3A_108  : i32 {
      %mul3A_151 = arith.constant 4 : i32
      %mul3A_152 = arith.muli %mul3A_151, %scan3A_150 : i32
      %add3A_153 = arith.constant 0 : i32
      %add3A_154 = arith.addi %mul3A_152, %add3A_153 : i32
      %dma_wait3A_155 = arith.constant 0 : i32
      %dma_wait3A_156 = arith.constant 0 : i32
      %dma_wait3A_157 = tpu.memref_slice %arg9[%add3A_154, %dma_wait3A_156] : memref<32x50xi32, #tpu.memory_space<vmem>> -> memref<1x50xi32, #tpu.memory_space<vmem>>
      %dma_wait3A_158 = tpu.memref_squeeze %dma_wait3A_157 : memref<1x50xi32, #tpu.memory_space<vmem>> -> memref<50xi32, #tpu.memory_space<vmem>>
      %dma_wait3A_159 = arith.constant 0 : i32
      %dma_wait3A_160 = arith.constant 0 : i32
      %dma_wait3A_161 = tpu.memref_slice %arg2[%dma_wait3A_159, %dma_wait3A_160] : memref<100000x384xf32, #tpu.memory_space<hbm>> -> memref<100000x384xf32, #tpu.memory_space<hbm>>
      %dma_wait3A_162 = tpu.memref_slice %arg15[%dma_wait3A_155] : memref<4x!tpu.dma_semaphore, #tpu.memory_space<semaphore_mem>> -> memref<1x!tpu.dma_semaphore, #tpu.memory_space<semaphore_mem>>
      %dma_wait3A_163 = tpu.memref_squeeze %dma_wait3A_162 : memref<1x!tpu.dma_semaphore, #tpu.memory_space<semaphore_mem>> -> memref<!tpu.dma_semaphore, #tpu.memory_space<semaphore_mem>>
      tpu.wait_indirect_dma semaphore(%dma_wait3A_163 : memref<!tpu.dma_semaphore, #tpu.memory_space<semaphore_mem>>) src(%dma_wait3A_161 : memref<100000x384xf32, #tpu.memory_space<hbm>>) dst(%arg11 : memref<50x384xf32, #tpu.memory_space<vmem>>)
      %dma_start3A_164 = arith.constant 0 : i32
      %dma_start3A_165 = arith.constant 0 : i32
      %dma_start3A_166 = tpu.memref_slice %arg10[%add3A_154, %dma_start3A_165] : memref<32x50xi32, #tpu.memory_space<vmem>> -> memref<1x50xi32, #tpu.memory_space<vmem>>
      %dma_start3A_167 = tpu.memref_squeeze %dma_start3A_166 : memref<1x50xi32, #tpu.memory_space<vmem>> -> memref<50xi32, #tpu.memory_space<vmem>>
      %dma_start3A_168 = arith.constant 0 : i32
      %dma_start3A_169 = arith.constant 0 : i32
      %dma_start3A_170 = tpu.memref_slice %arg7[%dma_start3A_168, %dma_start3A_169] : memref<51200x384xf32, #tpu.memory_space<hbm>> -> memref<51200x384xf32, #tpu.memory_space<hbm>>
      %dma_start3A_171 = tpu.memref_slice %arg16[%dma_start3A_164] : memref<4x!tpu.dma_semaphore, #tpu.memory_space<semaphore_mem>> -> memref<1x!tpu.dma_semaphore, #tpu.memory_space<semaphore_mem>>
      %dma_start3A_172 = tpu.memref_squeeze %dma_start3A_171 : memref<1x!tpu.dma_semaphore, #tpu.memory_space<semaphore_mem>> -> memref<!tpu.dma_semaphore, #tpu.memory_space<semaphore_mem>>
      tpu.enqueue_indirect_dma source(%arg11 : memref<50x384xf32, #tpu.memory_space<vmem>>) target(%dma_start3A_170 : memref<51200x384xf32, #tpu.memory_space<hbm>>) offsets(%dma_start3A_167 : memref<50xi32, #tpu.memory_space<vmem>>) semaphore(%dma_start3A_172 : memref<!tpu.dma_semaphore, #tpu.memory_space<semaphore_mem>>)
      %add3A_173 = arith.constant 4 : i32
      %add3A_174 = arith.addi %add3A_154, %add3A_173 : i32
      %sub3A = arith.constant 1 : i32
      %sub3A_175 = arith.subi %add3A_174, %sub3A : i32
      %ge3A = arith.constant 1 : i32
      %ge3A_176 = arith.cmpi sge, %add3A_154, %ge3A : i32
      %lt3A = arith.constant 32 : i32
      %lt3A_177 = arith.cmpi slt, %sub3A_175, %lt3A : i32
      %and3A = arith.andi %ge3A_176, %lt3A_177 : i1
      %convert_element_type3A = arith.extui %and3A : i1 to i32
      %cond3A = arith.constant 0 : i32
      %cond3A_178 = arith.cmpi ne, %convert_element_type3A, %cond3A : i32
      scf.if %cond3A_178 {
        %sub3A_301 = arith.constant 1 : i32
        %sub3A_302 = arith.subi %add3A_154, %sub3A_301 : i32
        %dma_wait3A_303 = arith.constant 3 : i32
        %dma_wait3A_304 = arith.constant 0 : i32
        %dma_wait3A_305 = tpu.memref_slice %arg10[%sub3A_302, %dma_wait3A_304] : memref<32x50xi32, #tpu.memory_space<vmem>> -> memref<1x50xi32, #tpu.memory_space<vmem>>
        %dma_wait3A_306 = tpu.memref_squeeze %dma_wait3A_305 : memref<1x50xi32, #tpu.memory_space<vmem>> -> memref<50xi32, #tpu.memory_space<vmem>>
        %dma_wait3A_307 = arith.constant 0 : i32
        %dma_wait3A_308 = arith.constant 0 : i32
        %dma_wait3A_309 = tpu.memref_slice %arg7[%dma_wait3A_307, %dma_wait3A_308] : memref<51200x384xf32, #tpu.memory_space<hbm>> -> memref<51200x384xf32, #tpu.memory_space<hbm>>
        %dma_wait3A_310 = tpu.memref_slice %arg16[%dma_wait3A_303] : memref<4x!tpu.dma_semaphore, #tpu.memory_space<semaphore_mem>> -> memref<1x!tpu.dma_semaphore, #tpu.memory_space<semaphore_mem>>
        %dma_wait3A_311 = tpu.memref_squeeze %dma_wait3A_310 : memref<1x!tpu.dma_semaphore, #tpu.memory_space<semaphore_mem>> -> memref<!tpu.dma_semaphore, #tpu.memory_space<semaphore_mem>>
        tpu.wait_indirect_dma semaphore(%dma_wait3A_311 : memref<!tpu.dma_semaphore, #tpu.memory_space<semaphore_mem>>) src(%arg14 : memref<50x384xf32, #tpu.memory_space<vmem>>) dst(%dma_wait3A_309 : memref<51200x384xf32, #tpu.memory_space<hbm>>)
      } else {
      }
      %lt3A_179 = arith.constant 32 : i32
      %lt3A_180 = arith.cmpi slt, %sub3A_175, %lt3A_179 : i32
      %convert_element_type3A_181 = arith.extui %lt3A_180 : i1 to i32
      %cond3A_182 = arith.constant 0 : i32
      %cond3A_183 = arith.cmpi ne, %convert_element_type3A_181, %cond3A_182 : i32
      scf.if %cond3A_183 {
        %dma_start3A_301 = arith.constant 3 : i32
        %dma_start3A_302 = arith.constant 0 : i32
        %dma_start3A_303 = tpu.memref_slice %arg9[%sub3A_175, %dma_start3A_302] : memref<32x50xi32, #tpu.memory_space<vmem>> -> memref<1x50xi32, #tpu.memory_space<vmem>>
        %dma_start3A_304 = tpu.memref_squeeze %dma_start3A_303 : memref<1x50xi32, #tpu.memory_space<vmem>> -> memref<50xi32, #tpu.memory_space<vmem>>
        %dma_start3A_305 = arith.constant 0 : i32
        %dma_start3A_306 = arith.constant 0 : i32
        %dma_start3A_307 = tpu.memref_slice %arg2[%dma_start3A_305, %dma_start3A_306] : memref<100000x384xf32, #tpu.memory_space<hbm>> -> memref<100000x384xf32, #tpu.memory_space<hbm>>
        %dma_start3A_308 = tpu.memref_slice %arg15[%dma_start3A_301] : memref<4x!tpu.dma_semaphore, #tpu.memory_space<semaphore_mem>> -> memref<1x!tpu.dma_semaphore, #tpu.memory_space<semaphore_mem>>
        %dma_start3A_309 = tpu.memref_squeeze %dma_start3A_308 : memref<1x!tpu.dma_semaphore, #tpu.memory_space<semaphore_mem>> -> memref<!tpu.dma_semaphore, #tpu.memory_space<semaphore_mem>>
        tpu.enqueue_indirect_dma source(%dma_start3A_307 : memref<100000x384xf32, #tpu.memory_space<hbm>>) target(%arg14 : memref<50x384xf32, #tpu.memory_space<vmem>>) offsets(%dma_start3A_304 : memref<50xi32, #tpu.memory_space<vmem>>) semaphore(%dma_start3A_309 : memref<!tpu.dma_semaphore, #tpu.memory_space<semaphore_mem>>)
      } else {
      }
      %mul3A_184 = arith.constant 4 : i32
      %mul3A_185 = arith.muli %mul3A_184, %scan3A_150 : i32
      %add3A_186 = arith.constant 1 : i32
      %add3A_187 = arith.addi %mul3A_185, %add3A_186 : i32
      %dma_wait3A_188 = arith.constant 1 : i32
      %dma_wait3A_189 = arith.constant 0 : i32
      %dma_wait3A_190 = tpu.memref_slice %arg9[%add3A_187, %dma_wait3A_189] : memref<32x50xi32, #tpu.memory_space<vmem>> -> memref<1x50xi32, #tpu.memory_space<vmem>>
      %dma_wait3A_191 = tpu.memref_squeeze %dma_wait3A_190 : memref<1x50xi32, #tpu.memory_space<vmem>> -> memref<50xi32, #tpu.memory_space<vmem>>
      %dma_wait3A_192 = arith.constant 0 : i32
      %dma_wait3A_193 = arith.constant 0 : i32
      %dma_wait3A_194 = tpu.memref_slice %arg2[%dma_wait3A_192, %dma_wait3A_193] : memref<100000x384xf32, #tpu.memory_space<hbm>> -> memref<100000x384xf32, #tpu.memory_space<hbm>>
      %dma_wait3A_195 = tpu.memref_slice %arg15[%dma_wait3A_188] : memref<4x!tpu.dma_semaphore, #tpu.memory_space<semaphore_mem>> -> memref<1x!tpu.dma_semaphore, #tpu.memory_space<semaphore_mem>>
      %dma_wait3A_196 = tpu.memref_squeeze %dma_wait3A_195 : memref<1x!tpu.dma_semaphore, #tpu.memory_space<semaphore_mem>> -> memref<!tpu.dma_semaphore, #tpu.memory_space<semaphore_mem>>
      tpu.wait_indirect_dma semaphore(%dma_wait3A_196 : memref<!tpu.dma_semaphore, #tpu.memory_space<semaphore_mem>>) src(%dma_wait3A_194 : memref<100000x384xf32, #tpu.memory_space<hbm>>) dst(%arg12 : memref<50x384xf32, #tpu.memory_space<vmem>>)
      %dma_start3A_197 = arith.constant 1 : i32
      %dma_start3A_198 = arith.constant 0 : i32
      %dma_start3A_199 = tpu.memref_slice %arg10[%add3A_187, %dma_start3A_198] : memref<32x50xi32, #tpu.memory_space<vmem>> -> memref<1x50xi32, #tpu.memory_space<vmem>>
      %dma_start3A_200 = tpu.memref_squeeze %dma_start3A_199 : memref<1x50xi32, #tpu.memory_space<vmem>> -> memref<50xi32, #tpu.memory_space<vmem>>
      %dma_start3A_201 = arith.constant 0 : i32
      %dma_start3A_202 = arith.constant 0 : i32
      %dma_start3A_203 = tpu.memref_slice %arg7[%dma_start3A_201, %dma_start3A_202] : memref<51200x384xf32, #tpu.memory_space<hbm>> -> memref<51200x384xf32, #tpu.memory_space<hbm>>
      %dma_start3A_204 = tpu.memref_slice %arg16[%dma_start3A_197] : memref<4x!tpu.dma_semaphore, #tpu.memory_space<semaphore_mem>> -> memref<1x!tpu.dma_semaphore, #tpu.memory_space<semaphore_mem>>
      %dma_start3A_205 = tpu.memref_squeeze %dma_start3A_204 : memref<1x!tpu.dma_semaphore, #tpu.memory_space<semaphore_mem>> -> memref<!tpu.dma_semaphore, #tpu.memory_space<semaphore_mem>>
      tpu.enqueue_indirect_dma source(%arg12 : memref<50x384xf32, #tpu.memory_space<vmem>>) target(%dma_start3A_203 : memref<51200x384xf32, #tpu.memory_space<hbm>>) offsets(%dma_start3A_200 : memref<50xi32, #tpu.memory_space<vmem>>) semaphore(%dma_start3A_205 : memref<!tpu.dma_semaphore, #tpu.memory_space<semaphore_mem>>)
      %add3A_206 = arith.constant 4 : i32
      %add3A_207 = arith.addi %add3A_187, %add3A_206 : i32
      %sub3A_208 = arith.constant 1 : i32
      %sub3A_209 = arith.subi %add3A_207, %sub3A_208 : i32
      %ge3A_210 = arith.constant 1 : i32
      %ge3A_211 = arith.cmpi sge, %add3A_187, %ge3A_210 : i32
      %lt3A_212 = arith.constant 32 : i32
      %lt3A_213 = arith.cmpi slt, %sub3A_209, %lt3A_212 : i32
      %and3A_214 = arith.andi %ge3A_211, %lt3A_213 : i1
      %convert_element_type3A_215 = arith.extui %and3A_214 : i1 to i32
      %cond3A_216 = arith.constant 0 : i32
      %cond3A_217 = arith.cmpi ne, %convert_element_type3A_215, %cond3A_216 : i32
      scf.if %cond3A_217 {
        %sub3A_301 = arith.constant 1 : i32
        %sub3A_302 = arith.subi %add3A_187, %sub3A_301 : i32
        %dma_wait3A_303 = arith.constant 0 : i32
        %dma_wait3A_304 = arith.constant 0 : i32
        %dma_wait3A_305 = tpu.memref_slice %arg10[%sub3A_302, %dma_wait3A_304] : memref<32x50xi32, #tpu.memory_space<vmem>> -> memref<1x50xi32, #tpu.memory_space<vmem>>
        %dma_wait3A_306 = tpu.memref_squeeze %dma_wait3A_305 : memref<1x50xi32, #tpu.memory_space<vmem>> -> memref<50xi32, #tpu.memory_space<vmem>>
        %dma_wait3A_307 = arith.constant 0 : i32
        %dma_wait3A_308 = arith.constant 0 : i32
        %dma_wait3A_309 = tpu.memref_slice %arg7[%dma_wait3A_307, %dma_wait3A_308] : memref<51200x384xf32, #tpu.memory_space<hbm>> -> memref<51200x384xf32, #tpu.memory_space<hbm>>
        %dma_wait3A_310 = tpu.memref_slice %arg16[%dma_wait3A_303] : memref<4x!tpu.dma_semaphore, #tpu.memory_space<semaphore_mem>> -> memref<1x!tpu.dma_semaphore, #tpu.memory_space<semaphore_mem>>
        %dma_wait3A_311 = tpu.memref_squeeze %dma_wait3A_310 : memref<1x!tpu.dma_semaphore, #tpu.memory_space<semaphore_mem>> -> memref<!tpu.dma_semaphore, #tpu.memory_space<semaphore_mem>>
        tpu.wait_indirect_dma semaphore(%dma_wait3A_311 : memref<!tpu.dma_semaphore, #tpu.memory_space<semaphore_mem>>) src(%arg11 : memref<50x384xf32, #tpu.memory_space<vmem>>) dst(%dma_wait3A_309 : memref<51200x384xf32, #tpu.memory_space<hbm>>)
      } else {
      }
      %lt3A_218 = arith.constant 32 : i32
      %lt3A_219 = arith.cmpi slt, %sub3A_209, %lt3A_218 : i32
      %convert_element_type3A_220 = arith.extui %lt3A_219 : i1 to i32
      %cond3A_221 = arith.constant 0 : i32
      %cond3A_222 = arith.cmpi ne, %convert_element_type3A_220, %cond3A_221 : i32
      scf.if %cond3A_222 {
        %dma_start3A_301 = arith.constant 0 : i32
        %dma_start3A_302 = arith.constant 0 : i32
        %dma_start3A_303 = tpu.memref_slice %arg9[%sub3A_209, %dma_start3A_302] : memref<32x50xi32, #tpu.memory_space<vmem>> -> memref<1x50xi32, #tpu.memory_space<vmem>>
        %dma_start3A_304 = tpu.memref_squeeze %dma_start3A_303 : memref<1x50xi32, #tpu.memory_space<vmem>> -> memref<50xi32, #tpu.memory_space<vmem>>
        %dma_start3A_305 = arith.constant 0 : i32
        %dma_start3A_306 = arith.constant 0 : i32
        %dma_start3A_307 = tpu.memref_slice %arg2[%dma_start3A_305, %dma_start3A_306] : memref<100000x384xf32, #tpu.memory_space<hbm>> -> memref<100000x384xf32, #tpu.memory_space<hbm>>
        %dma_start3A_308 = tpu.memref_slice %arg15[%dma_start3A_301] : memref<4x!tpu.dma_semaphore, #tpu.memory_space<semaphore_mem>> -> memref<1x!tpu.dma_semaphore, #tpu.memory_space<semaphore_mem>>
        %dma_start3A_309 = tpu.memref_squeeze %dma_start3A_308 : memref<1x!tpu.dma_semaphore, #tpu.memory_space<semaphore_mem>> -> memref<!tpu.dma_semaphore, #tpu.memory_space<semaphore_mem>>
        tpu.enqueue_indirect_dma source(%dma_start3A_307 : memref<100000x384xf32, #tpu.memory_space<hbm>>) target(%arg11 : memref<50x384xf32, #tpu.memory_space<vmem>>) offsets(%dma_start3A_304 : memref<50xi32, #tpu.memory_space<vmem>>) semaphore(%dma_start3A_309 : memref<!tpu.dma_semaphore, #tpu.memory_space<semaphore_mem>>)
      } else {
      }
      %mul3A_223 = arith.constant 4 : i32
      %mul3A_224 = arith.muli %mul3A_223, %scan3A_150 : i32
      %add3A_225 = arith.constant 2 : i32
      %add3A_226 = arith.addi %mul3A_224, %add3A_225 : i32
      %dma_wait3A_227 = arith.constant 2 : i32
      %dma_wait3A_228 = arith.constant 0 : i32
      %dma_wait3A_229 = tpu.memref_slice %arg9[%add3A_226, %dma_wait3A_228] : memref<32x50xi32, #tpu.memory_space<vmem>> -> memref<1x50xi32, #tpu.memory_space<vmem>>
      %dma_wait3A_230 = tpu.memref_squeeze %dma_wait3A_229 : memref<1x50xi32, #tpu.memory_space<vmem>> -> memref<50xi32, #tpu.memory_space<vmem>>
      %dma_wait3A_231 = arith.constant 0 : i32
      %dma_wait3A_232 = arith.constant 0 : i32
      %dma_wait3A_233 = tpu.memref_slice %arg2[%dma_wait3A_231, %dma_wait3A_232] : memref<100000x384xf32, #tpu.memory_space<hbm>> -> memref<100000x384xf32, #tpu.memory_space<hbm>>
      %dma_wait3A_234 = tpu.memref_slice %arg15[%dma_wait3A_227] : memref<4x!tpu.dma_semaphore, #tpu.memory_space<semaphore_mem>> -> memref<1x!tpu.dma_semaphore, #tpu.memory_space<semaphore_mem>>
      %dma_wait3A_235 = tpu.memref_squeeze %dma_wait3A_234 : memref<1x!tpu.dma_semaphore, #tpu.memory_space<semaphore_mem>> -> memref<!tpu.dma_semaphore, #tpu.memory_space<semaphore_mem>>
      tpu.wait_indirect_dma semaphore(%dma_wait3A_235 : memref<!tpu.dma_semaphore, #tpu.memory_space<semaphore_mem>>) src(%dma_wait3A_233 : memref<100000x384xf32, #tpu.memory_space<hbm>>) dst(%arg13 : memref<50x384xf32, #tpu.memory_space<vmem>>)
      %dma_start3A_236 = arith.constant 2 : i32
      %dma_start3A_237 = arith.constant 0 : i32
      %dma_start3A_238 = tpu.memref_slice %arg10[%add3A_226, %dma_start3A_237] : memref<32x50xi32, #tpu.memory_space<vmem>> -> memref<1x50xi32, #tpu.memory_space<vmem>>
      %dma_start3A_239 = tpu.memref_squeeze %dma_start3A_238 : memref<1x50xi32, #tpu.memory_space<vmem>> -> memref<50xi32, #tpu.memory_space<vmem>>
      %dma_start3A_240 = arith.constant 0 : i32
      %dma_start3A_241 = arith.constant 0 : i32
      %dma_start3A_242 = tpu.memref_slice %arg7[%dma_start3A_240, %dma_start3A_241] : memref<51200x384xf32, #tpu.memory_space<hbm>> -> memref<51200x384xf32, #tpu.memory_space<hbm>>
      %dma_start3A_243 = tpu.memref_slice %arg16[%dma_start3A_236] : memref<4x!tpu.dma_semaphore, #tpu.memory_space<semaphore_mem>> -> memref<1x!tpu.dma_semaphore, #tpu.memory_space<semaphore_mem>>
      %dma_start3A_244 = tpu.memref_squeeze %dma_start3A_243 : memref<1x!tpu.dma_semaphore, #tpu.memory_space<semaphore_mem>> -> memref<!tpu.dma_semaphore, #tpu.memory_space<semaphore_mem>>
      tpu.enqueue_indirect_dma source(%arg13 : memref<50x384xf32, #tpu.memory_space<vmem>>) target(%dma_start3A_242 : memref<51200x384xf32, #tpu.memory_space<hbm>>) offsets(%dma_start3A_239 : memref<50xi32, #tpu.memory_space<vmem>>) semaphore(%dma_start3A_244 : memref<!tpu.dma_semaphore, #tpu.memory_space<semaphore_mem>>)
      %add3A_245 = arith.constant 4 : i32
      %add3A_246 = arith.addi %add3A_226, %add3A_245 : i32
      %sub3A_247 = arith.constant 1 : i32
      %sub3A_248 = arith.subi %add3A_246, %sub3A_247 : i32
      %ge3A_249 = arith.constant 1 : i32
      %ge3A_250 = arith.cmpi sge, %add3A_226, %ge3A_249 : i32
      %lt3A_251 = arith.constant 32 : i32
      %lt3A_252 = arith.cmpi slt, %sub3A_248, %lt3A_251 : i32
      %and3A_253 = arith.andi %ge3A_250, %lt3A_252 : i1
      %convert_element_type3A_254 = arith.extui %and3A_253 : i1 to i32
      %cond3A_255 = arith.constant 0 : i32
      %cond3A_256 = arith.cmpi ne, %convert_element_type3A_254, %cond3A_255 : i32
      scf.if %cond3A_256 {
        %sub3A_301 = arith.constant 1 : i32
        %sub3A_302 = arith.subi %add3A_226, %sub3A_301 : i32
        %dma_wait3A_303 = arith.constant 1 : i32
        %dma_wait3A_304 = arith.constant 0 : i32
        %dma_wait3A_305 = tpu.memref_slice %arg10[%sub3A_302, %dma_wait3A_304] : memref<32x50xi32, #tpu.memory_space<vmem>> -> memref<1x50xi32, #tpu.memory_space<vmem>>
        %dma_wait3A_306 = tpu.memref_squeeze %dma_wait3A_305 : memref<1x50xi32, #tpu.memory_space<vmem>> -> memref<50xi32, #tpu.memory_space<vmem>>
        %dma_wait3A_307 = arith.constant 0 : i32
        %dma_wait3A_308 = arith.constant 0 : i32
        %dma_wait3A_309 = tpu.memref_slice %arg7[%dma_wait3A_307, %dma_wait3A_308] : memref<51200x384xf32, #tpu.memory_space<hbm>> -> memref<51200x384xf32, #tpu.memory_space<hbm>>
        %dma_wait3A_310 = tpu.memref_slice %arg16[%dma_wait3A_303] : memref<4x!tpu.dma_semaphore, #tpu.memory_space<semaphore_mem>> -> memref<1x!tpu.dma_semaphore, #tpu.memory_space<semaphore_mem>>
        %dma_wait3A_311 = tpu.memref_squeeze %dma_wait3A_310 : memref<1x!tpu.dma_semaphore, #tpu.memory_space<semaphore_mem>> -> memref<!tpu.dma_semaphore, #tpu.memory_space<semaphore_mem>>
        tpu.wait_indirect_dma semaphore(%dma_wait3A_311 : memref<!tpu.dma_semaphore, #tpu.memory_space<semaphore_mem>>) src(%arg12 : memref<50x384xf32, #tpu.memory_space<vmem>>) dst(%dma_wait3A_309 : memref<51200x384xf32, #tpu.memory_space<hbm>>)
      } else {
      }
      %lt3A_257 = arith.constant 32 : i32
      %lt3A_258 = arith.cmpi slt, %sub3A_248, %lt3A_257 : i32
      %convert_element_type3A_259 = arith.extui %lt3A_258 : i1 to i32
      %cond3A_260 = arith.constant 0 : i32
      %cond3A_261 = arith.cmpi ne, %convert_element_type3A_259, %cond3A_260 : i32
      scf.if %cond3A_261 {
        %dma_start3A_301 = arith.constant 1 : i32
        %dma_start3A_302 = arith.constant 0 : i32
        %dma_start3A_303 = tpu.memref_slice %arg9[%sub3A_248, %dma_start3A_302] : memref<32x50xi32, #tpu.memory_space<vmem>> -> memref<1x50xi32, #tpu.memory_space<vmem>>
        %dma_start3A_304 = tpu.memref_squeeze %dma_start3A_303 : memref<1x50xi32, #tpu.memory_space<vmem>> -> memref<50xi32, #tpu.memory_space<vmem>>
        %dma_start3A_305 = arith.constant 0 : i32
        %dma_start3A_306 = arith.constant 0 : i32
        %dma_start3A_307 = tpu.memref_slice %arg2[%dma_start3A_305, %dma_start3A_306] : memref<100000x384xf32, #tpu.memory_space<hbm>> -> memref<100000x384xf32, #tpu.memory_space<hbm>>
        %dma_start3A_308 = tpu.memref_slice %arg15[%dma_start3A_301] : memref<4x!tpu.dma_semaphore, #tpu.memory_space<semaphore_mem>> -> memref<1x!tpu.dma_semaphore, #tpu.memory_space<semaphore_mem>>
        %dma_start3A_309 = tpu.memref_squeeze %dma_start3A_308 : memref<1x!tpu.dma_semaphore, #tpu.memory_space<semaphore_mem>> -> memref<!tpu.dma_semaphore, #tpu.memory_space<semaphore_mem>>
        tpu.enqueue_indirect_dma source(%dma_start3A_307 : memref<100000x384xf32, #tpu.memory_space<hbm>>) target(%arg12 : memref<50x384xf32, #tpu.memory_space<vmem>>) offsets(%dma_start3A_304 : memref<50xi32, #tpu.memory_space<vmem>>) semaphore(%dma_start3A_309 : memref<!tpu.dma_semaphore, #tpu.memory_space<semaphore_mem>>)
      } else {
      }
      %mul3A_262 = arith.constant 4 : i32
      %mul3A_263 = arith.muli %mul3A_262, %scan3A_150 : i32
      %add3A_264 = arith.constant 3 : i32
      %add3A_265 = arith.addi %mul3A_263, %add3A_264 : i32
      %dma_wait3A_266 = arith.constant 3 : i32
      %dma_wait3A_267 = arith.constant 0 : i32
      %dma_wait3A_268 = tpu.memref_slice %arg9[%add3A_265, %dma_wait3A_267] : memref<32x50xi32, #tpu.memory_space<vmem>> -> memref<1x50xi32, #tpu.memory_space<vmem>>
      %dma_wait3A_269 = tpu.memref_squeeze %dma_wait3A_268 : memref<1x50xi32, #tpu.memory_space<vmem>> -> memref<50xi32, #tpu.memory_space<vmem>>
      %dma_wait3A_270 = arith.constant 0 : i32
      %dma_wait3A_271 = arith.constant 0 : i32
      %dma_wait3A_272 = tpu.memref_slice %arg2[%dma_wait3A_270, %dma_wait3A_271] : memref<100000x384xf32, #tpu.memory_space<hbm>> -> memref<100000x384xf32, #tpu.memory_space<hbm>>
      %dma_wait3A_273 = tpu.memref_slice %arg15[%dma_wait3A_266] : memref<4x!tpu.dma_semaphore, #tpu.memory_space<semaphore_mem>> -> memref<1x!tpu.dma_semaphore, #tpu.memory_space<semaphore_mem>>
      %dma_wait3A_274 = tpu.memref_squeeze %dma_wait3A_273 : memref<1x!tpu.dma_semaphore, #tpu.memory_space<semaphore_mem>> -> memref<!tpu.dma_semaphore, #tpu.memory_space<semaphore_mem>>
      tpu.wait_indirect_dma semaphore(%dma_wait3A_274 : memref<!tpu.dma_semaphore, #tpu.memory_space<semaphore_mem>>) src(%dma_wait3A_272 : memref<100000x384xf32, #tpu.memory_space<hbm>>) dst(%arg14 : memref<50x384xf32, #tpu.memory_space<vmem>>)
      %dma_start3A_275 = arith.constant 3 : i32
      %dma_start3A_276 = arith.constant 0 : i32
      %dma_start3A_277 = tpu.memref_slice %arg10[%add3A_265, %dma_start3A_276] : memref<32x50xi32, #tpu.memory_space<vmem>> -> memref<1x50xi32, #tpu.memory_space<vmem>>
      %dma_start3A_278 = tpu.memref_squeeze %dma_start3A_277 : memref<1x50xi32, #tpu.memory_space<vmem>> -> memref<50xi32, #tpu.memory_space<vmem>>
      %dma_start3A_279 = arith.constant 0 : i32
      %dma_start3A_280 = arith.constant 0 : i32
      %dma_start3A_281 = tpu.memref_slice %arg7[%dma_start3A_279, %dma_start3A_280] : memref<51200x384xf32, #tpu.memory_space<hbm>> -> memref<51200x384xf32, #tpu.memory_space<hbm>>
      %dma_start3A_282 = tpu.memref_slice %arg16[%dma_start3A_275] : memref<4x!tpu.dma_semaphore, #tpu.memory_space<semaphore_mem>> -> memref<1x!tpu.dma_semaphore, #tpu.memory_space<semaphore_mem>>
      %dma_start3A_283 = tpu.memref_squeeze %dma_start3A_282 : memref<1x!tpu.dma_semaphore, #tpu.memory_space<semaphore_mem>> -> memref<!tpu.dma_semaphore, #tpu.memory_space<semaphore_mem>>
      tpu.enqueue_indirect_dma source(%arg14 : memref<50x384xf32, #tpu.memory_space<vmem>>) target(%dma_start3A_281 : memref<51200x384xf32, #tpu.memory_space<hbm>>) offsets(%dma_start3A_278 : memref<50xi32, #tpu.memory_space<vmem>>) semaphore(%dma_start3A_283 : memref<!tpu.dma_semaphore, #tpu.memory_space<semaphore_mem>>)
      %add3A_284 = arith.constant 4 : i32
      %add3A_285 = arith.addi %add3A_265, %add3A_284 : i32
      %sub3A_286 = arith.constant 1 : i32
      %sub3A_287 = arith.subi %add3A_285, %sub3A_286 : i32
      %ge3A_288 = arith.constant 1 : i32
      %ge3A_289 = arith.cmpi sge, %add3A_265, %ge3A_288 : i32
      %lt3A_290 = arith.constant 32 : i32
      %lt3A_291 = arith.cmpi slt, %sub3A_287, %lt3A_290 : i32
      %and3A_292 = arith.andi %ge3A_289, %lt3A_291 : i1
      %convert_element_type3A_293 = arith.extui %and3A_292 : i1 to i32
      %cond3A_294 = arith.constant 0 : i32
      %cond3A_295 = arith.cmpi ne, %convert_element_type3A_293, %cond3A_294 : i32
      scf.if %cond3A_295 {
        %sub3A_301 = arith.constant 1 : i32
        %sub3A_302 = arith.subi %add3A_265, %sub3A_301 : i32
        %dma_wait3A_303 = arith.constant 2 : i32
        %dma_wait3A_304 = arith.constant 0 : i32
        %dma_wait3A_305 = tpu.memref_slice %arg10[%sub3A_302, %dma_wait3A_304] : memref<32x50xi32, #tpu.memory_space<vmem>> -> memref<1x50xi32, #tpu.memory_space<vmem>>
        %dma_wait3A_306 = tpu.memref_squeeze %dma_wait3A_305 : memref<1x50xi32, #tpu.memory_space<vmem>> -> memref<50xi32, #tpu.memory_space<vmem>>
        %dma_wait3A_307 = arith.constant 0 : i32
        %dma_wait3A_308 = arith.constant 0 : i32
        %dma_wait3A_309 = tpu.memref_slice %arg7[%dma_wait3A_307, %dma_wait3A_308] : memref<51200x384xf32, #tpu.memory_space<hbm>> -> memref<51200x384xf32, #tpu.memory_space<hbm>>
        %dma_wait3A_310 = tpu.memref_slice %arg16[%dma_wait3A_303] : memref<4x!tpu.dma_semaphore, #tpu.memory_space<semaphore_mem>> -> memref<1x!tpu.dma_semaphore, #tpu.memory_space<semaphore_mem>>
        %dma_wait3A_311 = tpu.memref_squeeze %dma_wait3A_310 : memref<1x!tpu.dma_semaphore, #tpu.memory_space<semaphore_mem>> -> memref<!tpu.dma_semaphore, #tpu.memory_space<semaphore_mem>>
        tpu.wait_indirect_dma semaphore(%dma_wait3A_311 : memref<!tpu.dma_semaphore, #tpu.memory_space<semaphore_mem>>) src(%arg13 : memref<50x384xf32, #tpu.memory_space<vmem>>) dst(%dma_wait3A_309 : memref<51200x384xf32, #tpu.memory_space<hbm>>)
      } else {
      }
      %lt3A_296 = arith.constant 32 : i32
      %lt3A_297 = arith.cmpi slt, %sub3A_287, %lt3A_296 : i32
      %convert_element_type3A_298 = arith.extui %lt3A_297 : i1 to i32
      %cond3A_299 = arith.constant 0 : i32
      %cond3A_300 = arith.cmpi ne, %convert_element_type3A_298, %cond3A_299 : i32
      scf.if %cond3A_300 {
        %dma_start3A_301 = arith.constant 2 : i32
        %dma_start3A_302 = arith.constant 0 : i32
        %dma_start3A_303 = tpu.memref_slice %arg9[%sub3A_287, %dma_start3A_302] : memref<32x50xi32, #tpu.memory_space<vmem>> -> memref<1x50xi32, #tpu.memory_space<vmem>>
        %dma_start3A_304 = tpu.memref_squeeze %dma_start3A_303 : memref<1x50xi32, #tpu.memory_space<vmem>> -> memref<50xi32, #tpu.memory_space<vmem>>
        %dma_start3A_305 = arith.constant 0 : i32
        %dma_start3A_306 = arith.constant 0 : i32
        %dma_start3A_307 = tpu.memref_slice %arg2[%dma_start3A_305, %dma_start3A_306] : memref<100000x384xf32, #tpu.memory_space<hbm>> -> memref<100000x384xf32, #tpu.memory_space<hbm>>
        %dma_start3A_308 = tpu.memref_slice %arg15[%dma_start3A_301] : memref<4x!tpu.dma_semaphore, #tpu.memory_space<semaphore_mem>> -> memref<1x!tpu.dma_semaphore, #tpu.memory_space<semaphore_mem>>
        %dma_start3A_309 = tpu.memref_squeeze %dma_start3A_308 : memref<1x!tpu.dma_semaphore, #tpu.memory_space<semaphore_mem>> -> memref<!tpu.dma_semaphore, #tpu.memory_space<semaphore_mem>>
        tpu.enqueue_indirect_dma source(%dma_start3A_307 : memref<100000x384xf32, #tpu.memory_space<hbm>>) target(%arg13 : memref<50x384xf32, #tpu.memory_space<vmem>>) offsets(%dma_start3A_304 : memref<50xi32, #tpu.memory_space<vmem>>) semaphore(%dma_start3A_309 : memref<!tpu.dma_semaphore, #tpu.memory_space<semaphore_mem>>)
      } else {
      }
    }
    %scan3A_109 = arith.constant 8 : i32
    %dma_wait3A_110 = arith.constant 28 : i32
    %dma_wait3A_111 = arith.constant 0 : i32
    %dma_wait3A_112 = arith.constant 0 : i32
    %dma_wait3A_113 = tpu.memref_slice %arg10[%dma_wait3A_110, %dma_wait3A_112] : memref<32x50xi32, #tpu.memory_space<vmem>> -> memref<1x50xi32, #tpu.memory_space<vmem>>
    %dma_wait3A_114 = tpu.memref_squeeze %dma_wait3A_113 : memref<1x50xi32, #tpu.memory_space<vmem>> -> memref<50xi32, #tpu.memory_space<vmem>>
    %dma_wait3A_115 = arith.constant 0 : i32
    %dma_wait3A_116 = arith.constant 0 : i32
    %dma_wait3A_117 = tpu.memref_slice %arg7[%dma_wait3A_115, %dma_wait3A_116] : memref<51200x384xf32, #tpu.memory_space<hbm>> -> memref<51200x384xf32, #tpu.memory_space<hbm>>
    %dma_wait3A_118 = tpu.memref_slice %arg16[%dma_wait3A_111] : memref<4x!tpu.dma_semaphore, #tpu.memory_space<semaphore_mem>> -> memref<1x!tpu.dma_semaphore, #tpu.memory_space<semaphore_mem>>
    %dma_wait3A_119 = tpu.memref_squeeze %dma_wait3A_118 : memref<1x!tpu.dma_semaphore, #tpu.memory_space<semaphore_mem>> -> memref<!tpu.dma_semaphore, #tpu.memory_space<semaphore_mem>>
    tpu.wait_indirect_dma semaphore(%dma_wait3A_119 : memref<!tpu.dma_semaphore, #tpu.memory_space<semaphore_mem>>) src(%arg11 : memref<50x384xf32, #tpu.memory_space<vmem>>) dst(%dma_wait3A_117 : memref<51200x384xf32, #tpu.memory_space<hbm>>)
    %dma_wait3A_120 = arith.constant 29 : i32
    %dma_wait3A_121 = arith.constant 1 : i32
    %dma_wait3A_122 = arith.constant 0 : i32
    %dma_wait3A_123 = tpu.memref_slice %arg10[%dma_wait3A_120, %dma_wait3A_122] : memref<32x50xi32, #tpu.memory_space<vmem>> -> memref<1x50xi32, #tpu.memory_space<vmem>>
    %dma_wait3A_124 = tpu.memref_squeeze %dma_wait3A_123 : memref<1x50xi32, #tpu.memory_space<vmem>> -> memref<50xi32, #tpu.memory_space<vmem>>
    %dma_wait3A_125 = arith.constant 0 : i32
    %dma_wait3A_126 = arith.constant 0 : i32
    %dma_wait3A_127 = tpu.memref_slice %arg7[%dma_wait3A_125, %dma_wait3A_126] : memref<51200x384xf32, #tpu.memory_space<hbm>> -> memref<51200x384xf32, #tpu.memory_space<hbm>>
    %dma_wait3A_128 = tpu.memref_slice %arg16[%dma_wait3A_121] : memref<4x!tpu.dma_semaphore, #tpu.memory_space<semaphore_mem>> -> memref<1x!tpu.dma_semaphore, #tpu.memory_space<semaphore_mem>>
    %dma_wait3A_129 = tpu.memref_squeeze %dma_wait3A_128 : memref<1x!tpu.dma_semaphore, #tpu.memory_space<semaphore_mem>> -> memref<!tpu.dma_semaphore, #tpu.memory_space<semaphore_mem>>
    tpu.wait_indirect_dma semaphore(%dma_wait3A_129 : memref<!tpu.dma_semaphore, #tpu.memory_space<semaphore_mem>>) src(%arg12 : memref<50x384xf32, #tpu.memory_space<vmem>>) dst(%dma_wait3A_127 : memref<51200x384xf32, #tpu.memory_space<hbm>>)
    %dma_wait3A_130 = arith.constant 30 : i32
    %dma_wait3A_131 = arith.constant 2 : i32
    %dma_wait3A_132 = arith.constant 0 : i32
    %dma_wait3A_133 = tpu.memref_slice %arg10[%dma_wait3A_130, %dma_wait3A_132] : memref<32x50xi32, #tpu.memory_space<vmem>> -> memref<1x50xi32, #tpu.memory_space<vmem>>
    %dma_wait3A_134 = tpu.memref_squeeze %dma_wait3A_133 : memref<1x50xi32, #tpu.memory_space<vmem>> -> memref<50xi32, #tpu.memory_space<vmem>>
    %dma_wait3A_135 = arith.constant 0 : i32
    %dma_wait3A_136 = arith.constant 0 : i32
    %dma_wait3A_137 = tpu.memref_slice %arg7[%dma_wait3A_135, %dma_wait3A_136] : memref<51200x384xf32, #tpu.memory_space<hbm>> -> memref<51200x384xf32, #tpu.memory_space<hbm>>
    %dma_wait3A_138 = tpu.memref_slice %arg16[%dma_wait3A_131] : memref<4x!tpu.dma_semaphore, #tpu.memory_space<semaphore_mem>> -> memref<1x!tpu.dma_semaphore, #tpu.memory_space<semaphore_mem>>
    %dma_wait3A_139 = tpu.memref_squeeze %dma_wait3A_138 : memref<1x!tpu.dma_semaphore, #tpu.memory_space<semaphore_mem>> -> memref<!tpu.dma_semaphore, #tpu.memory_space<semaphore_mem>>
    tpu.wait_indirect_dma semaphore(%dma_wait3A_139 : memref<!tpu.dma_semaphore, #tpu.memory_space<semaphore_mem>>) src(%arg13 : memref<50x384xf32, #tpu.memory_space<vmem>>) dst(%dma_wait3A_137 : memref<51200x384xf32, #tpu.memory_space<hbm>>)
    %dma_wait3A_140 = arith.constant 31 : i32
    %dma_wait3A_141 = arith.constant 3 : i32
    %dma_wait3A_142 = arith.constant 0 : i32
    %dma_wait3A_143 = tpu.memref_slice %arg10[%dma_wait3A_140, %dma_wait3A_142] : memref<32x50xi32, #tpu.memory_space<vmem>> -> memref<1x50xi32, #tpu.memory_space<vmem>>
    %dma_wait3A_144 = tpu.memref_squeeze %dma_wait3A_143 : memref<1x50xi32, #tpu.memory_space<vmem>> -> memref<50xi32, #tpu.memory_space<vmem>>
    %dma_wait3A_145 = arith.constant 0 : i32
    %dma_wait3A_146 = arith.constant 0 : i32
    %dma_wait3A_147 = tpu.memref_slice %arg7[%dma_wait3A_145, %dma_wait3A_146] : memref<51200x384xf32, #tpu.memory_space<hbm>> -> memref<51200x384xf32, #tpu.memory_space<hbm>>
    %dma_wait3A_148 = tpu.memref_slice %arg16[%dma_wait3A_141] : memref<4x!tpu.dma_semaphore, #tpu.memory_space<semaphore_mem>> -> memref<1x!tpu.dma_semaphore, #tpu.memory_space<semaphore_mem>>
    %dma_wait3A_149 = tpu.memref_squeeze %dma_wait3A_148 : memref<1x!tpu.dma_semaphore, #tpu.memory_space<semaphore_mem>> -> memref<!tpu.dma_semaphore, #tpu.memory_space<semaphore_mem>>
    tpu.wait_indirect_dma semaphore(%dma_wait3A_149 : memref<!tpu.dma_semaphore, #tpu.memory_space<semaphore_mem>>) src(%arg14 : memref<50x384xf32, #tpu.memory_space<vmem>>) dst(%dma_wait3A_147 : memref<51200x384xf32, #tpu.memory_space<hbm>>)
    return
  }
}

module attributes {stable_mosaic.version = 14 : i64} {
  func.func @_out_body(%arg0: i32, %arg1: memref<1x1024x384xf32, #tpu.memory_space<vmem>>, %arg2: memref<1x1024x384xf32, #tpu.memory_space<vmem>>, %arg3: memref<1x300x1024xf32, #tpu.memory_space<vmem>>, %arg4: memref<1x300x1024xf32, #tpu.memory_space<vmem>>) attributes {dimension_semantics = [#tpu.dimension_semantics<arbitrary>], iteration_bounds = array<i64: 50>, scalar_prefetch = 0 : i64, scratch_operands = 0 : i64, tpu.core_type = #tpu.core_type<tc>, window_params = [{transform_indices = @transform_0, window_bounds = array<i64: 1, 1024, 384>}, {transform_indices = @transform_1, window_bounds = array<i64: 1, 1024, 384>}, {transform_indices = @transform_2, window_bounds = array<i64: 1, 300, 1024>}, {transform_indices = @transform_3, window_bounds = array<i64: 1, 300, 1024>}]} {
    %get3A = arith.constant 0 : index
    %get3A_0 = arith.constant 0 : index
    %get3A_1 = arith.constant 0 : index
    %get3A_2 = vector.load %arg1[%get3A, %get3A_0, %get3A_1] : memref<1x1024x384xf32, #tpu.memory_space<vmem>>, vector<1x1024x384xf32>
    %get3A_3 = vector.shape_cast %get3A_2 : vector<1x1024x384xf32> to vector<1024x384xf32>
    %slice3A = vector.extract_strided_slice %get3A_3 {offsets = [0, 0], sizes = [1024, 300], strides = [1, 1]} : vector<1024x384xf32> to vector<1024x300xf32>
    %transpose3A = tpu.transpose %slice3A, [1, 0] : vector<1024x300xf32> -> vector<300x1024xf32>
    %swap3A = arith.constant 0 : index
    %swap3A_4 = arith.constant 0 : index
    %swap3A_5 = arith.constant 0 : index
    %swap3A_6 = vector.load %arg3[%swap3A, %swap3A_4, %swap3A_5] : memref<1x300x1024xf32, #tpu.memory_space<vmem>>, vector<1x300x1024xf32>
    %swap3A_7 = vector.shape_cast %swap3A_6 : vector<1x300x1024xf32> to vector<300x1024xf32>
    %swap3A_8 = vector.shape_cast %transpose3A : vector<300x1024xf32> to vector<1x300x1024xf32>
    tpu.vector_store %arg3[%swap3A, %swap3A_4, %swap3A_5], %swap3A_8 {strides = array<i32>} : memref<1x300x1024xf32, #tpu.memory_space<vmem>>, vector<1x300x1024xf32>,
    %get3A_9 = arith.constant 0 : index
    %get3A_10 = arith.constant 0 : index
    %get3A_11 = arith.constant 0 : index
    %get3A_12 = vector.load %arg2[%get3A_9, %get3A_10, %get3A_11] : memref<1x1024x384xf32, #tpu.memory_space<vmem>>, vector<1x1024x384xf32>
    %get3A_13 = vector.shape_cast %get3A_12 : vector<1x1024x384xf32> to vector<1024x384xf32>
    %slice3A_14 = vector.extract_strided_slice %get3A_13 {offsets = [0, 0], sizes = [1024, 300], strides = [1, 1]} : vector<1024x384xf32> to vector<1024x300xf32>
    %transpose3A_15 = tpu.transpose %slice3A_14, [1, 0] : vector<1024x300xf32> -> vector<300x1024xf32>
    %swap3A_16 = arith.constant 0 : index
    %swap3A_17 = arith.constant 0 : index
    %swap3A_18 = arith.constant 0 : index
    %swap3A_19 = vector.load %arg4[%swap3A_16, %swap3A_17, %swap3A_18] : memref<1x300x1024xf32, #tpu.memory_space<vmem>>, vector<1x300x1024xf32>
    %swap3A_20 = vector.shape_cast %swap3A_19 : vector<1x300x1024xf32> to vector<300x1024xf32>
    %swap3A_21 = vector.shape_cast %transpose3A_15 : vector<300x1024xf32> to vector<1x300x1024xf32>
    tpu.vector_store %arg4[%swap3A_16, %swap3A_17, %swap3A_18], %swap3A_21 {strides = array<i32>} : memref<1x300x1024xf32, #tpu.memory_space<vmem>>, vector<1x300x1024xf32>,
    return
  }
  func.func @transform_0(%arg0: i32) -> (i32, i32, i32) {
    %c0_i32 = arith.constant 0 : i32
    %c0_i32_0 = arith.constant 0 : i32
    %c0_i32_1 = arith.constant 0 : i32
    return %arg0, %c0_i32, %c0_i32_0 : i32, i32, i32
  }
  func.func @transform_1(%arg0: i32) -> (i32, i32, i32) {
    %c0_i32 = arith.constant 0 : i32
    %c0_i32_0 = arith.constant 0 : i32
    %c0_i32_1 = arith.constant 0 : i32
    return %arg0, %c0_i32, %c0_i32_0 : i32, i32, i32
  }
  func.func @transform_2(%arg0: i32) -> (i32, i32, i32) {
    %c0_i32 = arith.constant 0 : i32
    %c0_i32_0 = arith.constant 0 : i32
    %c0_i32_1 = arith.constant 0 : i32
    return %arg0, %c0_i32, %c0_i32_0 : i32, i32, i32
  }
  func.func @transform_3(%arg0: i32) -> (i32, i32, i32) {
    %c0_i32 = arith.constant 0 : i32
    %c0_i32_0 = arith.constant 0 : i32
    %c0_i32_1 = arith.constant 0 : i32
    return %arg0, %c0_i32, %c0_i32_0 : i32, i32, i32
  }
}

module attributes {stable_mosaic.version = 14 : i64} {
  func.func @_tp_body(%arg0: i32, %arg1: memref<300x1024xf32, #tpu.memory_space<vmem>>, %arg2: memref<1024x384xf32, #tpu.memory_space<vmem>>) attributes {dimension_semantics = [#tpu.dimension_semantics<arbitrary>], iteration_bounds = array<i64: 98>, scalar_prefetch = 0 : i64, scratch_operands = 0 : i64, tpu.core_type = #tpu.core_type<tc>, window_params = [{transform_indices = @transform_0, window_bounds = array<i64: 300, 1024>}, {transform_indices = @transform_1, window_bounds = array<i64: 1024, 384>}]} {
    %get3A = arith.constant 0 : index
    %get3A_0 = arith.constant 0 : index
    %get3A_1 = vector.load %arg1[%get3A, %get3A_0] : memref<300x1024xf32, #tpu.memory_space<vmem>>, vector<300x1024xf32>
    %transpose3A = tpu.transpose %get3A_1, [1, 0] : vector<300x1024xf32> -> vector<1024x300xf32>
    %swap3A = arith.constant 0 : index
    %swap3A_2 = arith.constant 0 : index
    %swap3A_3 = vector.load %arg2[%swap3A, %swap3A_2] : memref<1024x384xf32, #tpu.memory_space<vmem>>, vector<1024x300xf32>
    tpu.vector_store %arg2[%swap3A, %swap3A_2], %transpose3A {strides = array<i32>} : memref<1024x384xf32, #tpu.memory_space<vmem>>, vector<1024x300xf32>,
    %broadcast_in_dim3A = arith.constant 0.000000e+00 : f32
    %broadcast_in_dim3A_4 = vector.broadcast %broadcast_in_dim3A : f32 to vector<1024x84xf32>
    %swap3A_5 = arith.constant 0 : index
    %swap3A_6 = arith.constant 300 : index
    %swap3A_7 = vector.load %arg2[%swap3A_5, %swap3A_6] : memref<1024x384xf32, #tpu.memory_space<vmem>>, vector<1024x84xf32>
    tpu.vector_store %arg2[%swap3A_5, %swap3A_6], %broadcast_in_dim3A_4 {strides = array<i32>} : memref<1024x384xf32, #tpu.memory_space<vmem>>, vector<1024x84xf32>,
    return
  }
  func.func @transform_0(%arg0: i32) -> (i32, i32) {
    %c0_i32 = arith.constant 0 : i32
    %c0_i32_0 = arith.constant 0 : i32
    return %c0_i32, %arg0 : i32, i32
  }
  func.func @transform_1(%arg0: i32) -> (i32, i32) {
    %c0_i32 = arith.constant 0 : i32
    %c0_i32_0 = arith.constant 0 : i32
    return %arg0, %c0_i32 : i32, i32
  }
}

</mosaic_0001>

<sc_bundles>
// kernel: kernel.5.cloned.1.call-start
scs
__scs_entry_jumppad:
0x0: {  	(pc) =	sbr.rel $0x88, $3  }
0x1: {  	(tag) =	ssettag $0x0;
	lr =	simm.s32 $0x1  }
0x2: {  	[smem:$0x3F9E] =	sst lr;
	_ =	strace $0xD0000000  }
0x3: {  	_ = 	snop  }
0x4: {  	_ = 	snop  }
0x5: {  	_ = 	snop  }
0x6: {  	_ = 	snop  }
0x7: {  	_ = 	snop  }
__scs_overlays_trampoline_lowered:
0x8: {  	[smem:$0x3FAD] =	sst s0  }
0x9: {  	[smem:$0x3FAE] =	sst s1  }
0xa: {  	[smem:$0x3FAF] =	sst s2  }
0xb: {  	[smem:$0x3FB0] =	sst s3  }
0xc: {  	[smem:$0x3FB1] =	sst s4  }
0xd: {  	[smem:$0x3FB2] =	sst s5  }
0xe: {  	[smem:$0x3FB3] =	sst s6  }
0xf: {  	[smem:$0x3FB4] =	sst s7  }
0x10: {  	[smem:$0x3FB5] =	sst s8  }
0x11: {  	[smem:$0x3FB6] =	sst s9;
	s0 =	simm.s32 @!p0 $0x0  }
0x12: {  	s1 =	sld [smem:$0x3F9C];
	s0 =	simm.s32 @p0 $0x1  }
0x13: {  	[smem:$0x3FB7] =	sst s0;
	s0 =	simm.s32 @!p1 $0x0  }
0x14: {  	s2 =	sld [smem:$0x3F9B];
	s0 =	simm.s32 @p1 $0x1  }
0x15: {  	[smem:$0x3FB8] =	sst s0;
	s0 =	simm.s32 @!p2 $0x0  }
0x16: {  	s3 =	sld [smem:$0x3FDB];
	s0 =	simm.s32 @p2 $0x1  }
0x17: {  	s4 =	simm.s32 $0x1BF5;
	[smem:$0x3FBA] =	sst s0  }
0x18: {  	s0 =	sld [smem:$0x3F9D];
	_ =	swait.ge [sflag:s4], $0x0  }
0x19: {  	s7 =	sld [smem:$0x3F9E]  }
0x1a: {  	s8 =	sadd.s32 $0xFFFFE003, lr  }
0x1b: {  	s9 =	sadd.s32 $0xFFFFFEF7, lr;
	s5 =	simm.s32 $0xFFFFFFFF;
	p2 =	slt.u32 s8, $0xFFFFF086  }
0x1c: {  	p1 =	slt.u32 s9, $0xF7A;
	s5 =	simm.s32 @!p2 $0x0  }
0x1d: {  	s5 =	simm.s32 @p1 $0x1;
	p0 =	seq.s32 s7, s2  }
0x1e: {  	s7 =	smul.u32 @!p0 $0xF7A, s2;
	p2 =	seq.s32 @!p0 s5, $0x0  }
0x1f: {  	s9 =	smul.u32 $0xF7A, s1;
	s8 =	simm.s32 @!p0 $0x1BF5;
	p2 =	por !p2, p0  }
0x20: {  	[sflag:s8] =	ssyncset.s32 @!p0 $0xFFFFF086;
	s6 =	sadd.s32 @!p0 s3, s7;
	s7 =	simm.s32 @!p0 $0x108  }
0x21: {  	s3 =	sadd.s32 s3, s9;
	s6 =	sadd.s32 @!p0 $0x88, s6;
	s7 =	simm.s32 @p2 $0x1082  }
0x22: {  	[simem:s7], [sflag:s8] =	dma.local @!p0 [hbm:s6], $0xF7A  }
0x23: {  	s9 =	sor.u32 $0xD0000000, s2;
	s6 =	simm.s32 $0x108;
	_ =	swait.ge @!p0 [sflag:s8], $0x0  }
0x24: {  	s3 =	sadd.s32 $0x88, s3;
	s6 =	simm.s32 @!p1 $0x1082;
	[sflag:s4] =	ssyncset.s32 $0xFFFFF086  }
0x25: {  	[simem:s6], [sflag:s4] =	dma.local [hbm:s3], $0xF7A  }
0x26: {  	[smem:$0x3F9E] =	sst s1;
	(tag) =	ssettag s2;
	_ =	strace s9  }
0x27: {  	s1 =	sld [smem:$0x3FAE]  }
0x28: {  	s2 =	sld [smem:$0x3FAF]  }
0x29: {  	s4 =	sld [smem:$0x3FB1]  }
0x2a: {  	p0 =	seq.s32 s5, $0x0;
	s5 =	sld [smem:$0x3FB2]  }
0x2b: {  	s6 =	sld [smem:$0x3FB3]  }
0x2c: {  	s7 =	sld [smem:$0x3FB4]  }
0x2d: {  	s3 =	simm.s32 $0x108;
	s8 =	sld [smem:$0x3FB5]  }
0x2e: {  	s3 =	simm.s32 @!p0 $0x1082;
	s9 =	sld [smem:$0x3FB6]  }
0x2f: {  	lr =	sadd.s32 s0, s3;
	s0 =	sld [smem:$0x3FAD]  }
0x30: {  	s3 =	sld [smem:$0x3FB0]  }
0x31: {  	[smem:$0x3FB9] =	sst s10  }
0x32: {  	s10 =	sld [smem:$0x3FB7];
	_ =	sdelay $0x3  }
0x33: {  	p0 =	seq.s32 s10, $0x1;
	s10 =	sld [smem:$0x3FB9];
	_ =	sdelay $0x3  }
0x34: {  	[smem:$0x3FB9] =	sst s10  }
0x35: {  	s10 =	sld [smem:$0x3FB8];
	_ =	sdelay $0x3  }
0x36: {  	p1 =	seq.s32 s10, $0x1;
	s10 =	sld [smem:$0x3FB9];
	_ =	sdelay $0x3  }
0x37: {  	[smem:$0x3FB9] =	sst s10  }
0x38: {  	s10 =	sld [smem:$0x3FBA]  }
0x39: {  	_ = 	snop;
	(pc) =	sbr.ind lr, $3  }
0x3a: {  	_ = 	snop  }
0x3b: {  	_ = 	snop  }
0x3c: {  	p2 =	seq.s32 s10, $0x1;
	s10 =	sld [smem:$0x3FB9]  }
0x3d: {  	_ =	shalt  }
0x3e: {  	_ =	shalt  }
0x3f: {  	_ =	shalt  }
0x40: {  	_ =	shalt  }
0x41: {  	_ =	shalt  }
0x42: {  	_ =	shalt  }
0x43: {  	_ =	shalt  }
0x44: {  	_ =	shalt  }
0x45: {  	_ =	shalt  }
0x46: {  	_ =	shalt  }
0x47: {  	_ =	shalt  }
0x48: {  	_ =	shalt  }
0x49: {  	_ =	shalt  }
0x4a: {  	_ =	shalt  }
0x4b: {  	_ =	shalt  }
0x4c: {  	_ =	shalt  }
0x4d: {  	_ =	shalt  }
0x4e: {  	_ =	shalt  }
0x4f: {  	_ =	shalt  }
0x50: {  	_ =	shalt  }
0x51: {  	_ =	shalt  }
0x52: {  	_ =	shalt  }
0x53: {  	_ =	shalt  }
0x54: {  	_ =	shalt  }
0x55: {  	_ =	shalt  }
0x56: {  	_ =	shalt  }
0x57: {  	_ =	shalt  }
0x58: {  	_ =	shalt  }
0x59: {  	_ =	shalt  }
0x5a: {  	_ =	shalt  }
0x5b: {  	_ =	shalt  }
0x5c: {  	_ =	shalt  }
0x5d: {  	_ =	shalt  }
0x5e: {  	_ =	shalt  }
0x5f: {  	_ =	shalt  }
0x60: {  	_ =	shalt  }
0x61: {  	_ =	shalt  }
0x62: {  	_ =	shalt  }
0x63: {  	_ =	shalt  }
0x64: {  	_ =	shalt  }
0x65: {  	_ =	shalt  }
0x66: {  	_ =	shalt  }
0x67: {  	_ =	shalt  }
0x68: {  	_ =	shalt  }
0x69: {  	_ =	shalt  }
0x6a: {  	_ =	shalt  }
0x6b: {  	_ =	shalt  }
0x6c: {  	_ =	shalt  }
0x6d: {  	_ =	shalt  }
0x6e: {  	_ =	shalt  }
0x6f: {  	_ =	shalt  }
0x70: {  	_ =	shalt  }
0x71: {  	_ =	shalt  }
0x72: {  	_ =	shalt  }
0x73: {  	_ =	shalt  }
0x74: {  	_ =	shalt  }
0x75: {  	_ =	shalt  }
0x76: {  	_ =	shalt  }
0x77: {  	_ =	shalt  }
0x78: {  	_ =	shalt  }
0x79: {  	_ =	shalt  }
0x7a: {  	_ =	shalt  }
0x7b: {  	_ =	shalt  }
0x7c: {  	_ =	shalt  }
0x7d: {  	_ =	shalt  }
0x7e: {  	_ =	shalt  }
0x7f: {  	_ =	shalt  }
0x80: {  	_ =	shalt  }
0x81: {  	_ =	shalt  }
0x82: {  	_ =	shalt  }
0x83: {  	_ =	shalt  }
0x84: {  	_ =	shalt  }
0x85: {  	_ =	shalt  }
0x86: {  	_ =	shalt  }
0x87: {  	_ =	shalt  }
.Lfunc_end0:
.L_simem_size_0:
called_computation_lowered:
.L_overlay_start_0:
0x88: {  	s2 =	sld [smem:$0x3FD9]  }
0x89: {  	s3 =	sld [smem:$0x3FFE];
	_ =	sdelay $0x1  }
0x8a: {  	s1 =	srdreg.scid  }
0x8b: {  	s0 =	sand.u32 $0x1, s1  }
0x8c: {  	s14 =	sshll.u32 s0, $0xA;
	s2 =	sadd.s32 s3, s2  }
0x8d: {  	s2 =	sadd.s32 s2, s14  }
0x8e: {  	[smem:$0x3FC5] =	sst s2  }
0x8f: {  	_ = 	snop  }
0x90: {  	s2 =	sld [smem:$0x3FD0];
	_ =	sdelay $0x2  }
0x91: {  	s15 =	simm.s32 $0xA;
	s4 =	simm.s32 $0x10  }
0x92: {  	[smem:s4], [sflag:s15] =	dma.local [hbm:s2], $0x1  }
0x93: {  	_ =	swait.eq [sflag:s15], $0x1  }
0x94: {  	[sflag:s15] =	ssyncset.done $0x0  }
0x95: {  	s16 =	sld [smem:$0x10];
	[sflag:s15] =	ssyncadd.s32 $0xFFFFFFFF  }
0x96: {  	s17 =	sld [smem:$0x11];
	(tm) =	ssettm $0x1  }
0x97: {  	s18 =	sld [smem:$0x3FFB];
	_ =	sdelay $0x3  }
0x98: {  	_ =	strace s18  }
0x99: {  	s4 =	sld [smem:$0x3FFC];
	_ =	sdelay $0x3  }
0x9a: {  	_ =	strace s4  }
0x9b: {  	s4 =	sld [smem:$0x3FFD];
	_ =	sdelay $0x3  }
0x9c: {  	_ =	strace s4  }
0x9d: {  	_ =	strace $0x8FFFFFFF  }
0x9e: {  	s19 =	sld [smem:$0x3FDB];
	_ =	sdelay $0x1  }
0x9f: {  	s5 =	simm.s32 $_scs_section_size  }
0xa0: {  	s6 =	simm.s32 $_size__tile_overlayer_lowered;
	s7 =	simm.s32 $_tile_overlayer_lowered  }
0xa1: {  	s22 =	simm.s32 $0x1BFF;
	s21 =	sshll.u32 s7, $0x1;
	s4 =	sadd.s32 s5, s19  }
0xa2: {  	s8 =	simm.s32 $0x0;
	s20 =	sshll.u32 s6, $0x1;
	s6 =	sadd.s32 s21, s4  }
0xa3: {  	[timem:s8], [sflag:s22] =	dma.local [hbm:s6], s20  }
0xa4: {  	_ =	swait.ge [sflag:s22], s20  }
0xa5: {  	s5 =	ssub.s32 $0x0, s20;
	[sflag:s22] =	ssyncset.done $0x0  }
0xa6: {  	[sflag:s22] =	ssyncadd.s32 s5;
	_ =	sdelay $0x1  }
0xa7: {  	s23 =	simm.s32 $0x1B8B  }
0xa8: {  	_ =	swait.ge [sflag:s23], $0x1  }
0xa9: {  	[sflag:s23] =	ssyncset.done $0x0  }
0xaa: {  	s25 =	simm.s32 $0x1B8E;
	s24 =	sld [smem:$0x3FFE];
	[sflag:s23] =	ssyncadd.s32 $0xFFFFFFFF  }
0xab: {  	s26 =	simm.s32 $execute0_lowered;
	[smem:$0x3FD2] =	sst s25  }
0xac: {  	s6 =	sshll.u32 s26, $0x1;
	_ =	strace $0x80000046;
	[dreg:$0x1] =	wrdreg $0xFFFFFFFF  }
0xad: {  	s28 =	simm.s32 $_size_execute0_lowered;
	s4 =	sadd.s32 s4, s6;
	[dreg:$0x0] =	wrdreg $0x0  }
0xae: {  	s6 =	sshll.u32 s28, $0x1;
	[dreg:$0x2] =	wrdreg s4  }
0xaf: {  	[dreg:$0x3] =	wrdreg s6  }
0xb0: {  	[dreg:$0x4] =	wrdreg $0xC0  }
0xb1: {  	_ =	task [dreg:s8], $0x5FFFF  }
0xb2: {  	[dreg:$0x1] =	wrdreg $0xFFFFFFFF  }
0xb3: {  	[dreg:$0x0] =	wrdreg $0x60  }
0xb4: {  	[dreg:$0x2] =	wrdreg s24  }
0xb5: {  	[dreg:$0x3] =	wrdreg s17  }
0xb6: {  	[dreg:$0x4] =	wrdreg s16  }
0xb7: {  	[dreg:$0x5] =	wrdreg $0x9  }
0xb8: {  	_ =	task.clear_ibuf [dreg:s8], $0x6FFFF;
	_ =	strace $0x90000046  }
0xb9: {  	s29 =	simm.s32 $0x9;
	_ =	strace $0x80000048  }
0xba: {  	_ =	swait.ge [sflag:s29], $0x1  }
0xbb: {  	[sflag:s29] =	ssyncadd.s32 $0xFFFFFFFF  }
0xbc: {  	_ =	strace $0x90000048  }
0xbd: {  	_ =	sfence  }
0xbe: {  	s30 =	sld [smem:$0x0];
	_ =	sdelay $0x2  }
0xbf: {  	s31 =	sshll.u32 s1, $0xD;
	s1 =	sshrl.u32 s1, $0x2  }
0xc0: {  	s3 =	sand.u32 $0x4000, s31;
	s1 =	sadd.s32 s1, s30  }
0xc1: {  	s0 =	sor.u32 s3, s0;
	s1 =	sshll.u32 s1, $0x11  }
0xc2: {  	s0 =	sor.u32 s1, s0  }
0xc3: {  	s0 =	sadd.s32 $0x8F2B, s0  }
0xc4: {  	[sflag:s0] =	ssyncadd.remote.s32 $0x1  }
0xc5: {  	_ =	sfence.sel $0xFFFF  }
0xc6: {  	[dreg:$0x0] =	wrdreg $0xFFFFFFFF;
	(pc) =	sbr.abs _section_cstart, $3  }
0xc7: {  	[dreg:$0x1] =	wrdreg $0xFFFFFFFF  }
0xc8: {  	_ =	task.clear_ibuf [dreg:s8], $0x2FFFF;
	_ =	strace $0x9FFFFFFF  }
0xc9: {  	(tm) =	ssettm $0x7FFFFFFF  }
tec
execute0_lowered:
.L_overlay_start_1:
0x0: {  	(tag) =	ssettag $0x1  }
0x1: {  	s0 =	rddreg [dreg:$0x0]  }
0x2: {  	s1 =	rddreg [dreg:$0x1]  }
0x3: {  	s6 =	rddreg [dreg:$0x2];
	s3 =	srdreg.scid;
	s2 =	simm.s32 $0x0  }
0x4: {  	s4 =	stileid.u32;
	s14 =	simm.s32 $0x12800;
	s15 =	simm.s32 $0x1  }
0x5: {  	s13 =	simm.s32 $0x14400;
	s16 =	simm.s32 $0x14C00;
	s17 =	simm.s32 $0x15000  }
0x6: {  	s18 =	simm.s32 $0x15800;
	s19 =	simm.s32 $0x15C00;
	s20 =	simm.s32 $0x16400  }
0x7: {  	s21 =	simm.s32 $0x16800;
	s22 =	simm.s32 $0x17000;
	s23 =	simm.s32 $0x17400  }
0x8: {  	s24 =	simm.s32 $0x17C00;
	s28 =	simm.s32 $0x4;
	s29 =	simm.s32 $0x7  }
0x9: {  	s31 =	simm.s32 $0x0;
	s3 =	sand.u32 $0x1, s3;
	[smem:$0x7FF] =	sst s2  }
0xa: {  	s4 =	sshll.u32 s4, $0xA;
	s11 =	sadd.s32 $0x6F0900, s0;
	s5 =	sshll.u32 s3, $0x9  }
0xb: {  	_ =	strace $0x80000047;
	s8 =	ssub.s32 $0x2, s3;
	s3 =	sadd.s32 $0x4A00, s0  }
0xc: {  	s7 =	sor.u32 s5, s4;
	s10 =	sshrl.u32 s8, $0x1;
	s4 =	sadd.s32 $0x498800, s0  }
0xd: {  	s5 =	sadd.s32 $0x6F0800, s0;
	s9 =	sadd.s32 s7, s0;
	s12 =	ssub.s32 s8, s10  }
0xe: {  	s1 =	sadd.s32 s1, s7;
	s8 =	sadd.s32 $0x4B00, s0;
	s26 =	sadd.s32 s6, s7  }
.Ltmp0:
0xf: {  	s10 =	sadd.s32 $0x498900, s0;
	s6 =	simm.s32 $0x12C00;
	(pc) =	sbr.rel .LBB2_1-.Ltmp0, $4  }
0x10: {  	v2 =	vlaneseq.u32;
	vm0 =	vmmov $0xffff;
	s7 =	simm.s32 $0x13400;
	[dreg:$0x4] =	wrdreg s1;
	s25 =	sadd.s32 $0xA00, s9  }
0x11: {  	vm1 =	vmmov $0xff;
	vm3 =	vcmask $0x2720;
	vm4 =	vcmask $0x700;
	[dreg:$0x6] =	wrdreg s26;
	s30 =	smax.u32 s12, $0x1;
	s1 =	simm.s32 $0x12000  }
0x12: {  	vm2 =	vmmov $0x3;
	v1 =	vshrl.u32 v2, $0x3;
	v0 =	vand.u32 $0x7, v2;
	s9 =	simm.s32 $0x13800;
	s12 =	simm.s32 $0x14000;
	[dreg:$0x5] =	wrdreg s25  }
0x13: {  	v2 =	vor.u32 $0x8, v2;
	vm3 =	vmor vm4, vm3;
	v1 =	vmul.u32 $0x8, v1;
	s26 =	simm.s32 $0x3;
	[dreg:$0x7] =	wrdreg s30;
	s25 =	simm.s32 $0x2  }
.LBB2_15:
0x14: {  	s0 =	simm.s32 $0x5  }
0x15: {  	_ =	swait.ge [sflag:s0], $0x4B00  }
0x16: {  	[sflag:s0] =	ssyncset.done $0x0  }
0x17: {  	s30 =	simm.s32 $0x6;
	[sflag:s0] =	ssyncadd.s32 $0xFFFFB500  }
0x18: {  	_ =	swait.ge [sflag:s30], $0x4B00  }
0x19: {  	[sflag:s30] =	ssyncset.done $0x0  }
0x1a: {  	[sflag:s30] =	ssyncadd.s32 $0xFFFFB500  }
0x1b: {  	_ =	swait.ge [sflag:s29], $0x4B00  }
0x1c: {  	[sflag:s29] =	ssyncset.done $0x0  }
0x1d: {  	s30 =	simm.s32 $0x8;
	[sflag:s29] =	ssyncadd.s32 $0xFFFFB500  }
0x1e: {  	_ =	swait.ge [sflag:s30], $0x4B00  }
0x1f: {  	s31 =	rddreg [dreg:$0x8]  }
0x20: {  	s0 =	rddreg [dreg:$0x7];
	s31 =	sadd.s32 $0x1, s31  }
0x21: {  	p0 =	sne.s32 s31, s0  }
.Ltmp1:
0x22: {  	_ = 	snop;
	(pc) =	sbr.rel @!p0 .LBB2_16-.Ltmp1, $3  }
0x23: {  	_ =	sdelay $0x1  }
0x24: {  	[sflag:s30] =	ssyncset.done $0x0  }
0x25: {  	[sflag:s30] =	ssyncadd.s32 $0xFFFFB500  }
.LBB2_1:
0x26: {  	[dreg:$0x8] =	wrdreg s31  }
0x27: {  	s0 =	rddreg [dreg:$0x4];
	s30 =	simm.s32 $0x9  }
0x28: {  	[tilespmem:s2], [sflag:$0x9] =	stream.linear.gather [hbm4b:s0+s2], $0x1000, $0x38;
	[tilespmem:$0x18000] =	vst v63  }
0x29: {  	_ =	swait.ge [sflag:s30], $0x1000  }
0x2a: {  	[sflag:s30] =	ssyncset.done $0x0  }
0x2b: {  	s31 =	simm.s32 $0x1000;
	s0 =	rddreg [dreg:$0x6];
	[sflag:s30] =	ssyncadd.s32 $0xFFFFF000  }
0x2c: {  	[tilespmem:s31], [sflag:$0x9] =	stream.linear.gather [hbm4b:s0+s2], $0x1000, $0x38;
	[tilespmem:$0x18000] =	vst v63  }
0x2d: {  	_ =	swait.ge [sflag:s30], $0x1000  }
0x2e: {  	[sflag:s30] =	ssyncset.done $0x0  }
0x2f: {  	s31 =	simm.s32 $0x2000;
	s0 =	rddreg [dreg:$0x5];
	[sflag:s30] =	ssyncadd.s32 $0xFFFFF000  }
0x30: {  	[tilespmem:s31], [sflag:$0x9] =	stream.linear.gather [hbm4b:s0+s2], $0x1000, $0x38;
	[tilespmem:$0x18000] =	vst v63  }
0x31: {  	_ =	swait.ge [sflag:s30], $0x1000  }
0x32: {  	[sflag:s30] =	ssyncset.done $0x0  }
0x33: {  	[sflag:s30] =	ssyncadd.s32 $0xFFFFF000  }
0x34: {  	v3 =	vld [tilespmem:$0x0];
	_ =	sdelay $0x4  }
0x35: {  	v4 =	vshrl.u32 v3, $0x3  }
0x36: {  	v4 =	vmul.u32 $0x18, v4  }
0x37: {  	v3 =	vand.u32 $0x7, v3  }
0x38: {  	v3 =	vor.u32 v3, v4  }
0x39: {  	v4 =	vperm.xlane v3, v0;
	_ =	sdelay $0x1  }
0x3a: {  	v4 =	vadd.s32 v1, v4;
	_ =	sdelay $0x1  }
0x3b: {  	v3 =	vperm.xlane v3, v2;
	_ =	sdelay $0x1  }
0x3c: {  	s31 =	simm.s32 $0x3000;
	v3 =	vadd.s32 v1, v3  }
0x3d: {  	[tilespmem:s31], [sflag:$0x1] =	stream.indirect_vreg.gather [hbm4b:s3+s2], $0x80, v4, vm0, $0xb8;
	[tilespmem:$0x18000] =	vst v63  }
0x3e: {  	s31 =	simm.s32 $0x3800  }
0x3f: {  	[tilespmem:s31], [sflag:$0x1] =	stream.indirect_vreg.gather [hbm4b:s8+s2], $0x80, v4, vm1, $0xb8;
	[tilespmem:$0x18000] =	vst v63  }
0x40: {  	s31 =	simm.s32 $0x3C00  }
0x41: {  	[tilespmem:s31], [sflag:$0x1] =	stream.indirect_vreg.gather [hbm4b:s3+s2], $0x80, v3, vm0, $0xb8;
	[tilespmem:$0x18000] =	vst v63  }
0x42: {  	s31 =	simm.s32 $0x4400  }
0x43: {  	[tilespmem:s31], [sflag:$0x1] =	stream.indirect_vreg.gather [hbm4b:s8+s2], $0x80, v3, vm1, $0xb8;
	[tilespmem:$0x18000] =	vst v63  }
0x44: {  	v3 =	vld [tilespmem:$0x10];
	_ =	sdelay $0x4  }
0x45: {  	v53 =	vshrl.u32 v3, $0x3  }
0x46: {  	v4 =	vmul.u32 $0x18, v53  }
0x47: {  	v3 =	vand.u32 $0x7, v3  }
0x48: {  	v3 =	vor.u32 v3, v4  }
0x49: {  	v4 =	vperm.xlane v3, v0;
	_ =	sdelay $0x1  }
0x4a: {  	v4 =	vadd.s32 v1, v4;
	_ =	sdelay $0x1  }
0x4b: {  	v3 =	vperm.xlane v3, v2;
	_ =	sdelay $0x1  }
0x4c: {  	s31 =	simm.s32 $0x4800;
	v3 =	vadd.s32 v1, v3  }
0x4d: {  	[tilespmem:s31], [sflag:$0x1] =	stream.indirect_vreg.gather [hbm4b:s3+s2], $0x80, v4, vm0, $0xb8;
	[tilespmem:$0x18000] =	vst v63  }
0x4e: {  	s31 =	simm.s32 $0x5000  }
0x4f: {  	[tilespmem:s31], [sflag:$0x1] =	stream.indirect_vreg.gather [hbm4b:s8+s2], $0x80, v4, vm1, $0xb8;
	[tilespmem:$0x18000] =	vst v63  }
0x50: {  	s31 =	simm.s32 $0x5400  }
0x51: {  	[tilespmem:s31], [sflag:$0x1] =	stream.indirect_vreg.gather [hbm4b:s3+s2], $0x80, v3, vm0, $0xb8;
	[tilespmem:$0x18000] =	vst v63  }
0x52: {  	s31 =	simm.s32 $0x5C00  }
0x53: {  	[tilespmem:s31], [sflag:$0x1] =	stream.indirect_vreg.gather [hbm4b:s8+s2], $0x80, v3, vm1, $0xb8;
	[tilespmem:$0x18000] =	vst v63  }
0x54: {  	v3 =	vld [tilespmem:$0x20];
	_ =	sdelay $0x4  }
0x55: {  	v54 =	vshrl.u32 v3, $0x3  }
0x56: {  	v4 =	vmul.u32 $0x18, v54  }
0x57: {  	v3 =	vand.u32 $0x7, v3  }
0x58: {  	v3 =	vor.u32 v3, v4  }
0x59: {  	v4 =	vperm.xlane v3, v0;
	_ =	sdelay $0x1  }
0x5a: {  	v4 =	vadd.s32 v1, v4;
	_ =	sdelay $0x1  }
0x5b: {  	v3 =	vperm.xlane v3, v2;
	_ =	sdelay $0x1  }
0x5c: {  	s31 =	simm.s32 $0x6000;
	v3 =	vadd.s32 v1, v3  }
0x5d: {  	[tilespmem:s31], [sflag:$0x1] =	stream.indirect_vreg.gather [hbm4b:s3+s2], $0x80, v4, vm0, $0xb8;
	[tilespmem:$0x18000] =	vst v63  }
0x5e: {  	s31 =	simm.s32 $0x6800  }
0x5f: {  	[tilespmem:s31], [sflag:$0x1] =	stream.indirect_vreg.gather [hbm4b:s8+s2], $0x80, v4, vm1, $0xb8;
	[tilespmem:$0x18000] =	vst v63  }
0x60: {  	s31 =	simm.s32 $0x6C00  }
0x61: {  	[tilespmem:s31], [sflag:$0x1] =	stream.indirect_vreg.gather [hbm4b:s3+s2], $0x80, v3, vm0, $0xb8;
	[tilespmem:$0x18000] =	vst v63  }
0x62: {  	s31 =	simm.s32 $0x7400  }
0x63: {  	[tilespmem:s31], [sflag:$0x1] =	stream.indirect_vreg.gather [hbm4b:s8+s2], $0x80, v3, vm1, $0xb8;
	[tilespmem:$0x18000] =	vst v63  }
0x64: {  	v3 =	vld.msk [tilespmem:$0x30], $0x3;
	_ =	sdelay $0x4  }
0x65: {  	v55 =	vshrl.u32 v3, $0x3  }
0x66: {  	v4 =	vmul.u32 $0x18, v55  }
0x67: {  	v3 =	vand.u32 $0x7, v3  }
0x68: {  	v3 =	vor.u32 v3, v4  }
0x69: {  	v3 =	vperm.xlane v3, v0;
	_ =	sdelay $0x1  }
0x6a: {  	v3 =	vadd.s32 v1, v3;
	_ =	sdelay $0x3  }
0x6b: {  	s31 =	simm.s32 $0x7800  }
0x6c: {  	[tilespmem:s31], [sflag:$0x1] =	stream.indirect_vreg.gather [hbm4b:s3+s2], $0x80, v3, vm3, $0xb8;
	[tilespmem:$0x18000] =	vst v63  }
0x6d: {  	s31 =	simm.s32 $0x8000  }
0x6e: {  	[tilespmem:s31], [sflag:$0x1] =	stream.indirect_vreg.gather [hbm4b:s8+s2], $0x80, v3, vm2, $0xb8;
	[tilespmem:$0x18000] =	vst v63  }
0x6f: {  	v3 =	vld [tilespmem:$0x80];
	_ =	sdelay $0x4  }
0x70: {  	v56 =	vshrl.u32 v3, $0x3  }
0x71: {  	v4 =	vmul.u32 $0x18, v56  }
0x72: {  	v3 =	vand.u32 $0x7, v3  }
0x73: {  	v3 =	vor.u32 v3, v4  }
0x74: {  	v4 =	vperm.xlane v3, v0;
	_ =	sdelay $0x1  }
0x75: {  	v4 =	vadd.s32 v1, v4;
	_ =	sdelay $0x1  }
0x76: {  	v3 =	vperm.xlane v3, v2;
	_ =	sdelay $0x1  }
0x77: {  	s31 =	simm.s32 $0x8400;
	v3 =	vadd.s32 v1, v3  }
0x78: {  	[tilespmem:s31], [sflag:$0x2] =	stream.indirect_vreg.gather [hbm4b:s3+s2], $0x80, v4, vm0, $0xb8;
	[tilespmem:$0x18000] =	vst v63  }
0x79: {  	s31 =	simm.s32 $0x8C00  }
0x7a: {  	[tilespmem:s31], [sflag:$0x2] =	stream.indirect_vreg.gather [hbm4b:s8+s2], $0x80, v4, vm1, $0xb8;
	[tilespmem:$0x18000] =	vst v63  }
0x7b: {  	s31 =	simm.s32 $0x9000  }
0x7c: {  	[tilespmem:s31], [sflag:$0x2] =	stream.indirect_vreg.gather [hbm4b:s3+s2], $0x80, v3, vm0, $0xb8;
	[tilespmem:$0x18000] =	vst v63  }
0x7d: {  	s31 =	simm.s32 $0x9800  }
0x7e: {  	[tilespmem:s31], [sflag:$0x2] =	stream.indirect_vreg.gather [hbm4b:s8+s2], $0x80, v3, vm1, $0xb8;
	[tilespmem:$0x18000] =	vst v63  }
0x7f: {  	v3 =	vld [tilespmem:$0x90];
	_ =	sdelay $0x4  }
0x80: {  	v57 =	vshrl.u32 v3, $0x3  }
0x81: {  	v4 =	vmul.u32 $0x18, v57  }
0x82: {  	v3 =	vand.u32 $0x7, v3  }
0x83: {  	v3 =	vor.u32 v3, v4  }
0x84: {  	v4 =	vperm.xlane v3, v0;
	_ =	sdelay $0x1  }
0x85: {  	v4 =	vadd.s32 v1, v4;
	_ =	sdelay $0x1  }
0x86: {  	v3 =	vperm.xlane v3, v2;
	_ =	sdelay $0x1  }
0x87: {  	s31 =	simm.s32 $0x9C00;
	v3 =	vadd.s32 v1, v3  }
0x88: {  	[tilespmem:s31], [sflag:$0x2] =	stream.indirect_vreg.gather [hbm4b:s3+s2], $0x80, v4, vm0, $0xb8;
	[tilespmem:$0x18000] =	vst v63  }
0x89: {  	s31 =	simm.s32 $0xA400  }
0x8a: {  	[tilespmem:s31], [sflag:$0x2] =	stream.indirect_vreg.gather [hbm4b:s8+s2], $0x80, v4, vm1, $0xb8;
	[tilespmem:$0x18000] =	vst v63  }
0x8b: {  	s31 =	simm.s32 $0xA800  }
0x8c: {  	[tilespmem:s31], [sflag:$0x2] =	stream.indirect_vreg.gather [hbm4b:s3+s2], $0x80, v3, vm0, $0xb8;
	[tilespmem:$0x18000] =	vst v63  }
0x8d: {  	s31 =	simm.s32 $0xB000  }
0x8e: {  	[tilespmem:s31], [sflag:$0x2] =	stream.indirect_vreg.gather [hbm4b:s8+s2], $0x80, v3, vm1, $0xb8;
	[tilespmem:$0x18000] =	vst v63  }
0x8f: {  	v3 =	vld [tilespmem:$0xA0];
	_ =	sdelay $0x4  }
0x90: {  	v58 =	vshrl.u32 v3, $0x3  }
0x91: {  	v4 =	vmul.u32 $0x18, v58  }
0x92: {  	v3 =	vand.u32 $0x7, v3  }
0x93: {  	v3 =	vor.u32 v3, v4  }
0x94: {  	v4 =	vperm.xlane v3, v0;
	_ =	sdelay $0x1  }
0x95: {  	v4 =	vadd.s32 v1, v4;
	_ =	sdelay $0x1  }
0x96: {  	v3 =	vperm.xlane v3, v2;
	_ =	sdelay $0x1  }
0x97: {  	s31 =	simm.s32 $0xB400;
	v3 =	vadd.s32 v1, v3  }
0x98: {  	[tilespmem:s31], [sflag:$0x2] =	stream.indirect_vreg.gather [hbm4b:s3+s2], $0x80, v4, vm0, $0xb8;
	[tilespmem:$0x18000] =	vst v63  }
0x99: {  	s31 =	simm.s32 $0xBC00  }
0x9a: {  	[tilespmem:s31], [sflag:$0x2] =	stream.indirect_vreg.gather [hbm4b:s8+s2], $0x80, v4, vm1, $0xb8;
	[tilespmem:$0x18000] =	vst v63  }
0x9b: {  	s31 =	simm.s32 $0xC000  }
0x9c: {  	[tilespmem:s31], [sflag:$0x2] =	stream.indirect_vreg.gather [hbm4b:s3+s2], $0x80, v3, vm0, $0xb8;
	[tilespmem:$0x18000] =	vst v63  }
0x9d: {  	s31 =	simm.s32 $0xC800  }
0x9e: {  	[tilespmem:s31], [sflag:$0x2] =	stream.indirect_vreg.gather [hbm4b:s8+s2], $0x80, v3, vm1, $0xb8;
	[tilespmem:$0x18000] =	vst v63  }
0x9f: {  	v3 =	vld.msk [tilespmem:$0xB0], $0x3;
	_ =	sdelay $0x4  }
0xa0: {  	v59 =	vshrl.u32 v3, $0x3  }
0xa1: {  	v4 =	vmul.u32 $0x18, v59  }
0xa2: {  	v3 =	vand.u32 $0x7, v3  }
0xa3: {  	v3 =	vor.u32 v3, v4  }
0xa4: {  	v3 =	vperm.xlane v3, v0;
	_ =	sdelay $0x1  }
0xa5: {  	v3 =	vadd.s32 v1, v3;
	_ =	sdelay $0x3  }
0xa6: {  	s31 =	simm.s32 $0xCC00  }
0xa7: {  	[tilespmem:s31], [sflag:$0x2] =	stream.indirect_vreg.gather [hbm4b:s3+s2], $0x80, v3, vm3, $0xb8;
	[tilespmem:$0x18000] =	vst v63  }
0xa8: {  	s31 =	simm.s32 $0xD400  }
0xa9: {  	[tilespmem:s31], [sflag:$0x2] =	stream.indirect_vreg.gather [hbm4b:s8+s2], $0x80, v3, vm2, $0xb8;
	[tilespmem:$0x18000] =	vst v63  }
0xaa: {  	v3 =	vld [tilespmem:$0x100];
	_ =	sdelay $0x4  }
0xab: {  	v60 =	vshrl.u32 v3, $0x3  }
0xac: {  	v4 =	vmul.u32 $0x18, v60  }
0xad: {  	v3 =	vand.u32 $0x7, v3  }
0xae: {  	v3 =	vor.u32 v3, v4  }
0xaf: {  	v4 =	vperm.xlane v3, v0;
	_ =	sdelay $0x1  }
0xb0: {  	v4 =	vadd.s32 v1, v4;
	_ =	sdelay $0x1  }
0xb1: {  	v3 =	vperm.xlane v3, v2;
	_ =	sdelay $0x1  }
0xb2: {  	s31 =	simm.s32 $0xD800;
	v3 =	vadd.s32 v1, v3  }
0xb3: {  	[tilespmem:s31], [sflag:$0x3] =	stream.indirect_vreg.gather [hbm4b:s3+s2], $0x80, v4, vm0, $0xb8;
	[tilespmem:$0x18000] =	vst v63  }
0xb4: {  	s31 =	simm.s32 $0xE000  }
0xb5: {  	[tilespmem:s31], [sflag:$0x3] =	stream.indirect_vreg.gather [hbm4b:s8+s2], $0x80, v4, vm1, $0xb8;
	[tilespmem:$0x18000] =	vst v63  }
0xb6: {  	s31 =	simm.s32 $0xE400  }
0xb7: {  	[tilespmem:s31], [sflag:$0x3] =	stream.indirect_vreg.gather [hbm4b:s3+s2], $0x80, v3, vm0, $0xb8;
	[tilespmem:$0x18000] =	vst v63  }
0xb8: {  	s31 =	simm.s32 $0xEC00  }
0xb9: {  	[tilespmem:s31], [sflag:$0x3] =	stream.indirect_vreg.gather [hbm4b:s8+s2], $0x80, v3, vm1, $0xb8;
	[tilespmem:$0x18000] =	vst v63  }
0xba: {  	v3 =	vld [tilespmem:$0x110];
	_ =	sdelay $0x4  }
0xbb: {  	v61 =	vshrl.u32 v3, $0x3  }
0xbc: {  	v4 =	vmul.u32 $0x18, v61  }
0xbd: {  	v3 =	vand.u32 $0x7, v3  }
0xbe: {  	v3 =	vor.u32 v3, v4  }
0xbf: {  	v4 =	vperm.xlane v3, v0;
	_ =	sdelay $0x1  }
0xc0: {  	v4 =	vadd.s32 v1, v4;
	_ =	sdelay $0x1  }
0xc1: {  	v3 =	vperm.xlane v3, v2;
	_ =	sdelay $0x1  }
0xc2: {  	s31 =	simm.s32 $0xF000;
	v3 =	vadd.s32 v1, v3  }
0xc3: {  	[tilespmem:s31], [sflag:$0x3] =	stream.indirect_vreg.gather [hbm4b:s3+s2], $0x80, v4, vm0, $0xb8;
	[tilespmem:$0x18000] =	vst v63  }
0xc4: {  	s31 =	simm.s32 $0xF800  }
0xc5: {  	[tilespmem:s31], [sflag:$0x3] =	stream.indirect_vreg.gather [hbm4b:s8+s2], $0x80, v4, vm1, $0xb8;
	[tilespmem:$0x18000] =	vst v63  }
0xc6: {  	s31 =	simm.s32 $0xFC00  }
0xc7: {  	[tilespmem:s31], [sflag:$0x3] =	stream.indirect_vreg.gather [hbm4b:s3+s2], $0x80, v3, vm0, $0xb8;
	[tilespmem:$0x18000] =	vst v63  }
0xc8: {  	s31 =	simm.s32 $0x10400  }
0xc9: {  	[tilespmem:s31], [sflag:$0x3] =	stream.indirect_vreg.gather [hbm4b:s8+s2], $0x80, v3, vm1, $0xb8;
	[tilespmem:$0x18000] =	vst v63  }
0xca: {  	v3 =	vld [tilespmem:$0x120];
	_ =	sdelay $0x4  }
0xcb: {  	v62 =	vshrl.u32 v3, $0x3  }
0xcc: {  	v4 =	vmul.u32 $0x18, v62  }
0xcd: {  	v3 =	vand.u32 $0x7, v3  }
0xce: {  	v3 =	vor.u32 v3, v4  }
0xcf: {  	v4 =	vperm.xlane v3, v0;
	_ =	sdelay $0x1  }
0xd0: {  	v4 =	vadd.s32 v1, v4;
	_ =	sdelay $0x1  }
0xd1: {  	v3 =	vperm.xlane v3, v2;
	_ =	sdelay $0x1  }
0xd2: {  	s31 =	simm.s32 $0x10800;
	v3 =	vadd.s32 v1, v3  }
0xd3: {  	[tilespmem:s31], [sflag:$0x3] =	stream.indirect_vreg.gather [hbm4b:s3+s2], $0x80, v4, vm0, $0xb8;
	[tilespmem:$0x18000] =	vst v63  }
0xd4: {  	s31 =	simm.s32 $0x11000  }
0xd5: {  	[tilespmem:s31], [sflag:$0x3] =	stream.indirect_vreg.gather [hbm4b:s8+s2], $0x80, v4, vm1, $0xb8;
	[tilespmem:$0x18000] =	vst v63  }
0xd6: {  	s31 =	simm.s32 $0x11400  }
0xd7: {  	[tilespmem:s31], [sflag:$0x3] =	stream.indirect_vreg.gather [hbm4b:s3+s2], $0x80, v3, vm0, $0xb8;
	[tilespmem:$0x18000] =	vst v63  }
0xd8: {  	s31 =	simm.s32 $0x11C00  }
0xd9: {  	[tilespmem:s31], [sflag:$0x3] =	stream.indirect_vreg.gather [hbm4b:s8+s2], $0x80, v3, vm1, $0xb8;
	[tilespmem:$0x18000] =	vst v63  }
0xda: {  	v3 =	vld.msk [tilespmem:$0x130], $0x3;
	_ =	sdelay $0x4  }
0xdb: {  	v63 =	vshrl.u32 v3, $0x3  }
0xdc: {  	v4 =	vmul.u32 $0x18, v63  }
0xdd: {  	v3 =	vand.u32 $0x7, v3  }
0xde: {  	v3 =	vor.u32 v3, v4  }
0xdf: {  	v3 =	vperm.xlane v3, v0;
	_ =	sdelay $0x1  }
0xe0: {  	v3 =	vadd.s32 v1, v3;
	_ =	sdelay $0x4  }
0xe1: {  	[tilespmem:s1], [sflag:$0x3] =	stream.indirect_vreg.gather [hbm4b:s3+s2], $0x80, v3, vm3, $0xb8;
	[tilespmem:$0x18000] =	vst v63  }
0xe2: {  	s30 =	simm.s32 $0x0  }
0xe3: {  	[tilespmem:s14], [sflag:$0x3] =	stream.indirect_vreg.gather [hbm4b:s8+s2], $0x80, v3, vm2, $0xb8;
	[tilespmem:$0x18000] =	vst v63  }
.LBB2_2:
0xe4: {  	_ =	swait.ge [sflag:s15], $0x4B00  }
0xe5: {  	[sflag:s15] =	ssyncset.done $0x0  }
0xe6: {  	s31 =	sshra.s32 s30, $0x2;
	[sflag:s15] =	ssyncadd.s32 $0xFFFFB500  }
0xe7: {  	v3 =	vld [tilespmem:s31+$0x2000];
	_ =	sdelay $0x4  }
0xe8: {  	v4 =	vshrl.u32 v3, $0x3  }
0xe9: {  	v4 =	vmul.u32 $0x18, v4  }
0xea: {  	v3 =	vand.u32 $0x7, v3  }
0xeb: {  	v3 =	vor.u32 v3, v4  }
0xec: {  	v4 =	vperm.xlane v3, v0;
	_ =	sdelay $0x1  }
0xed: {  	v4 =	vadd.s32 v1, v4;
	_ =	sdelay $0x1  }
0xee: {  	v3 =	vperm.xlane v3, v2;
	_ =	sdelay $0x1  }
0xef: {  	s0 =	simm.s32 $0x3000;
	v3 =	vadd.s32 v1, v3  }
0xf0: {  	[hbm4b:s4+s2] =	stream.indirect_vreg.scatter [tilespmem:s0], [sflag:$0x5], $0x80, v4, vm0, $0xb8;
	[tilespmem:$0x18000] =	vst v63  }
0xf1: {  	s0 =	simm.s32 $0x3800  }
0xf2: {  	[hbm4b:s10+s2] =	stream.indirect_vreg.scatter [tilespmem:s0], [sflag:$0x5], $0x80, v4, vm1, $0xb8;
	[tilespmem:$0x18000] =	vst v63  }
0xf3: {  	s0 =	simm.s32 $0x3C00  }
0xf4: {  	[hbm4b:s4+s2] =	stream.indirect_vreg.scatter [tilespmem:s0], [sflag:$0x5], $0x80, v3, vm0, $0xb8;
	[tilespmem:$0x18000] =	vst v63  }
0xf5: {  	s0 =	simm.s32 $0x4400  }
0xf6: {  	[hbm4b:s10+s2] =	stream.indirect_vreg.scatter [tilespmem:s0], [sflag:$0x5], $0x80, v3, vm1, $0xb8;
	[tilespmem:$0x18000] =	vst v63  }
0xf7: {  	v3 =	vld [tilespmem:s31+$0x2010];
	_ =	sdelay $0x4  }
0xf8: {  	v53 =	vshrl.u32 v3, $0x3  }
0xf9: {  	v4 =	vmul.u32 $0x18, v53  }
0xfa: {  	v3 =	vand.u32 $0x7, v3  }
0xfb: {  	v3 =	vor.u32 v3, v4  }
0xfc: {  	v4 =	vperm.xlane v3, v0;
	_ =	sdelay $0x1  }
0xfd: {  	v4 =	vadd.s32 v1, v4;
	_ =	sdelay $0x1  }
0xfe: {  	v3 =	vperm.xlane v3, v2;
	_ =	sdelay $0x1  }
0xff: {  	s0 =	simm.s32 $0x4800;
	v3 =	vadd.s32 v1, v3  }
0x100: {  	[hbm4b:s4+s2] =	stream.indirect_vreg.scatter [tilespmem:s0], [sflag:$0x5], $0x80, v4, vm0, $0xb8;
	[tilespmem:$0x18000] =	vst v63  }
0x101: {  	s0 =	simm.s32 $0x5000  }
0x102: {  	[hbm4b:s10+s2] =	stream.indirect_vreg.scatter [tilespmem:s0], [sflag:$0x5], $0x80, v4, vm1, $0xb8;
	[tilespmem:$0x18000] =	vst v63  }
0x103: {  	s0 =	simm.s32 $0x5400  }
0x104: {  	[hbm4b:s4+s2] =	stream.indirect_vreg.scatter [tilespmem:s0], [sflag:$0x5], $0x80, v3, vm0, $0xb8;
	[tilespmem:$0x18000] =	vst v63  }
0x105: {  	s0 =	simm.s32 $0x5C00  }
0x106: {  	[hbm4b:s10+s2] =	stream.indirect_vreg.scatter [tilespmem:s0], [sflag:$0x5], $0x80, v3, vm1, $0xb8;
	[tilespmem:$0x18000] =	vst v63  }
0x107: {  	v3 =	vld [tilespmem:s31+$0x2020];
	_ =	sdelay $0x4  }
0x108: {  	v54 =	vshrl.u32 v3, $0x3  }
0x109: {  	v4 =	vmul.u32 $0x18, v54  }
0x10a: {  	v3 =	vand.u32 $0x7, v3  }
0x10b: {  	v3 =	vor.u32 v3, v4  }
0x10c: {  	v4 =	vperm.xlane v3, v0;
	_ =	sdelay $0x1  }
0x10d: {  	v4 =	vadd.s32 v1, v4;
	_ =	sdelay $0x1  }
0x10e: {  	v3 =	vperm.xlane v3, v2;
	_ =	sdelay $0x1  }
0x10f: {  	s0 =	simm.s32 $0x6000;
	v3 =	vadd.s32 v1, v3  }
0x110: {  	[hbm4b:s4+s2] =	stream.indirect_vreg.scatter [tilespmem:s0], [sflag:$0x5], $0x80, v4, vm0, $0xb8;
	[tilespmem:$0x18000] =	vst v63  }
0x111: {  	s0 =	simm.s32 $0x6800  }
0x112: {  	[hbm4b:s10+s2] =	stream.indirect_vreg.scatter [tilespmem:s0], [sflag:$0x5], $0x80, v4, vm1, $0xb8;
	[tilespmem:$0x18000] =	vst v63  }
0x113: {  	s0 =	simm.s32 $0x6C00  }
0x114: {  	[hbm4b:s4+s2] =	stream.indirect_vreg.scatter [tilespmem:s0], [sflag:$0x5], $0x80, v3, vm0, $0xb8;
	[tilespmem:$0x18000] =	vst v63  }
0x115: {  	s0 =	simm.s32 $0x7400  }
0x116: {  	[hbm4b:s10+s2] =	stream.indirect_vreg.scatter [tilespmem:s0], [sflag:$0x5], $0x80, v3, vm1, $0xb8;
	[tilespmem:$0x18000] =	vst v63  }
0x117: {  	v3 =	vld.msk [tilespmem:s31+$0x2030], $0x3;
	_ =	sdelay $0x4  }
0x118: {  	v55 =	vshrl.u32 v3, $0x3  }
0x119: {  	v4 =	vmul.u32 $0x18, v55  }
0x11a: {  	v3 =	vand.u32 $0x7, v3  }
0x11b: {  	v3 =	vor.u32 v3, v4  }
0x11c: {  	v3 =	vperm.xlane v3, v0;
	_ =	sdelay $0x1  }
0x11d: {  	v3 =	vadd.s32 v1, v3;
	_ =	sdelay $0x3  }
0x11e: {  	s0 =	simm.s32 $0x7800  }
0x11f: {  	[hbm4b:s4+s2] =	stream.indirect_vreg.scatter [tilespmem:s0], [sflag:$0x5], $0x80, v3, vm3, $0xb8;
	[tilespmem:$0x18000] =	vst v63  }
0x120: {  	p0 =	seq.s32 s30, $0x0;
	s0 =	simm.s32 $0x8000  }
0x121: {  	[hbm4b:s10+s2] =	stream.indirect_vreg.scatter [tilespmem:s0], [sflag:$0x5], $0x80, v3, vm2, $0xb8;
	[tilespmem:$0x18000] =	vst v63  }
0x122: {  	s0 =	simm.s32 @!p0 $0x8  }
0x123: {  	_ =	swait.ge @!p0 [sflag:s0], $0x4B00  }
0x124: {  	[sflag:s0] =	ssyncset.done @!p0 $0x0  }
0x125: {  	[sflag:s0] =	ssyncadd.s32 @!p0 $0xFFFFB500  }
0x126: {  	v3 =	vld [tilespmem:s31+$0x180];
	_ =	sdelay $0x4  }
0x127: {  	v56 =	vshrl.u32 v3, $0x3  }
0x128: {  	v4 =	vmul.u32 $0x18, v56  }
0x129: {  	v3 =	vand.u32 $0x7, v3  }
0x12a: {  	v3 =	vor.u32 v3, v4  }
0x12b: {  	v4 =	vperm.xlane v3, v0;
	_ =	sdelay $0x1  }
0x12c: {  	v4 =	vadd.s32 v1, v4;
	_ =	sdelay $0x1  }
0x12d: {  	v3 =	vperm.xlane v3, v2;
	_ =	sdelay $0x1  }
0x12e: {  	v3 =	vadd.s32 v1, v3  }
0x12f: {  	[tilespmem:s6], [sflag:$0x4] =	stream.indirect_vreg.gather [hbm4b:s3+s2], $0x80, v4, vm0, $0xb8;
	[tilespmem:$0x18000] =	vst v63  }
0x130: {  	_ = 	snop  }
0x131: {  	[tilespmem:s7], [sflag:$0x4] =	stream.indirect_vreg.gather [hbm4b:s8+s2], $0x80, v4, vm1, $0xb8;
	[tilespmem:$0x18000] =	vst v63  }
0x132: {  	_ = 	snop  }
0x133: {  	[tilespmem:s9], [sflag:$0x4] =	stream.indirect_vreg.gather [hbm4b:s3+s2], $0x80, v3, vm0, $0xb8;
	[tilespmem:$0x18000] =	vst v63  }
0x134: {  	_ = 	snop  }
0x135: {  	[tilespmem:s12], [sflag:$0x4] =	stream.indirect_vreg.gather [hbm4b:s8+s2], $0x80, v3, vm1, $0xb8;
	[tilespmem:$0x18000] =	vst v63  }
0x136: {  	v3 =	vld [tilespmem:s31+$0x190];
	_ =	sdelay $0x4  }
0x137: {  	v57 =	vshrl.u32 v3, $0x3  }
0x138: {  	v4 =	vmul.u32 $0x18, v57  }
0x139: {  	v3 =	vand.u32 $0x7, v3  }
0x13a: {  	v3 =	vor.u32 v3, v4  }
0x13b: {  	v4 =	vperm.xlane v3, v0;
	_ =	sdelay $0x1  }
0x13c: {  	v4 =	vadd.s32 v1, v4;
	_ =	sdelay $0x1  }
0x13d: {  	v3 =	vperm.xlane v3, v2;
	_ =	sdelay $0x1  }
0x13e: {  	v3 =	vadd.s32 v1, v3  }
0x13f: {  	[tilespmem:s13], [sflag:$0x4] =	stream.indirect_vreg.gather [hbm4b:s3+s2], $0x80, v4, vm0, $0xb8;
	[tilespmem:$0x18000] =	vst v63  }
0x140: {  	_ = 	snop  }
0x141: {  	[tilespmem:s16], [sflag:$0x4] =	stream.indirect_vreg.gather [hbm4b:s8+s2], $0x80, v4, vm1, $0xb8;
	[tilespmem:$0x18000] =	vst v63  }
0x142: {  	_ = 	snop  }
0x143: {  	[tilespmem:s17], [sflag:$0x4] =	stream.indirect_vreg.gather [hbm4b:s3+s2], $0x80, v3, vm0, $0xb8;
	[tilespmem:$0x18000] =	vst v63  }
0x144: {  	_ = 	snop  }
0x145: {  	[tilespmem:s18], [sflag:$0x4] =	stream.indirect_vreg.gather [hbm4b:s8+s2], $0x80, v3, vm1, $0xb8;
	[tilespmem:$0x18000] =	vst v63  }
0x146: {  	v3 =	vld [tilespmem:s31+$0x1A0];
	_ =	sdelay $0x4  }
0x147: {  	v58 =	vshrl.u32 v3, $0x3  }
0x148: {  	v4 =	vmul.u32 $0x18, v58  }
0x149: {  	v3 =	vand.u32 $0x7, v3  }
0x14a: {  	v3 =	vor.u32 v3, v4  }
0x14b: {  	v4 =	vperm.xlane v3, v0;
	_ =	sdelay $0x1  }
0x14c: {  	v4 =	vadd.s32 v1, v4;
	_ =	sdelay $0x1  }
0x14d: {  	v3 =	vperm.xlane v3, v2;
	_ =	sdelay $0x1  }
0x14e: {  	v3 =	vadd.s32 v1, v3  }
0x14f: {  	[tilespmem:s19], [sflag:$0x4] =	stream.indirect_vreg.gather [hbm4b:s3+s2], $0x80, v4, vm0, $0xb8;
	[tilespmem:$0x18000] =	vst v63  }
0x150: {  	_ = 	snop  }
0x151: {  	[tilespmem:s20], [sflag:$0x4] =	stream.indirect_vreg.gather [hbm4b:s8+s2], $0x80, v4, vm1, $0xb8;
	[tilespmem:$0x18000] =	vst v63  }
0x152: {  	_ = 	snop  }
0x153: {  	[tilespmem:s21], [sflag:$0x4] =	stream.indirect_vreg.gather [hbm4b:s3+s2], $0x80, v3, vm0, $0xb8;
	[tilespmem:$0x18000] =	vst v63  }
0x154: {  	_ = 	snop  }
0x155: {  	[tilespmem:s22], [sflag:$0x4] =	stream.indirect_vreg.gather [hbm4b:s8+s2], $0x80, v3, vm1, $0xb8;
	[tilespmem:$0x18000] =	vst v63  }
0x156: {  	v3 =	vld.msk [tilespmem:s31+$0x1B0], $0x3;
	_ =	sdelay $0x4  }
0x157: {  	v59 =	vshrl.u32 v3, $0x3  }
0x158: {  	v4 =	vmul.u32 $0x18, v59  }
0x159: {  	v3 =	vand.u32 $0x7, v3  }
0x15a: {  	v3 =	vor.u32 v3, v4  }
0x15b: {  	v3 =	vperm.xlane v3, v0;
	_ =	sdelay $0x1  }
0x15c: {  	v3 =	vadd.s32 v1, v3;
	_ =	sdelay $0x4  }
0x15d: {  	[tilespmem:s23], [sflag:$0x4] =	stream.indirect_vreg.gather [hbm4b:s3+s2], $0x80, v3, vm3, $0xb8;
	[tilespmem:$0x18000] =	vst v63  }
0x15e: {  	_ = 	snop  }
0x15f: {  	[tilespmem:s24], [sflag:$0x4] =	stream.indirect_vreg.gather [hbm4b:s8+s2], $0x80, v3, vm2, $0xb8;
	[tilespmem:$0x18000] =	vst v63  }
0x160: {  	_ =	swait.ge [sflag:s25], $0x4B00  }
0x161: {  	[sflag:s25] =	ssyncset.done $0x0  }
0x162: {  	[sflag:s25] =	ssyncadd.s32 $0xFFFFB500  }
0x163: {  	v3 =	vld [tilespmem:s31+$0x2080];
	_ =	sdelay $0x4  }
0x164: {  	v60 =	vshrl.u32 v3, $0x3  }
0x165: {  	v4 =	vmul.u32 $0x18, v60  }
0x166: {  	v3 =	vand.u32 $0x7, v3  }
0x167: {  	v3 =	vor.u32 v3, v4  }
0x168: {  	v4 =	vperm.xlane v3, v0;
	_ =	sdelay $0x1  }
0x169: {  	v4 =	vadd.s32 v1, v4;
	_ =	sdelay $0x1  }
0x16a: {  	v3 =	vperm.xlane v3, v2;
	_ =	sdelay $0x1  }
0x16b: {  	s0 =	simm.s32 $0x8400;
	v3 =	vadd.s32 v1, v3  }
0x16c: {  	[hbm4b:s4+s2] =	stream.indirect_vreg.scatter [tilespmem:s0], [sflag:$0x6], $0x80, v4, vm0, $0xb8;
	[tilespmem:$0x18000] =	vst v63  }
0x16d: {  	s0 =	simm.s32 $0x8C00  }
0x16e: {  	[hbm4b:s10+s2] =	stream.indirect_vreg.scatter [tilespmem:s0], [sflag:$0x6], $0x80, v4, vm1, $0xb8;
	[tilespmem:$0x18000] =	vst v63  }
0x16f: {  	s0 =	simm.s32 $0x9000  }
0x170: {  	[hbm4b:s4+s2] =	stream.indirect_vreg.scatter [tilespmem:s0], [sflag:$0x6], $0x80, v3, vm0, $0xb8;
	[tilespmem:$0x18000] =	vst v63  }
0x171: {  	s0 =	simm.s32 $0x9800  }
0x172: {  	[hbm4b:s10+s2] =	stream.indirect_vreg.scatter [tilespmem:s0], [sflag:$0x6], $0x80, v3, vm1, $0xb8;
	[tilespmem:$0x18000] =	vst v63  }
0x173: {  	v3 =	vld [tilespmem:s31+$0x2090];
	_ =	sdelay $0x4  }
0x174: {  	v61 =	vshrl.u32 v3, $0x3  }
0x175: {  	v4 =	vmul.u32 $0x18, v61  }
0x176: {  	v3 =	vand.u32 $0x7, v3  }
0x177: {  	v3 =	vor.u32 v3, v4  }
0x178: {  	v4 =	vperm.xlane v3, v0;
	_ =	sdelay $0x1  }
0x179: {  	v4 =	vadd.s32 v1, v4;
	_ =	sdelay $0x1  }
0x17a: {  	v3 =	vperm.xlane v3, v2;
	_ =	sdelay $0x1  }
0x17b: {  	s0 =	simm.s32 $0x9C00;
	v3 =	vadd.s32 v1, v3  }
0x17c: {  	[hbm4b:s4+s2] =	stream.indirect_vreg.scatter [tilespmem:s0], [sflag:$0x6], $0x80, v4, vm0, $0xb8;
	[tilespmem:$0x18000] =	vst v63  }
0x17d: {  	s0 =	simm.s32 $0xA400  }
0x17e: {  	[hbm4b:s10+s2] =	stream.indirect_vreg.scatter [tilespmem:s0], [sflag:$0x6], $0x80, v4, vm1, $0xb8;
	[tilespmem:$0x18000] =	vst v63  }
0x17f: {  	s0 =	simm.s32 $0xA800  }
0x180: {  	[hbm4b:s4+s2] =	stream.indirect_vreg.scatter [tilespmem:s0], [sflag:$0x6], $0x80, v3, vm0, $0xb8;
	[tilespmem:$0x18000] =	vst v63  }
0x181: {  	s0 =	simm.s32 $0xB000  }
0x182: {  	[hbm4b:s10+s2] =	stream.indirect_vreg.scatter [tilespmem:s0], [sflag:$0x6], $0x80, v3, vm1, $0xb8;
	[tilespmem:$0x18000] =	vst v63  }
0x183: {  	v3 =	vld [tilespmem:s31+$0x20A0];
	_ =	sdelay $0x4  }
0x184: {  	v62 =	vshrl.u32 v3, $0x3  }
0x185: {  	v4 =	vmul.u32 $0x18, v62  }
0x186: {  	v3 =	vand.u32 $0x7, v3  }
0x187: {  	v3 =	vor.u32 v3, v4  }
0x188: {  	v4 =	vperm.xlane v3, v0;
	_ =	sdelay $0x1  }
0x189: {  	v4 =	vadd.s32 v1, v4;
	_ =	sdelay $0x1  }
0x18a: {  	v3 =	vperm.xlane v3, v2;
	_ =	sdelay $0x1  }
0x18b: {  	s0 =	simm.s32 $0xB400;
	v3 =	vadd.s32 v1, v3  }
0x18c: {  	[hbm4b:s4+s2] =	stream.indirect_vreg.scatter [tilespmem:s0], [sflag:$0x6], $0x80, v4, vm0, $0xb8;
	[tilespmem:$0x18000] =	vst v63  }
0x18d: {  	s0 =	simm.s32 $0xBC00  }
0x18e: {  	[hbm4b:s10+s2] =	stream.indirect_vreg.scatter [tilespmem:s0], [sflag:$0x6], $0x80, v4, vm1, $0xb8;
	[tilespmem:$0x18000] =	vst v63  }
0x18f: {  	s0 =	simm.s32 $0xC000  }
0x190: {  	[hbm4b:s4+s2] =	stream.indirect_vreg.scatter [tilespmem:s0], [sflag:$0x6], $0x80, v3, vm0, $0xb8;
	[tilespmem:$0x18000] =	vst v63  }
0x191: {  	s0 =	simm.s32 $0xC800  }
0x192: {  	[hbm4b:s10+s2] =	stream.indirect_vreg.scatter [tilespmem:s0], [sflag:$0x6], $0x80, v3, vm1, $0xb8;
	[tilespmem:$0x18000] =	vst v63  }
0x193: {  	v3 =	vld.msk [tilespmem:s31+$0x20B0], $0x3;
	_ =	sdelay $0x4  }
0x194: {  	v63 =	vshrl.u32 v3, $0x3  }
0x195: {  	v4 =	vmul.u32 $0x18, v63  }
0x196: {  	v3 =	vand.u32 $0x7, v3  }
0x197: {  	v3 =	vor.u32 v3, v4  }
0x198: {  	v3 =	vperm.xlane v3, v0;
	_ =	sdelay $0x1  }
0x199: {  	v3 =	vadd.s32 v1, v3;
	_ =	sdelay $0x1  }
0x19a: {  	p0 =	seq.s32 s30, $0x3800  }
.Ltmp2:
0x19b: {  	_ = 	snop;
	(pc) =	sbr.rel @p0 .LBB2_4-.Ltmp2, $4  }
0x19c: {  	s0 =	simm.s32 $0xCC00  }
0x19d: {  	[hbm4b:s4+s2] =	stream.indirect_vreg.scatter [tilespmem:s0], [sflag:$0x6], $0x80, v3, vm3, $0xb8;
	[tilespmem:$0x18000] =	vst v63  }
0x19e: {  	s0 =	simm.s32 $0xD400  }
0x19f: {  	[hbm4b:s10+s2] =	stream.indirect_vreg.scatter [tilespmem:s0], [sflag:$0x6], $0x80, v3, vm2, $0xb8;
	[tilespmem:$0x18000] =	vst v63  }
0x1a0: {  	s0 =	simm.s32 $0x5  }
0x1a1: {  	_ =	swait.ge [sflag:s0], $0x4B00  }
0x1a2: {  	[sflag:s0] =	ssyncset.done $0x0  }
0x1a3: {  	[sflag:s0] =	ssyncadd.s32 $0xFFFFB500  }
0x1a4: {  	v3 =	vld [tilespmem:s31+$0x200];
	_ =	sdelay $0x4  }
0x1a5: {  	v4 =	vshrl.u32 v3, $0x3  }
0x1a6: {  	v4 =	vmul.u32 $0x18, v4  }
0x1a7: {  	v3 =	vand.u32 $0x7, v3  }
0x1a8: {  	v3 =	vor.u32 v3, v4  }
0x1a9: {  	v4 =	vperm.xlane v3, v0;
	_ =	sdelay $0x1  }
0x1aa: {  	v4 =	vadd.s32 v1, v4;
	_ =	sdelay $0x1  }
0x1ab: {  	v3 =	vperm.xlane v3, v2;
	_ =	sdelay $0x1  }
0x1ac: {  	s0 =	simm.s32 $0x3000;
	v3 =	vadd.s32 v1, v3  }
0x1ad: {  	[tilespmem:s0], [sflag:$0x1] =	stream.indirect_vreg.gather [hbm4b:s3+s2], $0x80, v4, vm0, $0xb8;
	[tilespmem:$0x18000] =	vst v63  }
0x1ae: {  	s0 =	simm.s32 $0x3800  }
0x1af: {  	[tilespmem:s0], [sflag:$0x1] =	stream.indirect_vreg.gather [hbm4b:s8+s2], $0x80, v4, vm1, $0xb8;
	[tilespmem:$0x18000] =	vst v63  }
0x1b0: {  	s0 =	simm.s32 $0x3C00  }
0x1b1: {  	[tilespmem:s0], [sflag:$0x1] =	stream.indirect_vreg.gather [hbm4b:s3+s2], $0x80, v3, vm0, $0xb8;
	[tilespmem:$0x18000] =	vst v63  }
0x1b2: {  	s0 =	simm.s32 $0x4400  }
0x1b3: {  	[tilespmem:s0], [sflag:$0x1] =	stream.indirect_vreg.gather [hbm4b:s8+s2], $0x80, v3, vm1, $0xb8;
	[tilespmem:$0x18000] =	vst v63  }
0x1b4: {  	v3 =	vld [tilespmem:s31+$0x210];
	_ =	sdelay $0x4  }
0x1b5: {  	v61 =	vshrl.u32 v3, $0x3  }
0x1b6: {  	v4 =	vmul.u32 $0x18, v61  }
0x1b7: {  	v3 =	vand.u32 $0x7, v3  }
0x1b8: {  	v3 =	vor.u32 v3, v4  }
0x1b9: {  	v4 =	vperm.xlane v3, v0;
	_ =	sdelay $0x1  }
0x1ba: {  	v4 =	vadd.s32 v1, v4;
	_ =	sdelay $0x1  }
0x1bb: {  	v3 =	vperm.xlane v3, v2;
	_ =	sdelay $0x1  }
0x1bc: {  	s0 =	simm.s32 $0x4800;
	v3 =	vadd.s32 v1, v3  }
0x1bd: {  	[tilespmem:s0], [sflag:$0x1] =	stream.indirect_vreg.gather [hbm4b:s3+s2], $0x80, v4, vm0, $0xb8;
	[tilespmem:$0x18000] =	vst v63  }
0x1be: {  	s0 =	simm.s32 $0x5000  }
0x1bf: {  	[tilespmem:s0], [sflag:$0x1] =	stream.indirect_vreg.gather [hbm4b:s8+s2], $0x80, v4, vm1, $0xb8;
	[tilespmem:$0x18000] =	vst v63  }
0x1c0: {  	s0 =	simm.s32 $0x5400  }
0x1c1: {  	[tilespmem:s0], [sflag:$0x1] =	stream.indirect_vreg.gather [hbm4b:s3+s2], $0x80, v3, vm0, $0xb8;
	[tilespmem:$0x18000] =	vst v63  }
0x1c2: {  	s0 =	simm.s32 $0x5C00  }
0x1c3: {  	[tilespmem:s0], [sflag:$0x1] =	stream.indirect_vreg.gather [hbm4b:s8+s2], $0x80, v3, vm1, $0xb8;
	[tilespmem:$0x18000] =	vst v63  }
0x1c4: {  	v3 =	vld [tilespmem:s31+$0x220];
	_ =	sdelay $0x4  }
0x1c5: {  	v62 =	vshrl.u32 v3, $0x3  }
0x1c6: {  	v4 =	vmul.u32 $0x18, v62  }
0x1c7: {  	v3 =	vand.u32 $0x7, v3  }
0x1c8: {  	v3 =	vor.u32 v3, v4  }
0x1c9: {  	v4 =	vperm.xlane v3, v0;
	_ =	sdelay $0x1  }
0x1ca: {  	v4 =	vadd.s32 v1, v4;
	_ =	sdelay $0x1  }
0x1cb: {  	v3 =	vperm.xlane v3, v2;
	_ =	sdelay $0x1  }
0x1cc: {  	s0 =	simm.s32 $0x6000;
	v3 =	vadd.s32 v1, v3  }
0x1cd: {  	[tilespmem:s0], [sflag:$0x1] =	stream.indirect_vreg.gather [hbm4b:s3+s2], $0x80, v4, vm0, $0xb8;
	[tilespmem:$0x18000] =	vst v63  }
0x1ce: {  	s0 =	simm.s32 $0x6800  }
0x1cf: {  	[tilespmem:s0], [sflag:$0x1] =	stream.indirect_vreg.gather [hbm4b:s8+s2], $0x80, v4, vm1, $0xb8;
	[tilespmem:$0x18000] =	vst v63  }
0x1d0: {  	s0 =	simm.s32 $0x6C00  }
0x1d1: {  	[tilespmem:s0], [sflag:$0x1] =	stream.indirect_vreg.gather [hbm4b:s3+s2], $0x80, v3, vm0, $0xb8;
	[tilespmem:$0x18000] =	vst v63  }
0x1d2: {  	s0 =	simm.s32 $0x7400  }
0x1d3: {  	[tilespmem:s0], [sflag:$0x1] =	stream.indirect_vreg.gather [hbm4b:s8+s2], $0x80, v3, vm1, $0xb8;
	[tilespmem:$0x18000] =	vst v63  }
0x1d4: {  	v3 =	vld.msk [tilespmem:s31+$0x230], $0x3;
	_ =	sdelay $0x4  }
0x1d5: {  	v63 =	vshrl.u32 v3, $0x3  }
0x1d6: {  	v4 =	vmul.u32 $0x18, v63  }
0x1d7: {  	v3 =	vand.u32 $0x7, v3  }
0x1d8: {  	v3 =	vor.u32 v3, v4  }
0x1d9: {  	v3 =	vperm.xlane v3, v0;
	_ =	sdelay $0x1  }
0x1da: {  	v3 =	vadd.s32 v1, v3;
	_ =	sdelay $0x3  }
0x1db: {  	s0 =	simm.s32 $0x7800  }
0x1dc: {  	[tilespmem:s0], [sflag:$0x1] =	stream.indirect_vreg.gather [hbm4b:s3+s2], $0x80, v3, vm3, $0xb8;
	[tilespmem:$0x18000] =	vst v63  }
0x1dd: {  	s0 =	simm.s32 $0x8000  }
0x1de: {  	[tilespmem:s0], [sflag:$0x1] =	stream.indirect_vreg.gather [hbm4b:s8+s2], $0x80, v3, vm2, $0xb8;
	[tilespmem:$0x18000] =	vst v63  }
.LBB2_4:
0x1df: {  	_ =	swait.ge [sflag:s26], $0x4B00  }
0x1e0: {  	[sflag:s26] =	ssyncset.done $0x0  }
0x1e1: {  	[sflag:s26] =	ssyncadd.s32 $0xFFFFB500  }
0x1e2: {  	v3 =	vld [tilespmem:s31+$0x2100];
	_ =	sdelay $0x4  }
0x1e3: {  	v4 =	vshrl.u32 v3, $0x3  }
0x1e4: {  	v4 =	vmul.u32 $0x18, v4  }
0x1e5: {  	v3 =	vand.u32 $0x7, v3  }
0x1e6: {  	v3 =	vor.u32 v3, v4  }
0x1e7: {  	v4 =	vperm.xlane v3, v0;
	_ =	sdelay $0x1  }
0x1e8: {  	v4 =	vadd.s32 v1, v4;
	_ =	sdelay $0x1  }
0x1e9: {  	v3 =	vperm.xlane v3, v2;
	_ =	sdelay $0x1  }
0x1ea: {  	s0 =	simm.s32 $0xD800;
	v3 =	vadd.s32 v1, v3  }
0x1eb: {  	[hbm4b:s4+s2] =	stream.indirect_vreg.scatter [tilespmem:s0], [sflag:$0x7], $0x80, v4, vm0, $0xb8;
	[tilespmem:$0x18000] =	vst v63  }
0x1ec: {  	s0 =	simm.s32 $0xE000  }
0x1ed: {  	[hbm4b:s10+s2] =	stream.indirect_vreg.scatter [tilespmem:s0], [sflag:$0x7], $0x80, v4, vm1, $0xb8;
	[tilespmem:$0x18000] =	vst v63  }
0x1ee: {  	s0 =	simm.s32 $0xE400  }
0x1ef: {  	[hbm4b:s4+s2] =	stream.indirect_vreg.scatter [tilespmem:s0], [sflag:$0x7], $0x80, v3, vm0, $0xb8;
	[tilespmem:$0x18000] =	vst v63  }
0x1f0: {  	s0 =	simm.s32 $0xEC00  }
0x1f1: {  	[hbm4b:s10+s2] =	stream.indirect_vreg.scatter [tilespmem:s0], [sflag:$0x7], $0x80, v3, vm1, $0xb8;
	[tilespmem:$0x18000] =	vst v63  }
0x1f2: {  	v3 =	vld [tilespmem:s31+$0x2110];
	_ =	sdelay $0x4  }
0x1f3: {  	v61 =	vshrl.u32 v3, $0x3  }
0x1f4: {  	v4 =	vmul.u32 $0x18, v61  }
0x1f5: {  	v3 =	vand.u32 $0x7, v3  }
0x1f6: {  	v3 =	vor.u32 v3, v4  }
0x1f7: {  	v4 =	vperm.xlane v3, v0;
	_ =	sdelay $0x1  }
0x1f8: {  	v4 =	vadd.s32 v1, v4;
	_ =	sdelay $0x1  }
0x1f9: {  	v3 =	vperm.xlane v3, v2;
	_ =	sdelay $0x1  }
0x1fa: {  	s0 =	simm.s32 $0xF000;
	v3 =	vadd.s32 v1, v3  }
0x1fb: {  	[hbm4b:s4+s2] =	stream.indirect_vreg.scatter [tilespmem:s0], [sflag:$0x7], $0x80, v4, vm0, $0xb8;
	[tilespmem:$0x18000] =	vst v63  }
0x1fc: {  	s0 =	simm.s32 $0xF800  }
0x1fd: {  	[hbm4b:s10+s2] =	stream.indirect_vreg.scatter [tilespmem:s0], [sflag:$0x7], $0x80, v4, vm1, $0xb8;
	[tilespmem:$0x18000] =	vst v63  }
0x1fe: {  	s0 =	simm.s32 $0xFC00  }
0x1ff: {  	[hbm4b:s4+s2] =	stream.indirect_vreg.scatter [tilespmem:s0], [sflag:$0x7], $0x80, v3, vm0, $0xb8;
	[tilespmem:$0x18000] =	vst v63  }
0x200: {  	s0 =	simm.s32 $0x10400  }
0x201: {  	[hbm4b:s10+s2] =	stream.indirect_vreg.scatter [tilespmem:s0], [sflag:$0x7], $0x80, v3, vm1, $0xb8;
	[tilespmem:$0x18000] =	vst v63  }
0x202: {  	v3 =	vld [tilespmem:s31+$0x2120];
	_ =	sdelay $0x4  }
0x203: {  	v62 =	vshrl.u32 v3, $0x3  }
0x204: {  	v4 =	vmul.u32 $0x18, v62  }
0x205: {  	v3 =	vand.u32 $0x7, v3  }
0x206: {  	v3 =	vor.u32 v3, v4  }
0x207: {  	v4 =	vperm.xlane v3, v0;
	_ =	sdelay $0x1  }
0x208: {  	v4 =	vadd.s32 v1, v4;
	_ =	sdelay $0x1  }
0x209: {  	v3 =	vperm.xlane v3, v2;
	_ =	sdelay $0x1  }
0x20a: {  	s0 =	simm.s32 $0x10800;
	v3 =	vadd.s32 v1, v3  }
0x20b: {  	[hbm4b:s4+s2] =	stream.indirect_vreg.scatter [tilespmem:s0], [sflag:$0x7], $0x80, v4, vm0, $0xb8;
	[tilespmem:$0x18000] =	vst v63  }
0x20c: {  	s0 =	simm.s32 $0x11000  }
0x20d: {  	[hbm4b:s10+s2] =	stream.indirect_vreg.scatter [tilespmem:s0], [sflag:$0x7], $0x80, v4, vm1, $0xb8;
	[tilespmem:$0x18000] =	vst v63  }
0x20e: {  	s0 =	simm.s32 $0x11400  }
0x20f: {  	[hbm4b:s4+s2] =	stream.indirect_vreg.scatter [tilespmem:s0], [sflag:$0x7], $0x80, v3, vm0, $0xb8;
	[tilespmem:$0x18000] =	vst v63  }
0x210: {  	s0 =	simm.s32 $0x11C00  }
0x211: {  	[hbm4b:s10+s2] =	stream.indirect_vreg.scatter [tilespmem:s0], [sflag:$0x7], $0x80, v3, vm1, $0xb8;
	[tilespmem:$0x18000] =	vst v63  }
0x212: {  	v3 =	vld.msk [tilespmem:s31+$0x2130], $0x3;
	_ =	sdelay $0x4  }
0x213: {  	v63 =	vshrl.u32 v3, $0x3  }
0x214: {  	v4 =	vmul.u32 $0x18, v63  }
0x215: {  	v3 =	vand.u32 $0x7, v3  }
0x216: {  	v3 =	vor.u32 v3, v4  }
0x217: {  	v3 =	vperm.xlane v3, v0;
	_ =	sdelay $0x1  }
0x218: {  	v3 =	vadd.s32 v1, v3;
	_ =	sdelay $0x2  }
.Ltmp3:
0x219: {  	_ = 	snop;
	(pc) =	sbr.rel @p0 .LBB2_6-.Ltmp3, $4  }
0x21a: {  	_ = 	snop  }
0x21b: {  	[hbm4b:s4+s2] =	stream.indirect_vreg.scatter [tilespmem:s1], [sflag:$0x7], $0x80, v3, vm3, $0xb8;
	[tilespmem:$0x18000] =	vst v63  }
0x21c: {  	_ = 	snop  }
0x21d: {  	[hbm4b:s10+s2] =	stream.indirect_vreg.scatter [tilespmem:s14], [sflag:$0x7], $0x80, v3, vm2, $0xb8;
	[tilespmem:$0x18000] =	vst v63  }
0x21e: {  	s0 =	simm.s32 $0x6  }
0x21f: {  	_ =	swait.ge [sflag:s0], $0x4B00  }
0x220: {  	[sflag:s0] =	ssyncset.done $0x0  }
0x221: {  	[sflag:s0] =	ssyncadd.s32 $0xFFFFB500  }
0x222: {  	v3 =	vld [tilespmem:s31+$0x280];
	_ =	sdelay $0x4  }
0x223: {  	v4 =	vshrl.u32 v3, $0x3  }
0x224: {  	v4 =	vmul.u32 $0x18, v4  }
0x225: {  	v3 =	vand.u32 $0x7, v3  }
0x226: {  	v3 =	vor.u32 v3, v4  }
0x227: {  	v4 =	vperm.xlane v3, v0;
	_ =	sdelay $0x1  }
0x228: {  	v4 =	vadd.s32 v1, v4;
	_ =	sdelay $0x1  }
0x229: {  	v3 =	vperm.xlane v3, v2;
	_ =	sdelay $0x1  }
0x22a: {  	s0 =	simm.s32 $0x8400;
	v3 =	vadd.s32 v1, v3  }
0x22b: {  	[tilespmem:s0], [sflag:$0x2] =	stream.indirect_vreg.gather [hbm4b:s3+s2], $0x80, v4, vm0, $0xb8;
	[tilespmem:$0x18000] =	vst v63  }
0x22c: {  	s0 =	simm.s32 $0x8C00  }
0x22d: {  	[tilespmem:s0], [sflag:$0x2] =	stream.indirect_vreg.gather [hbm4b:s8+s2], $0x80, v4, vm1, $0xb8;
	[tilespmem:$0x18000] =	vst v63  }
0x22e: {  	s0 =	simm.s32 $0x9000  }
0x22f: {  	[tilespmem:s0], [sflag:$0x2] =	stream.indirect_vreg.gather [hbm4b:s3+s2], $0x80, v3, vm0, $0xb8;
	[tilespmem:$0x18000] =	vst v63  }
0x230: {  	s0 =	simm.s32 $0x9800  }
0x231: {  	[tilespmem:s0], [sflag:$0x2] =	stream.indirect_vreg.gather [hbm4b:s8+s2], $0x80, v3, vm1, $0xb8;
	[tilespmem:$0x18000] =	vst v63  }
0x232: {  	v3 =	vld [tilespmem:s31+$0x290];
	_ =	sdelay $0x4  }
0x233: {  	v61 =	vshrl.u32 v3, $0x3  }
0x234: {  	v4 =	vmul.u32 $0x18, v61  }
0x235: {  	v3 =	vand.u32 $0x7, v3  }
0x236: {  	v3 =	vor.u32 v3, v4  }
0x237: {  	v4 =	vperm.xlane v3, v0;
	_ =	sdelay $0x1  }
0x238: {  	v4 =	vadd.s32 v1, v4;
	_ =	sdelay $0x1  }
0x239: {  	v3 =	vperm.xlane v3, v2;
	_ =	sdelay $0x1  }
0x23a: {  	s0 =	simm.s32 $0x9C00;
	v3 =	vadd.s32 v1, v3  }
0x23b: {  	[tilespmem:s0], [sflag:$0x2] =	stream.indirect_vreg.gather [hbm4b:s3+s2], $0x80, v4, vm0, $0xb8;
	[tilespmem:$0x18000] =	vst v63  }
0x23c: {  	s0 =	simm.s32 $0xA400  }
0x23d: {  	[tilespmem:s0], [sflag:$0x2] =	stream.indirect_vreg.gather [hbm4b:s8+s2], $0x80, v4, vm1, $0xb8;
	[tilespmem:$0x18000] =	vst v63  }
0x23e: {  	s0 =	simm.s32 $0xA800  }
0x23f: {  	[tilespmem:s0], [sflag:$0x2] =	stream.indirect_vreg.gather [hbm4b:s3+s2], $0x80, v3, vm0, $0xb8;
	[tilespmem:$0x18000] =	vst v63  }
0x240: {  	s0 =	simm.s32 $0xB000  }
0x241: {  	[tilespmem:s0], [sflag:$0x2] =	stream.indirect_vreg.gather [hbm4b:s8+s2], $0x80, v3, vm1, $0xb8;
	[tilespmem:$0x18000] =	vst v63  }
0x242: {  	v3 =	vld [tilespmem:s31+$0x2A0];
	_ =	sdelay $0x4  }
0x243: {  	v62 =	vshrl.u32 v3, $0x3  }
0x244: {  	v4 =	vmul.u32 $0x18, v62  }
0x245: {  	v3 =	vand.u32 $0x7, v3  }
0x246: {  	v3 =	vor.u32 v3, v4  }
0x247: {  	v4 =	vperm.xlane v3, v0;
	_ =	sdelay $0x1  }
0x248: {  	v4 =	vadd.s32 v1, v4;
	_ =	sdelay $0x1  }
0x249: {  	v3 =	vperm.xlane v3, v2;
	_ =	sdelay $0x1  }
0x24a: {  	s0 =	simm.s32 $0xB400;
	v3 =	vadd.s32 v1, v3  }
0x24b: {  	[tilespmem:s0], [sflag:$0x2] =	stream.indirect_vreg.gather [hbm4b:s3+s2], $0x80, v4, vm0, $0xb8;
	[tilespmem:$0x18000] =	vst v63  }
0x24c: {  	s0 =	simm.s32 $0xBC00  }
0x24d: {  	[tilespmem:s0], [sflag:$0x2] =	stream.indirect_vreg.gather [hbm4b:s8+s2], $0x80, v4, vm1, $0xb8;
	[tilespmem:$0x18000] =	vst v63  }
0x24e: {  	s0 =	simm.s32 $0xC000  }
0x24f: {  	[tilespmem:s0], [sflag:$0x2] =	stream.indirect_vreg.gather [hbm4b:s3+s2], $0x80, v3, vm0, $0xb8;
	[tilespmem:$0x18000] =	vst v63  }
0x250: {  	s0 =	simm.s32 $0xC800  }
0x251: {  	[tilespmem:s0], [sflag:$0x2] =	stream.indirect_vreg.gather [hbm4b:s8+s2], $0x80, v3, vm1, $0xb8;
	[tilespmem:$0x18000] =	vst v63  }
0x252: {  	v3 =	vld.msk [tilespmem:s31+$0x2B0], $0x3;
	_ =	sdelay $0x4  }
0x253: {  	v63 =	vshrl.u32 v3, $0x3  }
0x254: {  	v4 =	vmul.u32 $0x18, v63  }
0x255: {  	v3 =	vand.u32 $0x7, v3  }
0x256: {  	v3 =	vor.u32 v3, v4  }
0x257: {  	v3 =	vperm.xlane v3, v0;
	_ =	sdelay $0x1  }
0x258: {  	v3 =	vadd.s32 v1, v3;
	_ =	sdelay $0x3  }
0x259: {  	s0 =	simm.s32 $0xCC00  }
0x25a: {  	[tilespmem:s0], [sflag:$0x2] =	stream.indirect_vreg.gather [hbm4b:s3+s2], $0x80, v3, vm3, $0xb8;
	[tilespmem:$0x18000] =	vst v63  }
0x25b: {  	s0 =	simm.s32 $0xD400  }
0x25c: {  	[tilespmem:s0], [sflag:$0x2] =	stream.indirect_vreg.gather [hbm4b:s8+s2], $0x80, v3, vm2, $0xb8;
	[tilespmem:$0x18000] =	vst v63  }
.LBB2_6:
0x25d: {  	_ =	swait.ge [sflag:s28], $0x4B00  }
0x25e: {  	[sflag:s28] =	ssyncset.done $0x0  }
0x25f: {  	[sflag:s28] =	ssyncadd.s32 $0xFFFFB500  }
0x260: {  	v3 =	vld [tilespmem:s31+$0x2180];
	_ =	sdelay $0x4  }
0x261: {  	v4 =	vshrl.u32 v3, $0x3  }
0x262: {  	v4 =	vmul.u32 $0x18, v4  }
0x263: {  	v3 =	vand.u32 $0x7, v3  }
0x264: {  	v3 =	vor.u32 v3, v4  }
0x265: {  	v4 =	vperm.xlane v3, v0;
	_ =	sdelay $0x1  }
0x266: {  	v4 =	vadd.s32 v1, v4;
	_ =	sdelay $0x1  }
0x267: {  	v3 =	vperm.xlane v3, v2;
	_ =	sdelay $0x1  }
0x268: {  	v3 =	vadd.s32 v1, v3  }
0x269: {  	[hbm4b:s4+s2] =	stream.indirect_vreg.scatter [tilespmem:s6], [sflag:$0x8], $0x80, v4, vm0, $0xb8;
	[tilespmem:$0x18000] =	vst v63  }
0x26a: {  	_ = 	snop  }
0x26b: {  	[hbm4b:s10+s2] =	stream.indirect_vreg.scatter [tilespmem:s7], [sflag:$0x8], $0x80, v4, vm1, $0xb8;
	[tilespmem:$0x18000] =	vst v63  }
0x26c: {  	_ = 	snop  }
0x26d: {  	[hbm4b:s4+s2] =	stream.indirect_vreg.scatter [tilespmem:s9], [sflag:$0x8], $0x80, v3, vm0, $0xb8;
	[tilespmem:$0x18000] =	vst v63  }
0x26e: {  	_ = 	snop  }
0x26f: {  	[hbm4b:s10+s2] =	stream.indirect_vreg.scatter [tilespmem:s12], [sflag:$0x8], $0x80, v3, vm1, $0xb8;
	[tilespmem:$0x18000] =	vst v63  }
0x270: {  	v3 =	vld [tilespmem:s31+$0x2190];
	_ =	sdelay $0x4  }
0x271: {  	v61 =	vshrl.u32 v3, $0x3  }
0x272: {  	v4 =	vmul.u32 $0x18, v61  }
0x273: {  	v3 =	vand.u32 $0x7, v3  }
0x274: {  	v3 =	vor.u32 v3, v4  }
0x275: {  	v4 =	vperm.xlane v3, v0;
	_ =	sdelay $0x1  }
0x276: {  	v4 =	vadd.s32 v1, v4;
	_ =	sdelay $0x1  }
0x277: {  	v3 =	vperm.xlane v3, v2;
	_ =	sdelay $0x1  }
0x278: {  	v3 =	vadd.s32 v1, v3  }
0x279: {  	[hbm4b:s4+s2] =	stream.indirect_vreg.scatter [tilespmem:s13], [sflag:$0x8], $0x80, v4, vm0, $0xb8;
	[tilespmem:$0x18000] =	vst v63  }
0x27a: {  	_ = 	snop  }
0x27b: {  	[hbm4b:s10+s2] =	stream.indirect_vreg.scatter [tilespmem:s16], [sflag:$0x8], $0x80, v4, vm1, $0xb8;
	[tilespmem:$0x18000] =	vst v63  }
0x27c: {  	_ = 	snop  }
0x27d: {  	[hbm4b:s4+s2] =	stream.indirect_vreg.scatter [tilespmem:s17], [sflag:$0x8], $0x80, v3, vm0, $0xb8;
	[tilespmem:$0x18000] =	vst v63  }
0x27e: {  	_ = 	snop  }
0x27f: {  	[hbm4b:s10+s2] =	stream.indirect_vreg.scatter [tilespmem:s18], [sflag:$0x8], $0x80, v3, vm1, $0xb8;
	[tilespmem:$0x18000] =	vst v63  }
0x280: {  	v3 =	vld [tilespmem:s31+$0x21A0];
	_ =	sdelay $0x4  }
0x281: {  	v62 =	vshrl.u32 v3, $0x3  }
0x282: {  	v4 =	vmul.u32 $0x18, v62  }
0x283: {  	v3 =	vand.u32 $0x7, v3  }
0x284: {  	v3 =	vor.u32 v3, v4  }
0x285: {  	v4 =	vperm.xlane v3, v0;
	_ =	sdelay $0x1  }
0x286: {  	v4 =	vadd.s32 v1, v4;
	_ =	sdelay $0x1  }
0x287: {  	v3 =	vperm.xlane v3, v2;
	_ =	sdelay $0x1  }
0x288: {  	v3 =	vadd.s32 v1, v3  }
0x289: {  	[hbm4b:s4+s2] =	stream.indirect_vreg.scatter [tilespmem:s19], [sflag:$0x8], $0x80, v4, vm0, $0xb8;
	[tilespmem:$0x18000] =	vst v63  }
0x28a: {  	_ = 	snop  }
0x28b: {  	[hbm4b:s10+s2] =	stream.indirect_vreg.scatter [tilespmem:s20], [sflag:$0x8], $0x80, v4, vm1, $0xb8;
	[tilespmem:$0x18000] =	vst v63  }
0x28c: {  	_ = 	snop  }
0x28d: {  	[hbm4b:s4+s2] =	stream.indirect_vreg.scatter [tilespmem:s21], [sflag:$0x8], $0x80, v3, vm0, $0xb8;
	[tilespmem:$0x18000] =	vst v63  }
0x28e: {  	_ = 	snop  }
0x28f: {  	[hbm4b:s10+s2] =	stream.indirect_vreg.scatter [tilespmem:s22], [sflag:$0x8], $0x80, v3, vm1, $0xb8;
	[tilespmem:$0x18000] =	vst v63  }
0x290: {  	v3 =	vld.msk [tilespmem:s31+$0x21B0], $0x3;
	_ =	sdelay $0x4  }
0x291: {  	v63 =	vshrl.u32 v3, $0x3  }
0x292: {  	v4 =	vmul.u32 $0x18, v63  }
0x293: {  	v3 =	vand.u32 $0x7, v3  }
0x294: {  	v3 =	vor.u32 v3, v4  }
0x295: {  	v3 =	vperm.xlane v3, v0;
	_ =	sdelay $0x1  }
0x296: {  	v3 =	vadd.s32 v1, v3;
	_ =	sdelay $0x2  }
.Ltmp4:
0x297: {  	_ = 	snop;
	(pc) =	sbr.rel @p0 .LBB2_8-.Ltmp4, $4  }
0x298: {  	_ = 	snop  }
0x299: {  	[hbm4b:s4+s2] =	stream.indirect_vreg.scatter [tilespmem:s23], [sflag:$0x8], $0x80, v3, vm3, $0xb8;
	[tilespmem:$0x18000] =	vst v63  }
0x29a: {  	_ = 	snop  }
0x29b: {  	[hbm4b:s10+s2] =	stream.indirect_vreg.scatter [tilespmem:s24], [sflag:$0x8], $0x80, v3, vm2, $0xb8;
	[tilespmem:$0x18000] =	vst v63  }
0x29c: {  	_ =	swait.ge [sflag:s29], $0x4B00  }
0x29d: {  	[sflag:s29] =	ssyncset.done $0x0  }
0x29e: {  	[sflag:s29] =	ssyncadd.s32 $0xFFFFB500  }
0x29f: {  	v3 =	vld [tilespmem:s31+$0x300];
	_ =	sdelay $0x4  }
0x2a0: {  	v4 =	vshrl.u32 v3, $0x3  }
0x2a1: {  	v4 =	vmul.u32 $0x18, v4  }
0x2a2: {  	v3 =	vand.u32 $0x7, v3  }
0x2a3: {  	v3 =	vor.u32 v3, v4  }
0x2a4: {  	v4 =	vperm.xlane v3, v0;
	_ =	sdelay $0x1  }
0x2a5: {  	v4 =	vadd.s32 v1, v4;
	_ =	sdelay $0x1  }
0x2a6: {  	v3 =	vperm.xlane v3, v2;
	_ =	sdelay $0x1  }
0x2a7: {  	s0 =	simm.s32 $0xD800;
	v3 =	vadd.s32 v1, v3  }
0x2a8: {  	[tilespmem:s0], [sflag:$0x3] =	stream.indirect_vreg.gather [hbm4b:s3+s2], $0x80, v4, vm0, $0xb8;
	[tilespmem:$0x18000] =	vst v63  }
0x2a9: {  	s0 =	simm.s32 $0xE000  }
0x2aa: {  	[tilespmem:s0], [sflag:$0x3] =	stream.indirect_vreg.gather [hbm4b:s8+s2], $0x80, v4, vm1, $0xb8;
	[tilespmem:$0x18000] =	vst v63  }
0x2ab: {  	s0 =	simm.s32 $0xE400  }
0x2ac: {  	[tilespmem:s0], [sflag:$0x3] =	stream.indirect_vreg.gather [hbm4b:s3+s2], $0x80, v3, vm0, $0xb8;
	[tilespmem:$0x18000] =	vst v63  }
0x2ad: {  	s0 =	simm.s32 $0xEC00  }
0x2ae: {  	[tilespmem:s0], [sflag:$0x3] =	stream.indirect_vreg.gather [hbm4b:s8+s2], $0x80, v3, vm1, $0xb8;
	[tilespmem:$0x18000] =	vst v63  }
0x2af: {  	v3 =	vld [tilespmem:s31+$0x310];
	_ =	sdelay $0x4  }
0x2b0: {  	v61 =	vshrl.u32 v3, $0x3  }
0x2b1: {  	v4 =	vmul.u32 $0x18, v61  }
0x2b2: {  	v3 =	vand.u32 $0x7, v3  }
0x2b3: {  	v3 =	vor.u32 v3, v4  }
0x2b4: {  	v4 =	vperm.xlane v3, v0;
	_ =	sdelay $0x1  }
0x2b5: {  	v4 =	vadd.s32 v1, v4;
	_ =	sdelay $0x1  }
0x2b6: {  	v3 =	vperm.xlane v3, v2;
	_ =	sdelay $0x1  }
0x2b7: {  	s0 =	simm.s32 $0xF000;
	v3 =	vadd.s32 v1, v3  }
0x2b8: {  	[tilespmem:s0], [sflag:$0x3] =	stream.indirect_vreg.gather [hbm4b:s3+s2], $0x80, v4, vm0, $0xb8;
	[tilespmem:$0x18000] =	vst v63  }
0x2b9: {  	s0 =	simm.s32 $0xF800  }
0x2ba: {  	[tilespmem:s0], [sflag:$0x3] =	stream.indirect_vreg.gather [hbm4b:s8+s2], $0x80, v4, vm1, $0xb8;
	[tilespmem:$0x18000] =	vst v63  }
0x2bb: {  	s0 =	simm.s32 $0xFC00  }
0x2bc: {  	[tilespmem:s0], [sflag:$0x3] =	stream.indirect_vreg.gather [hbm4b:s3+s2], $0x80, v3, vm0, $0xb8;
	[tilespmem:$0x18000] =	vst v63  }
0x2bd: {  	s0 =	simm.s32 $0x10400  }
0x2be: {  	[tilespmem:s0], [sflag:$0x3] =	stream.indirect_vreg.gather [hbm4b:s8+s2], $0x80, v3, vm1, $0xb8;
	[tilespmem:$0x18000] =	vst v63  }
0x2bf: {  	v3 =	vld [tilespmem:s31+$0x320];
	_ =	sdelay $0x4  }
0x2c0: {  	v62 =	vshrl.u32 v3, $0x3  }
0x2c1: {  	v4 =	vmul.u32 $0x18, v62  }
0x2c2: {  	v3 =	vand.u32 $0x7, v3  }
0x2c3: {  	v3 =	vor.u32 v3, v4  }
0x2c4: {  	v4 =	vperm.xlane v3, v0;
	_ =	sdelay $0x1  }
0x2c5: {  	v4 =	vadd.s32 v1, v4;
	_ =	sdelay $0x1  }
0x2c6: {  	v3 =	vperm.xlane v3, v2;
	_ =	sdelay $0x1  }
0x2c7: {  	s0 =	simm.s32 $0x10800;
	v3 =	vadd.s32 v1, v3  }
0x2c8: {  	[tilespmem:s0], [sflag:$0x3] =	stream.indirect_vreg.gather [hbm4b:s3+s2], $0x80, v4, vm0, $0xb8;
	[tilespmem:$0x18000] =	vst v63  }
0x2c9: {  	s0 =	simm.s32 $0x11000  }
0x2ca: {  	[tilespmem:s0], [sflag:$0x3] =	stream.indirect_vreg.gather [hbm4b:s8+s2], $0x80, v4, vm1, $0xb8;
	[tilespmem:$0x18000] =	vst v63  }
0x2cb: {  	s0 =	simm.s32 $0x11400  }
0x2cc: {  	[tilespmem:s0], [sflag:$0x3] =	stream.indirect_vreg.gather [hbm4b:s3+s2], $0x80, v3, vm0, $0xb8;
	[tilespmem:$0x18000] =	vst v63  }
0x2cd: {  	s0 =	simm.s32 $0x11C00  }
0x2ce: {  	[tilespmem:s0], [sflag:$0x3] =	stream.indirect_vreg.gather [hbm4b:s8+s2], $0x80, v3, vm1, $0xb8;
	[tilespmem:$0x18000] =	vst v63  }
0x2cf: {  	v3 =	vld.msk [tilespmem:s31+$0x330], $0x3;
	_ =	sdelay $0x4  }
0x2d0: {  	v63 =	vshrl.u32 v3, $0x3  }
0x2d1: {  	v4 =	vmul.u32 $0x18, v63  }
0x2d2: {  	v3 =	vand.u32 $0x7, v3  }
0x2d3: {  	v3 =	vor.u32 v3, v4  }
0x2d4: {  	v3 =	vperm.xlane v3, v0;
	_ =	sdelay $0x1  }
0x2d5: {  	v3 =	vadd.s32 v1, v3;
	_ =	sdelay $0x2  }
.Ltmp5:
0x2d6: {  	_ = 	snop;
	(pc) =	sbr.rel .LBB2_2-.Ltmp5, $4  }
0x2d7: {  	_ = 	snop  }
0x2d8: {  	[tilespmem:s1], [sflag:$0x3] =	stream.indirect_vreg.gather [hbm4b:s3+s2], $0x80, v3, vm3, $0xb8;
	[tilespmem:$0x18000] =	vst v63  }
0x2d9: {  	s30 =	sadd.s32 $0x800, s30  }
0x2da: {  	[tilespmem:s14], [sflag:$0x3] =	stream.indirect_vreg.gather [hbm4b:s8+s2], $0x80, v3, vm2, $0xb8;
	[tilespmem:$0x18000] =	vst v63  }
.LBB2_8:
0x2db: {  	s0 =	simm.s32 $0x5  }
0x2dc: {  	_ =	swait.ge [sflag:s0], $0x4B00  }
0x2dd: {  	[sflag:s0] =	ssyncset.done $0x0  }
0x2de: {  	s31 =	simm.s32 $0x6;
	[sflag:s0] =	ssyncadd.s32 $0xFFFFB500  }
0x2df: {  	_ =	swait.ge [sflag:s31], $0x4B00  }
0x2e0: {  	[sflag:s31] =	ssyncset.done $0x0  }
0x2e1: {  	[sflag:s31] =	ssyncadd.s32 $0xFFFFB500  }
0x2e2: {  	_ =	swait.ge [sflag:s29], $0x4B00  }
0x2e3: {  	[sflag:s29] =	ssyncset.done $0x0  }
0x2e4: {  	s31 =	simm.s32 $0x8;
	[sflag:s29] =	ssyncadd.s32 $0xFFFFB500  }
0x2e5: {  	_ =	swait.ge [sflag:s31], $0x4B00  }
0x2e6: {  	[sflag:s31] =	ssyncset.done $0x0  }
0x2e7: {  	[sflag:s31] =	ssyncadd.s32 $0xFFFFB500  }
0x2e8: {  	v3 =	vld [tilespmem:$0x1000];
	_ =	sdelay $0x4  }
0x2e9: {  	v4 =	vshrl.u32 v3, $0x3  }
0x2ea: {  	v4 =	vmul.u32 $0x18, v4  }
0x2eb: {  	v3 =	vand.u32 $0x7, v3  }
0x2ec: {  	v3 =	vor.u32 v3, v4  }
0x2ed: {  	v4 =	vperm.xlane v3, v0;
	_ =	sdelay $0x1  }
0x2ee: {  	v4 =	vadd.s32 v1, v4;
	_ =	sdelay $0x1  }
0x2ef: {  	v3 =	vperm.xlane v3, v2;
	_ =	sdelay $0x1  }
0x2f0: {  	s30 =	simm.s32 $0x0;
	s31 =	simm.s32 $0x3000;
	v3 =	vadd.s32 v1, v3  }
0x2f1: {  	[tilespmem:s31], [sflag:$0x1] =	stream.indirect_vreg.gather [hbm4b:s3+s30], $0x80, v4, vm0, $0xb8;
	[tilespmem:$0x18000] =	vst v63  }
0x2f2: {  	s31 =	simm.s32 $0x3800  }
0x2f3: {  	[tilespmem:s31], [sflag:$0x1] =	stream.indirect_vreg.gather [hbm4b:s8+s30], $0x80, v4, vm1, $0xb8;
	[tilespmem:$0x18000] =	vst v63  }
0x2f4: {  	s31 =	simm.s32 $0x3C00  }
0x2f5: {  	[tilespmem:s31], [sflag:$0x1] =	stream.indirect_vreg.gather [hbm4b:s3+s30], $0x80, v3, vm0, $0xb8;
	[tilespmem:$0x18000] =	vst v63  }
0x2f6: {  	s31 =	simm.s32 $0x4400  }
0x2f7: {  	[tilespmem:s31], [sflag:$0x1] =	stream.indirect_vreg.gather [hbm4b:s8+s30], $0x80, v3, vm1, $0xb8;
	[tilespmem:$0x18000] =	vst v63  }
0x2f8: {  	v3 =	vld [tilespmem:$0x1010];
	_ =	sdelay $0x4  }
0x2f9: {  	v53 =	vshrl.u32 v3, $0x3  }
0x2fa: {  	v4 =	vmul.u32 $0x18, v53  }
0x2fb: {  	v3 =	vand.u32 $0x7, v3  }
0x2fc: {  	v3 =	vor.u32 v3, v4  }
0x2fd: {  	v4 =	vperm.xlane v3, v0;
	_ =	sdelay $0x1  }
0x2fe: {  	v4 =	vadd.s32 v1, v4;
	_ =	sdelay $0x1  }
0x2ff: {  	v3 =	vperm.xlane v3, v2;
	_ =	sdelay $0x1  }
0x300: {  	s31 =	simm.s32 $0x4800;
	v3 =	vadd.s32 v1, v3  }
0x301: {  	[tilespmem:s31], [sflag:$0x1] =	stream.indirect_vreg.gather [hbm4b:s3+s30], $0x80, v4, vm0, $0xb8;
	[tilespmem:$0x18000] =	vst v63  }
0x302: {  	s31 =	simm.s32 $0x5000  }
0x303: {  	[tilespmem:s31], [sflag:$0x1] =	stream.indirect_vreg.gather [hbm4b:s8+s30], $0x80, v4, vm1, $0xb8;
	[tilespmem:$0x18000] =	vst v63  }
0x304: {  	s31 =	simm.s32 $0x5400  }
0x305: {  	[tilespmem:s31], [sflag:$0x1] =	stream.indirect_vreg.gather [hbm4b:s3+s30], $0x80, v3, vm0, $0xb8;
	[tilespmem:$0x18000] =	vst v63  }
0x306: {  	s31 =	simm.s32 $0x5C00  }
0x307: {  	[tilespmem:s31], [sflag:$0x1] =	stream.indirect_vreg.gather [hbm4b:s8+s30], $0x80, v3, vm1, $0xb8;
	[tilespmem:$0x18000] =	vst v63  }
0x308: {  	v3 =	vld [tilespmem:$0x1020];
	_ =	sdelay $0x4  }
0x309: {  	v54 =	vshrl.u32 v3, $0x3  }
0x30a: {  	v4 =	vmul.u32 $0x18, v54  }
0x30b: {  	v3 =	vand.u32 $0x7, v3  }
0x30c: {  	v3 =	vor.u32 v3, v4  }
0x30d: {  	v4 =	vperm.xlane v3, v0;
	_ =	sdelay $0x1  }
0x30e: {  	v4 =	vadd.s32 v1, v4;
	_ =	sdelay $0x1  }
0x30f: {  	v3 =	vperm.xlane v3, v2;
	_ =	sdelay $0x1  }
0x310: {  	s31 =	simm.s32 $0x6000;
	v3 =	vadd.s32 v1, v3  }
0x311: {  	[tilespmem:s31], [sflag:$0x1] =	stream.indirect_vreg.gather [hbm4b:s3+s30], $0x80, v4, vm0, $0xb8;
	[tilespmem:$0x18000] =	vst v63  }
0x312: {  	s31 =	simm.s32 $0x6800  }
0x313: {  	[tilespmem:s31], [sflag:$0x1] =	stream.indirect_vreg.gather [hbm4b:s8+s30], $0x80, v4, vm1, $0xb8;
	[tilespmem:$0x18000] =	vst v63  }
0x314: {  	s31 =	simm.s32 $0x6C00  }
0x315: {  	[tilespmem:s31], [sflag:$0x1] =	stream.indirect_vreg.gather [hbm4b:s3+s30], $0x80, v3, vm0, $0xb8;
	[tilespmem:$0x18000] =	vst v63  }
0x316: {  	s31 =	simm.s32 $0x7400  }
0x317: {  	[tilespmem:s31], [sflag:$0x1] =	stream.indirect_vreg.gather [hbm4b:s8+s30], $0x80, v3, vm1, $0xb8;
	[tilespmem:$0x18000] =	vst v63  }
0x318: {  	v3 =	vld.msk [tilespmem:$0x1030], $0x3;
	_ =	sdelay $0x4  }
0x319: {  	v55 =	vshrl.u32 v3, $0x3  }
0x31a: {  	v4 =	vmul.u32 $0x18, v55  }
0x31b: {  	v3 =	vand.u32 $0x7, v3  }
0x31c: {  	v3 =	vor.u32 v3, v4  }
0x31d: {  	v3 =	vperm.xlane v3, v0;
	_ =	sdelay $0x1  }
0x31e: {  	v3 =	vadd.s32 v1, v3;
	_ =	sdelay $0x3  }
0x31f: {  	s31 =	simm.s32 $0x7800  }
0x320: {  	[tilespmem:s31], [sflag:$0x1] =	stream.indirect_vreg.gather [hbm4b:s3+s30], $0x80, v3, vm3, $0xb8;
	[tilespmem:$0x18000] =	vst v63  }
0x321: {  	s31 =	simm.s32 $0x8000  }
0x322: {  	[tilespmem:s31], [sflag:$0x1] =	stream.indirect_vreg.gather [hbm4b:s8+s30], $0x80, v3, vm2, $0xb8;
	[tilespmem:$0x18000] =	vst v63  }
0x323: {  	v3 =	vld [tilespmem:$0x1080];
	_ =	sdelay $0x4  }
0x324: {  	v56 =	vshrl.u32 v3, $0x3  }
0x325: {  	v4 =	vmul.u32 $0x18, v56  }
0x326: {  	v3 =	vand.u32 $0x7, v3  }
0x327: {  	v3 =	vor.u32 v3, v4  }
0x328: {  	v4 =	vperm.xlane v3, v0;
	_ =	sdelay $0x1  }
0x329: {  	v4 =	vadd.s32 v1, v4;
	_ =	sdelay $0x1  }
0x32a: {  	v3 =	vperm.xlane v3, v2;
	_ =	sdelay $0x1  }
0x32b: {  	s31 =	simm.s32 $0x8400;
	v3 =	vadd.s32 v1, v3  }
0x32c: {  	[tilespmem:s31], [sflag:$0x2] =	stream.indirect_vreg.gather [hbm4b:s3+s30], $0x80, v4, vm0, $0xb8;
	[tilespmem:$0x18000] =	vst v63  }
0x32d: {  	s31 =	simm.s32 $0x8C00  }
0x32e: {  	[tilespmem:s31], [sflag:$0x2] =	stream.indirect_vreg.gather [hbm4b:s8+s30], $0x80, v4, vm1, $0xb8;
	[tilespmem:$0x18000] =	vst v63  }
0x32f: {  	s31 =	simm.s32 $0x9000  }
0x330: {  	[tilespmem:s31], [sflag:$0x2] =	stream.indirect_vreg.gather [hbm4b:s3+s30], $0x80, v3, vm0, $0xb8;
	[tilespmem:$0x18000] =	vst v63  }
0x331: {  	s31 =	simm.s32 $0x9800  }
0x332: {  	[tilespmem:s31], [sflag:$0x2] =	stream.indirect_vreg.gather [hbm4b:s8+s30], $0x80, v3, vm1, $0xb8;
	[tilespmem:$0x18000] =	vst v63  }
0x333: {  	v3 =	vld [tilespmem:$0x1090];
	_ =	sdelay $0x4  }
0x334: {  	v57 =	vshrl.u32 v3, $0x3  }
0x335: {  	v4 =	vmul.u32 $0x18, v57  }
0x336: {  	v3 =	vand.u32 $0x7, v3  }
0x337: {  	v3 =	vor.u32 v3, v4  }
0x338: {  	v4 =	vperm.xlane v3, v0;
	_ =	sdelay $0x1  }
0x339: {  	v4 =	vadd.s32 v1, v4;
	_ =	sdelay $0x1  }
0x33a: {  	v3 =	vperm.xlane v3, v2;
	_ =	sdelay $0x1  }
0x33b: {  	s31 =	simm.s32 $0x9C00;
	v3 =	vadd.s32 v1, v3  }
0x33c: {  	[tilespmem:s31], [sflag:$0x2] =	stream.indirect_vreg.gather [hbm4b:s3+s30], $0x80, v4, vm0, $0xb8;
	[tilespmem:$0x18000] =	vst v63  }
0x33d: {  	s31 =	simm.s32 $0xA400  }
0x33e: {  	[tilespmem:s31], [sflag:$0x2] =	stream.indirect_vreg.gather [hbm4b:s8+s30], $0x80, v4, vm1, $0xb8;
	[tilespmem:$0x18000] =	vst v63  }
0x33f: {  	s31 =	simm.s32 $0xA800  }
0x340: {  	[tilespmem:s31], [sflag:$0x2] =	stream.indirect_vreg.gather [hbm4b:s3+s30], $0x80, v3, vm0, $0xb8;
	[tilespmem:$0x18000] =	vst v63  }
0x341: {  	s31 =	simm.s32 $0xB000  }
0x342: {  	[tilespmem:s31], [sflag:$0x2] =	stream.indirect_vreg.gather [hbm4b:s8+s30], $0x80, v3, vm1, $0xb8;
	[tilespmem:$0x18000] =	vst v63  }
0x343: {  	v3 =	vld [tilespmem:$0x10A0];
	_ =	sdelay $0x4  }
0x344: {  	v58 =	vshrl.u32 v3, $0x3  }
0x345: {  	v4 =	vmul.u32 $0x18, v58  }
0x346: {  	v3 =	vand.u32 $0x7, v3  }
0x347: {  	v3 =	vor.u32 v3, v4  }
0x348: {  	v4 =	vperm.xlane v3, v0;
	_ =	sdelay $0x1  }
0x349: {  	v4 =	vadd.s32 v1, v4;
	_ =	sdelay $0x1  }
0x34a: {  	v3 =	vperm.xlane v3, v2;
	_ =	sdelay $0x1  }
0x34b: {  	s31 =	simm.s32 $0xB400;
	v3 =	vadd.s32 v1, v3  }
0x34c: {  	[tilespmem:s31], [sflag:$0x2] =	stream.indirect_vreg.gather [hbm4b:s3+s30], $0x80, v4, vm0, $0xb8;
	[tilespmem:$0x18000] =	vst v63  }
0x34d: {  	s31 =	simm.s32 $0xBC00  }
0x34e: {  	[tilespmem:s31], [sflag:$0x2] =	stream.indirect_vreg.gather [hbm4b:s8+s30], $0x80, v4, vm1, $0xb8;
	[tilespmem:$0x18000] =	vst v63  }
0x34f: {  	s31 =	simm.s32 $0xC000  }
0x350: {  	[tilespmem:s31], [sflag:$0x2] =	stream.indirect_vreg.gather [hbm4b:s3+s30], $0x80, v3, vm0, $0xb8;
	[tilespmem:$0x18000] =	vst v63  }
0x351: {  	s31 =	simm.s32 $0xC800  }
0x352: {  	[tilespmem:s31], [sflag:$0x2] =	stream.indirect_vreg.gather [hbm4b:s8+s30], $0x80, v3, vm1, $0xb8;
	[tilespmem:$0x18000] =	vst v63  }
0x353: {  	v3 =	vld.msk [tilespmem:$0x10B0], $0x3;
	_ =	sdelay $0x4  }
0x354: {  	v59 =	vshrl.u32 v3, $0x3  }
0x355: {  	v4 =	vmul.u32 $0x18, v59  }
0x356: {  	v3 =	vand.u32 $0x7, v3  }
0x357: {  	v3 =	vor.u32 v3, v4  }
0x358: {  	v3 =	vperm.xlane v3, v0;
	_ =	sdelay $0x1  }
0x359: {  	v3 =	vadd.s32 v1, v3;
	_ =	sdelay $0x3  }
0x35a: {  	s31 =	simm.s32 $0xCC00  }
0x35b: {  	[tilespmem:s31], [sflag:$0x2] =	stream.indirect_vreg.gather [hbm4b:s3+s30], $0x80, v3, vm3, $0xb8;
	[tilespmem:$0x18000] =	vst v63  }
0x35c: {  	s31 =	simm.s32 $0xD400  }
0x35d: {  	[tilespmem:s31], [sflag:$0x2] =	stream.indirect_vreg.gather [hbm4b:s8+s30], $0x80, v3, vm2, $0xb8;
	[tilespmem:$0x18000] =	vst v63  }
0x35e: {  	v3 =	vld [tilespmem:$0x1100];
	_ =	sdelay $0x4  }
0x35f: {  	v60 =	vshrl.u32 v3, $0x3  }
0x360: {  	v4 =	vmul.u32 $0x18, v60  }
0x361: {  	v3 =	vand.u32 $0x7, v3  }
0x362: {  	v3 =	vor.u32 v3, v4  }
0x363: {  	v4 =	vperm.xlane v3, v0;
	_ =	sdelay $0x1  }
0x364: {  	v4 =	vadd.s32 v1, v4;
	_ =	sdelay $0x1  }
0x365: {  	v3 =	vperm.xlane v3, v2;
	_ =	sdelay $0x1  }
0x366: {  	s31 =	simm.s32 $0xD800;
	v3 =	vadd.s32 v1, v3  }
0x367: {  	[tilespmem:s31], [sflag:$0x3] =	stream.indirect_vreg.gather [hbm4b:s3+s30], $0x80, v4, vm0, $0xb8;
	[tilespmem:$0x18000] =	vst v63  }
0x368: {  	s31 =	simm.s32 $0xE000  }
0x369: {  	[tilespmem:s31], [sflag:$0x3] =	stream.indirect_vreg.gather [hbm4b:s8+s30], $0x80, v4, vm1, $0xb8;
	[tilespmem:$0x18000] =	vst v63  }
0x36a: {  	s31 =	simm.s32 $0xE400  }
0x36b: {  	[tilespmem:s31], [sflag:$0x3] =	stream.indirect_vreg.gather [hbm4b:s3+s30], $0x80, v3, vm0, $0xb8;
	[tilespmem:$0x18000] =	vst v63  }
0x36c: {  	s31 =	simm.s32 $0xEC00  }
0x36d: {  	[tilespmem:s31], [sflag:$0x3] =	stream.indirect_vreg.gather [hbm4b:s8+s30], $0x80, v3, vm1, $0xb8;
	[tilespmem:$0x18000] =	vst v63  }
0x36e: {  	v3 =	vld [tilespmem:$0x1110];
	_ =	sdelay $0x4  }
0x36f: {  	v61 =	vshrl.u32 v3, $0x3  }
0x370: {  	v4 =	vmul.u32 $0x18, v61  }
0x371: {  	v3 =	vand.u32 $0x7, v3  }
0x372: {  	v3 =	vor.u32 v3, v4  }
0x373: {  	v4 =	vperm.xlane v3, v0;
	_ =	sdelay $0x1  }
0x374: {  	v4 =	vadd.s32 v1, v4;
	_ =	sdelay $0x1  }
0x375: {  	v3 =	vperm.xlane v3, v2;
	_ =	sdelay $0x1  }
0x376: {  	s31 =	simm.s32 $0xF000;
	v3 =	vadd.s32 v1, v3  }
0x377: {  	[tilespmem:s31], [sflag:$0x3] =	stream.indirect_vreg.gather [hbm4b:s3+s30], $0x80, v4, vm0, $0xb8;
	[tilespmem:$0x18000] =	vst v63  }
0x378: {  	s31 =	simm.s32 $0xF800  }
0x379: {  	[tilespmem:s31], [sflag:$0x3] =	stream.indirect_vreg.gather [hbm4b:s8+s30], $0x80, v4, vm1, $0xb8;
	[tilespmem:$0x18000] =	vst v63  }
0x37a: {  	s31 =	simm.s32 $0xFC00  }
0x37b: {  	[tilespmem:s31], [sflag:$0x3] =	stream.indirect_vreg.gather [hbm4b:s3+s30], $0x80, v3, vm0, $0xb8;
	[tilespmem:$0x18000] =	vst v63  }
0x37c: {  	s31 =	simm.s32 $0x10400  }
0x37d: {  	[tilespmem:s31], [sflag:$0x3] =	stream.indirect_vreg.gather [hbm4b:s8+s30], $0x80, v3, vm1, $0xb8;
	[tilespmem:$0x18000] =	vst v63  }
0x37e: {  	v3 =	vld [tilespmem:$0x1120];
	_ =	sdelay $0x4  }
0x37f: {  	v62 =	vshrl.u32 v3, $0x3  }
0x380: {  	v4 =	vmul.u32 $0x18, v62  }
0x381: {  	v3 =	vand.u32 $0x7, v3  }
0x382: {  	v3 =	vor.u32 v3, v4  }
0x383: {  	v4 =	vperm.xlane v3, v0;
	_ =	sdelay $0x1  }
0x384: {  	v4 =	vadd.s32 v1, v4;
	_ =	sdelay $0x1  }
0x385: {  	v3 =	vperm.xlane v3, v2;
	_ =	sdelay $0x1  }
0x386: {  	s31 =	simm.s32 $0x10800;
	v3 =	vadd.s32 v1, v3  }
0x387: {  	[tilespmem:s31], [sflag:$0x3] =	stream.indirect_vreg.gather [hbm4b:s3+s30], $0x80, v4, vm0, $0xb8;
	[tilespmem:$0x18000] =	vst v63  }
0x388: {  	s31 =	simm.s32 $0x11000  }
0x389: {  	[tilespmem:s31], [sflag:$0x3] =	stream.indirect_vreg.gather [hbm4b:s8+s30], $0x80, v4, vm1, $0xb8;
	[tilespmem:$0x18000] =	vst v63  }
0x38a: {  	s31 =	simm.s32 $0x11400  }
0x38b: {  	[tilespmem:s31], [sflag:$0x3] =	stream.indirect_vreg.gather [hbm4b:s3+s30], $0x80, v3, vm0, $0xb8;
	[tilespmem:$0x18000] =	vst v63  }
0x38c: {  	s31 =	simm.s32 $0x11C00  }
0x38d: {  	[tilespmem:s31], [sflag:$0x3] =	stream.indirect_vreg.gather [hbm4b:s8+s30], $0x80, v3, vm1, $0xb8;
	[tilespmem:$0x18000] =	vst v63  }
0x38e: {  	v3 =	vld.msk [tilespmem:$0x1130], $0x3;
	_ =	sdelay $0x4  }
0x38f: {  	v63 =	vshrl.u32 v3, $0x3  }
0x390: {  	v4 =	vmul.u32 $0x18, v63  }
0x391: {  	v3 =	vand.u32 $0x7, v3  }
0x392: {  	v3 =	vor.u32 v3, v4  }
0x393: {  	v3 =	vperm.xlane v3, v0;
	_ =	sdelay $0x1  }
0x394: {  	v3 =	vadd.s32 v1, v3;
	_ =	sdelay $0x4  }
0x395: {  	[tilespmem:s1], [sflag:$0x3] =	stream.indirect_vreg.gather [hbm4b:s3+s30], $0x80, v3, vm3, $0xb8;
	[tilespmem:$0x18000] =	vst v63  }
0x396: {  	_ = 	snop  }
0x397: {  	[tilespmem:s14], [sflag:$0x3] =	stream.indirect_vreg.gather [hbm4b:s8+s30], $0x80, v3, vm2, $0xb8;
	[tilespmem:$0x18000] =	vst v63  }
.LBB2_9:
0x398: {  	_ =	swait.ge [sflag:s15], $0x4B00  }
0x399: {  	[sflag:s15] =	ssyncset.done $0x0  }
0x39a: {  	s31 =	sshra.s32 s30, $0x2;
	[sflag:s15] =	ssyncadd.s32 $0xFFFFB500  }
0x39b: {  	v3 =	vld [tilespmem:s31+$0x2000];
	_ =	sdelay $0x4  }
0x39c: {  	v4 =	vshrl.u32 v3, $0x3  }
0x39d: {  	v4 =	vmul.u32 $0x18, v4  }
0x39e: {  	v3 =	vand.u32 $0x7, v3  }
0x39f: {  	v3 =	vor.u32 v3, v4  }
0x3a0: {  	v4 =	vperm.xlane v3, v0;
	_ =	sdelay $0x1  }
0x3a1: {  	v4 =	vadd.s32 v1, v4;
	_ =	sdelay $0x1  }
0x3a2: {  	v3 =	vperm.xlane v3, v2;
	_ =	sdelay $0x1  }
0x3a3: {  	s0 =	simm.s32 $0x3000;
	v3 =	vadd.s32 v1, v3  }
0x3a4: {  	[hbm4b:s5+s2] =	stream.indirect_vreg.scatter [tilespmem:s0], [sflag:$0x5], $0x80, v4, vm0, $0xb8;
	[tilespmem:$0x18000] =	vst v63  }
0x3a5: {  	s0 =	simm.s32 $0x3800  }
0x3a6: {  	[hbm4b:s11+s2] =	stream.indirect_vreg.scatter [tilespmem:s0], [sflag:$0x5], $0x80, v4, vm1, $0xb8;
	[tilespmem:$0x18000] =	vst v63  }
0x3a7: {  	s0 =	simm.s32 $0x3C00  }
0x3a8: {  	[hbm4b:s5+s2] =	stream.indirect_vreg.scatter [tilespmem:s0], [sflag:$0x5], $0x80, v3, vm0, $0xb8;
	[tilespmem:$0x18000] =	vst v63  }
0x3a9: {  	s0 =	simm.s32 $0x4400  }
0x3aa: {  	[hbm4b:s11+s2] =	stream.indirect_vreg.scatter [tilespmem:s0], [sflag:$0x5], $0x80, v3, vm1, $0xb8;
	[tilespmem:$0x18000] =	vst v63  }
0x3ab: {  	v3 =	vld [tilespmem:s31+$0x2010];
	_ =	sdelay $0x4  }
0x3ac: {  	v53 =	vshrl.u32 v3, $0x3  }
0x3ad: {  	v4 =	vmul.u32 $0x18, v53  }
0x3ae: {  	v3 =	vand.u32 $0x7, v3  }
0x3af: {  	v3 =	vor.u32 v3, v4  }
0x3b0: {  	v4 =	vperm.xlane v3, v0;
	_ =	sdelay $0x1  }
0x3b1: {  	v4 =	vadd.s32 v1, v4;
	_ =	sdelay $0x1  }
0x3b2: {  	v3 =	vperm.xlane v3, v2;
	_ =	sdelay $0x1  }
0x3b3: {  	s0 =	simm.s32 $0x4800;
	v3 =	vadd.s32 v1, v3  }
0x3b4: {  	[hbm4b:s5+s2] =	stream.indirect_vreg.scatter [tilespmem:s0], [sflag:$0x5], $0x80, v4, vm0, $0xb8;
	[tilespmem:$0x18000] =	vst v63  }
0x3b5: {  	s0 =	simm.s32 $0x5000  }
0x3b6: {  	[hbm4b:s11+s2] =	stream.indirect_vreg.scatter [tilespmem:s0], [sflag:$0x5], $0x80, v4, vm1, $0xb8;
	[tilespmem:$0x18000] =	vst v63  }
0x3b7: {  	s0 =	simm.s32 $0x5400  }
0x3b8: {  	[hbm4b:s5+s2] =	stream.indirect_vreg.scatter [tilespmem:s0], [sflag:$0x5], $0x80, v3, vm0, $0xb8;
	[tilespmem:$0x18000] =	vst v63  }
0x3b9: {  	s0 =	simm.s32 $0x5C00  }
0x3ba: {  	[hbm4b:s11+s2] =	stream.indirect_vreg.scatter [tilespmem:s0], [sflag:$0x5], $0x80, v3, vm1, $0xb8;
	[tilespmem:$0x18000] =	vst v63  }
0x3bb: {  	v3 =	vld [tilespmem:s31+$0x2020];
	_ =	sdelay $0x4  }
0x3bc: {  	v54 =	vshrl.u32 v3, $0x3  }
0x3bd: {  	v4 =	vmul.u32 $0x18, v54  }
0x3be: {  	v3 =	vand.u32 $0x7, v3  }
0x3bf: {  	v3 =	vor.u32 v3, v4  }
0x3c0: {  	v4 =	vperm.xlane v3, v0;
	_ =	sdelay $0x1  }
0x3c1: {  	v4 =	vadd.s32 v1, v4;
	_ =	sdelay $0x1  }
0x3c2: {  	v3 =	vperm.xlane v3, v2;
	_ =	sdelay $0x1  }
0x3c3: {  	s0 =	simm.s32 $0x6000;
	v3 =	vadd.s32 v1, v3  }
0x3c4: {  	[hbm4b:s5+s2] =	stream.indirect_vreg.scatter [tilespmem:s0], [sflag:$0x5], $0x80, v4, vm0, $0xb8;
	[tilespmem:$0x18000] =	vst v63  }
0x3c5: {  	s0 =	simm.s32 $0x6800  }
0x3c6: {  	[hbm4b:s11+s2] =	stream.indirect_vreg.scatter [tilespmem:s0], [sflag:$0x5], $0x80, v4, vm1, $0xb8;
	[tilespmem:$0x18000] =	vst v63  }
0x3c7: {  	s0 =	simm.s32 $0x6C00  }
0x3c8: {  	[hbm4b:s5+s2] =	stream.indirect_vreg.scatter [tilespmem:s0], [sflag:$0x5], $0x80, v3, vm0, $0xb8;
	[tilespmem:$0x18000] =	vst v63  }
0x3c9: {  	s0 =	simm.s32 $0x7400  }
0x3ca: {  	[hbm4b:s11+s2] =	stream.indirect_vreg.scatter [tilespmem:s0], [sflag:$0x5], $0x80, v3, vm1, $0xb8;
	[tilespmem:$0x18000] =	vst v63  }
0x3cb: {  	v3 =	vld.msk [tilespmem:s31+$0x2030], $0x3;
	_ =	sdelay $0x4  }
0x3cc: {  	v55 =	vshrl.u32 v3, $0x3  }
0x3cd: {  	v4 =	vmul.u32 $0x18, v55  }
0x3ce: {  	v3 =	vand.u32 $0x7, v3  }
0x3cf: {  	v3 =	vor.u32 v3, v4  }
0x3d0: {  	v3 =	vperm.xlane v3, v0;
	_ =	sdelay $0x1  }
0x3d1: {  	v3 =	vadd.s32 v1, v3;
	_ =	sdelay $0x3  }
0x3d2: {  	s0 =	simm.s32 $0x7800  }
0x3d3: {  	[hbm4b:s5+s2] =	stream.indirect_vreg.scatter [tilespmem:s0], [sflag:$0x5], $0x80, v3, vm3, $0xb8;
	[tilespmem:$0x18000] =	vst v63  }
0x3d4: {  	p0 =	seq.s32 s30, $0x0;
	s0 =	simm.s32 $0x8000  }
0x3d5: {  	[hbm4b:s11+s2] =	stream.indirect_vreg.scatter [tilespmem:s0], [sflag:$0x5], $0x80, v3, vm2, $0xb8;
	[tilespmem:$0x18000] =	vst v63  }
0x3d6: {  	s0 =	simm.s32 @!p0 $0x8  }
0x3d7: {  	_ =	swait.ge @!p0 [sflag:s0], $0x4B00  }
0x3d8: {  	[sflag:s0] =	ssyncset.done @!p0 $0x0  }
0x3d9: {  	[sflag:s0] =	ssyncadd.s32 @!p0 $0xFFFFB500  }
0x3da: {  	v3 =	vld [tilespmem:s31+$0x1180];
	_ =	sdelay $0x4  }
0x3db: {  	v56 =	vshrl.u32 v3, $0x3  }
0x3dc: {  	v4 =	vmul.u32 $0x18, v56  }
0x3dd: {  	v3 =	vand.u32 $0x7, v3  }
0x3de: {  	v3 =	vor.u32 v3, v4  }
0x3df: {  	v4 =	vperm.xlane v3, v0;
	_ =	sdelay $0x1  }
0x3e0: {  	v4 =	vadd.s32 v1, v4;
	_ =	sdelay $0x1  }
0x3e1: {  	v3 =	vperm.xlane v3, v2;
	_ =	sdelay $0x1  }
0x3e2: {  	v3 =	vadd.s32 v1, v3  }
0x3e3: {  	[tilespmem:s6], [sflag:$0x4] =	stream.indirect_vreg.gather [hbm4b:s3+s2], $0x80, v4, vm0, $0xb8;
	[tilespmem:$0x18000] =	vst v63  }
0x3e4: {  	_ = 	snop  }
0x3e5: {  	[tilespmem:s7], [sflag:$0x4] =	stream.indirect_vreg.gather [hbm4b:s8+s2], $0x80, v4, vm1, $0xb8;
	[tilespmem:$0x18000] =	vst v63  }
0x3e6: {  	_ = 	snop  }
0x3e7: {  	[tilespmem:s9], [sflag:$0x4] =	stream.indirect_vreg.gather [hbm4b:s3+s2], $0x80, v3, vm0, $0xb8;
	[tilespmem:$0x18000] =	vst v63  }
0x3e8: {  	_ = 	snop  }
0x3e9: {  	[tilespmem:s12], [sflag:$0x4] =	stream.indirect_vreg.gather [hbm4b:s8+s2], $0x80, v3, vm1, $0xb8;
	[tilespmem:$0x18000] =	vst v63  }
0x3ea: {  	v3 =	vld [tilespmem:s31+$0x1190];
	_ =	sdelay $0x4  }
0x3eb: {  	v57 =	vshrl.u32 v3, $0x3  }
0x3ec: {  	v4 =	vmul.u32 $0x18, v57  }
0x3ed: {  	v3 =	vand.u32 $0x7, v3  }
0x3ee: {  	v3 =	vor.u32 v3, v4  }
0x3ef: {  	v4 =	vperm.xlane v3, v0;
	_ =	sdelay $0x1  }
0x3f0: {  	v4 =	vadd.s32 v1, v4;
	_ =	sdelay $0x1  }
0x3f1: {  	v3 =	vperm.xlane v3, v2;
	_ =	sdelay $0x1  }
0x3f2: {  	v3 =	vadd.s32 v1, v3  }
0x3f3: {  	[tilespmem:s13], [sflag:$0x4] =	stream.indirect_vreg.gather [hbm4b:s3+s2], $0x80, v4, vm0, $0xb8;
	[tilespmem:$0x18000] =	vst v63  }
0x3f4: {  	_ = 	snop  }
0x3f5: {  	[tilespmem:s16], [sflag:$0x4] =	stream.indirect_vreg.gather [hbm4b:s8+s2], $0x80, v4, vm1, $0xb8;
	[tilespmem:$0x18000] =	vst v63  }
0x3f6: {  	_ = 	snop  }
0x3f7: {  	[tilespmem:s17], [sflag:$0x4] =	stream.indirect_vreg.gather [hbm4b:s3+s2], $0x80, v3, vm0, $0xb8;
	[tilespmem:$0x18000] =	vst v63  }
0x3f8: {  	_ = 	snop  }
0x3f9: {  	[tilespmem:s18], [sflag:$0x4] =	stream.indirect_vreg.gather [hbm4b:s8+s2], $0x80, v3, vm1, $0xb8;
	[tilespmem:$0x18000] =	vst v63  }
0x3fa: {  	v3 =	vld [tilespmem:s31+$0x11A0];
	_ =	sdelay $0x4  }
0x3fb: {  	v58 =	vshrl.u32 v3, $0x3  }
0x3fc: {  	v4 =	vmul.u32 $0x18, v58  }
0x3fd: {  	v3 =	vand.u32 $0x7, v3  }
0x3fe: {  	v3 =	vor.u32 v3, v4  }
0x3ff: {  	v4 =	vperm.xlane v3, v0;
	_ =	sdelay $0x1  }
0x400: {  	v4 =	vadd.s32 v1, v4;
	_ =	sdelay $0x1  }
0x401: {  	v3 =	vperm.xlane v3, v2;
	_ =	sdelay $0x1  }
0x402: {  	v3 =	vadd.s32 v1, v3  }
0x403: {  	[tilespmem:s19], [sflag:$0x4] =	stream.indirect_vreg.gather [hbm4b:s3+s2], $0x80, v4, vm0, $0xb8;
	[tilespmem:$0x18000] =	vst v63  }
0x404: {  	_ = 	snop  }
0x405: {  	[tilespmem:s20], [sflag:$0x4] =	stream.indirect_vreg.gather [hbm4b:s8+s2], $0x80, v4, vm1, $0xb8;
	[tilespmem:$0x18000] =	vst v63  }
0x406: {  	_ = 	snop  }
0x407: {  	[tilespmem:s21], [sflag:$0x4] =	stream.indirect_vreg.gather [hbm4b:s3+s2], $0x80, v3, vm0, $0xb8;
	[tilespmem:$0x18000] =	vst v63  }
0x408: {  	_ = 	snop  }
0x409: {  	[tilespmem:s22], [sflag:$0x4] =	stream.indirect_vreg.gather [hbm4b:s8+s2], $0x80, v3, vm1, $0xb8;
	[tilespmem:$0x18000] =	vst v63  }
0x40a: {  	v3 =	vld.msk [tilespmem:s31+$0x11B0], $0x3;
	_ =	sdelay $0x4  }
0x40b: {  	v59 =	vshrl.u32 v3, $0x3  }
0x40c: {  	v4 =	vmul.u32 $0x18, v59  }
0x40d: {  	v3 =	vand.u32 $0x7, v3  }
0x40e: {  	v3 =	vor.u32 v3, v4  }
0x40f: {  	v3 =	vperm.xlane v3, v0;
	_ =	sdelay $0x1  }
0x410: {  	v3 =	vadd.s32 v1, v3;
	_ =	sdelay $0x4  }
0x411: {  	[tilespmem:s23], [sflag:$0x4] =	stream.indirect_vreg.gather [hbm4b:s3+s2], $0x80, v3, vm3, $0xb8;
	[tilespmem:$0x18000] =	vst v63  }
0x412: {  	_ = 	snop  }
0x413: {  	[tilespmem:s24], [sflag:$0x4] =	stream.indirect_vreg.gather [hbm4b:s8+s2], $0x80, v3, vm2, $0xb8;
	[tilespmem:$0x18000] =	vst v63  }
0x414: {  	_ =	swait.ge [sflag:s25], $0x4B00  }
0x415: {  	[sflag:s25] =	ssyncset.done $0x0  }
0x416: {  	[sflag:s25] =	ssyncadd.s32 $0xFFFFB500  }
0x417: {  	v3 =	vld [tilespmem:s31+$0x2080];
	_ =	sdelay $0x4  }
0x418: {  	v60 =	vshrl.u32 v3, $0x3  }
0x419: {  	v4 =	vmul.u32 $0x18, v60  }
0x41a: {  	v3 =	vand.u32 $0x7, v3  }
0x41b: {  	v3 =	vor.u32 v3, v4  }
0x41c: {  	v4 =	vperm.xlane v3, v0;
	_ =	sdelay $0x1  }
0x41d: {  	v4 =	vadd.s32 v1, v4;
	_ =	sdelay $0x1  }
0x41e: {  	v3 =	vperm.xlane v3, v2;
	_ =	sdelay $0x1  }
0x41f: {  	s0 =	simm.s32 $0x8400;
	v3 =	vadd.s32 v1, v3  }
0x420: {  	[hbm4b:s5+s2] =	stream.indirect_vreg.scatter [tilespmem:s0], [sflag:$0x6], $0x80, v4, vm0, $0xb8;
	[tilespmem:$0x18000] =	vst v63  }
0x421: {  	s0 =	simm.s32 $0x8C00  }
0x422: {  	[hbm4b:s11+s2] =	stream.indirect_vreg.scatter [tilespmem:s0], [sflag:$0x6], $0x80, v4, vm1, $0xb8;
	[tilespmem:$0x18000] =	vst v63  }
0x423: {  	s0 =	simm.s32 $0x9000  }
0x424: {  	[hbm4b:s5+s2] =	stream.indirect_vreg.scatter [tilespmem:s0], [sflag:$0x6], $0x80, v3, vm0, $0xb8;
	[tilespmem:$0x18000] =	vst v63  }
0x425: {  	s0 =	simm.s32 $0x9800  }
0x426: {  	[hbm4b:s11+s2] =	stream.indirect_vreg.scatter [tilespmem:s0], [sflag:$0x6], $0x80, v3, vm1, $0xb8;
	[tilespmem:$0x18000] =	vst v63  }
0x427: {  	v3 =	vld [tilespmem:s31+$0x2090];
	_ =	sdelay $0x4  }
0x428: {  	v61 =	vshrl.u32 v3, $0x3  }
0x429: {  	v4 =	vmul.u32 $0x18, v61  }
0x42a: {  	v3 =	vand.u32 $0x7, v3  }
0x42b: {  	v3 =	vor.u32 v3, v4  }
0x42c: {  	v4 =	vperm.xlane v3, v0;
	_ =	sdelay $0x1  }
0x42d: {  	v4 =	vadd.s32 v1, v4;
	_ =	sdelay $0x1  }
0x42e: {  	v3 =	vperm.xlane v3, v2;
	_ =	sdelay $0x1  }
0x42f: {  	s0 =	simm.s32 $0x9C00;
	v3 =	vadd.s32 v1, v3  }
0x430: {  	[hbm4b:s5+s2] =	stream.indirect_vreg.scatter [tilespmem:s0], [sflag:$0x6], $0x80, v4, vm0, $0xb8;
	[tilespmem:$0x18000] =	vst v63  }
0x431: {  	s0 =	simm.s32 $0xA400  }
0x432: {  	[hbm4b:s11+s2] =	stream.indirect_vreg.scatter [tilespmem:s0], [sflag:$0x6], $0x80, v4, vm1, $0xb8;
	[tilespmem:$0x18000] =	vst v63  }
0x433: {  	s0 =	simm.s32 $0xA800  }
0x434: {  	[hbm4b:s5+s2] =	stream.indirect_vreg.scatter [tilespmem:s0], [sflag:$0x6], $0x80, v3, vm0, $0xb8;
	[tilespmem:$0x18000] =	vst v63  }
0x435: {  	s0 =	simm.s32 $0xB000  }
0x436: {  	[hbm4b:s11+s2] =	stream.indirect_vreg.scatter [tilespmem:s0], [sflag:$0x6], $0x80, v3, vm1, $0xb8;
	[tilespmem:$0x18000] =	vst v63  }
0x437: {  	v3 =	vld [tilespmem:s31+$0x20A0];
	_ =	sdelay $0x4  }
0x438: {  	v62 =	vshrl.u32 v3, $0x3  }
0x439: {  	v4 =	vmul.u32 $0x18, v62  }
0x43a: {  	v3 =	vand.u32 $0x7, v3  }
0x43b: {  	v3 =	vor.u32 v3, v4  }
0x43c: {  	v4 =	vperm.xlane v3, v0;
	_ =	sdelay $0x1  }
0x43d: {  	v4 =	vadd.s32 v1, v4;
	_ =	sdelay $0x1  }
0x43e: {  	v3 =	vperm.xlane v3, v2;
	_ =	sdelay $0x1  }
0x43f: {  	s0 =	simm.s32 $0xB400;
	v3 =	vadd.s32 v1, v3  }
0x440: {  	[hbm4b:s5+s2] =	stream.indirect_vreg.scatter [tilespmem:s0], [sflag:$0x6], $0x80, v4, vm0, $0xb8;
	[tilespmem:$0x18000] =	vst v63  }
0x441: {  	s0 =	simm.s32 $0xBC00  }
0x442: {  	[hbm4b:s11+s2] =	stream.indirect_vreg.scatter [tilespmem:s0], [sflag:$0x6], $0x80, v4, vm1, $0xb8;
	[tilespmem:$0x18000] =	vst v63  }
0x443: {  	s0 =	simm.s32 $0xC000  }
0x444: {  	[hbm4b:s5+s2] =	stream.indirect_vreg.scatter [tilespmem:s0], [sflag:$0x6], $0x80, v3, vm0, $0xb8;
	[tilespmem:$0x18000] =	vst v63  }
0x445: {  	s0 =	simm.s32 $0xC800  }
0x446: {  	[hbm4b:s11+s2] =	stream.indirect_vreg.scatter [tilespmem:s0], [sflag:$0x6], $0x80, v3, vm1, $0xb8;
	[tilespmem:$0x18000] =	vst v63  }
0x447: {  	v3 =	vld.msk [tilespmem:s31+$0x20B0], $0x3;
	_ =	sdelay $0x4  }
0x448: {  	v63 =	vshrl.u32 v3, $0x3  }
0x449: {  	v4 =	vmul.u32 $0x18, v63  }
0x44a: {  	v3 =	vand.u32 $0x7, v3  }
0x44b: {  	v3 =	vor.u32 v3, v4  }
0x44c: {  	v3 =	vperm.xlane v3, v0;
	_ =	sdelay $0x1  }
0x44d: {  	v3 =	vadd.s32 v1, v3;
	_ =	sdelay $0x1  }
0x44e: {  	p0 =	seq.s32 s30, $0x3800  }
.Ltmp6:
0x44f: {  	_ = 	snop;
	(pc) =	sbr.rel @p0 .LBB2_11-.Ltmp6, $4  }
0x450: {  	s0 =	simm.s32 $0xCC00  }
0x451: {  	[hbm4b:s5+s2] =	stream.indirect_vreg.scatter [tilespmem:s0], [sflag:$0x6], $0x80, v3, vm3, $0xb8;
	[tilespmem:$0x18000] =	vst v63  }
0x452: {  	s0 =	simm.s32 $0xD400  }
0x453: {  	[hbm4b:s11+s2] =	stream.indirect_vreg.scatter [tilespmem:s0], [sflag:$0x6], $0x80, v3, vm2, $0xb8;
	[tilespmem:$0x18000] =	vst v63  }
0x454: {  	s0 =	simm.s32 $0x5  }
0x455: {  	_ =	swait.ge [sflag:s0], $0x4B00  }
0x456: {  	[sflag:s0] =	ssyncset.done $0x0  }
0x457: {  	[sflag:s0] =	ssyncadd.s32 $0xFFFFB500  }
0x458: {  	v3 =	vld [tilespmem:s31+$0x1200];
	_ =	sdelay $0x4  }
0x459: {  	v4 =	vshrl.u32 v3, $0x3  }
0x45a: {  	v4 =	vmul.u32 $0x18, v4  }
0x45b: {  	v3 =	vand.u32 $0x7, v3  }
0x45c: {  	v3 =	vor.u32 v3, v4  }
0x45d: {  	v4 =	vperm.xlane v3, v0;
	_ =	sdelay $0x1  }
0x45e: {  	v4 =	vadd.s32 v1, v4;
	_ =	sdelay $0x1  }
0x45f: {  	v3 =	vperm.xlane v3, v2;
	_ =	sdelay $0x1  }
0x460: {  	s0 =	simm.s32 $0x3000;
	v3 =	vadd.s32 v1, v3  }
0x461: {  	[tilespmem:s0], [sflag:$0x1] =	stream.indirect_vreg.gather [hbm4b:s3+s2], $0x80, v4, vm0, $0xb8;
	[tilespmem:$0x18000] =	vst v63  }
0x462: {  	s0 =	simm.s32 $0x3800  }
0x463: {  	[tilespmem:s0], [sflag:$0x1] =	stream.indirect_vreg.gather [hbm4b:s8+s2], $0x80, v4, vm1, $0xb8;
	[tilespmem:$0x18000] =	vst v63  }
0x464: {  	s0 =	simm.s32 $0x3C00  }
0x465: {  	[tilespmem:s0], [sflag:$0x1] =	stream.indirect_vreg.gather [hbm4b:s3+s2], $0x80, v3, vm0, $0xb8;
	[tilespmem:$0x18000] =	vst v63  }
0x466: {  	s0 =	simm.s32 $0x4400  }
0x467: {  	[tilespmem:s0], [sflag:$0x1] =	stream.indirect_vreg.gather [hbm4b:s8+s2], $0x80, v3, vm1, $0xb8;
	[tilespmem:$0x18000] =	vst v63  }
0x468: {  	v3 =	vld [tilespmem:s31+$0x1210];
	_ =	sdelay $0x4  }
0x469: {  	v61 =	vshrl.u32 v3, $0x3  }
0x46a: {  	v4 =	vmul.u32 $0x18, v61  }
0x46b: {  	v3 =	vand.u32 $0x7, v3  }
0x46c: {  	v3 =	vor.u32 v3, v4  }
0x46d: {  	v4 =	vperm.xlane v3, v0;
	_ =	sdelay $0x1  }
0x46e: {  	v4 =	vadd.s32 v1, v4;
	_ =	sdelay $0x1  }
0x46f: {  	v3 =	vperm.xlane v3, v2;
	_ =	sdelay $0x1  }
0x470: {  	s0 =	simm.s32 $0x4800;
	v3 =	vadd.s32 v1, v3  }
0x471: {  	[tilespmem:s0], [sflag:$0x1] =	stream.indirect_vreg.gather [hbm4b:s3+s2], $0x80, v4, vm0, $0xb8;
	[tilespmem:$0x18000] =	vst v63  }
0x472: {  	s0 =	simm.s32 $0x5000  }
0x473: {  	[tilespmem:s0], [sflag:$0x1] =	stream.indirect_vreg.gather [hbm4b:s8+s2], $0x80, v4, vm1, $0xb8;
	[tilespmem:$0x18000] =	vst v63  }
0x474: {  	s0 =	simm.s32 $0x5400  }
0x475: {  	[tilespmem:s0], [sflag:$0x1] =	stream.indirect_vreg.gather [hbm4b:s3+s2], $0x80, v3, vm0, $0xb8;
	[tilespmem:$0x18000] =	vst v63  }
0x476: {  	s0 =	simm.s32 $0x5C00  }
0x477: {  	[tilespmem:s0], [sflag:$0x1] =	stream.indirect_vreg.gather [hbm4b:s8+s2], $0x80, v3, vm1, $0xb8;
	[tilespmem:$0x18000] =	vst v63  }
0x478: {  	v3 =	vld [tilespmem:s31+$0x1220];
	_ =	sdelay $0x4  }
0x479: {  	v62 =	vshrl.u32 v3, $0x3  }
0x47a: {  	v4 =	vmul.u32 $0x18, v62  }
0x47b: {  	v3 =	vand.u32 $0x7, v3  }
0x47c: {  	v3 =	vor.u32 v3, v4  }
0x47d: {  	v4 =	vperm.xlane v3, v0;
	_ =	sdelay $0x1  }
0x47e: {  	v4 =	vadd.s32 v1, v4;
	_ =	sdelay $0x1  }
0x47f: {  	v3 =	vperm.xlane v3, v2;
	_ =	sdelay $0x1  }
0x480: {  	s0 =	simm.s32 $0x6000;
	v3 =	vadd.s32 v1, v3  }
0x481: {  	[tilespmem:s0], [sflag:$0x1] =	stream.indirect_vreg.gather [hbm4b:s3+s2], $0x80, v4, vm0, $0xb8;
	[tilespmem:$0x18000] =	vst v63  }
0x482: {  	s0 =	simm.s32 $0x6800  }
0x483: {  	[tilespmem:s0], [sflag:$0x1] =	stream.indirect_vreg.gather [hbm4b:s8+s2], $0x80, v4, vm1, $0xb8;
	[tilespmem:$0x18000] =	vst v63  }
0x484: {  	s0 =	simm.s32 $0x6C00  }
0x485: {  	[tilespmem:s0], [sflag:$0x1] =	stream.indirect_vreg.gather [hbm4b:s3+s2], $0x80, v3, vm0, $0xb8;
	[tilespmem:$0x18000] =	vst v63  }
0x486: {  	s0 =	simm.s32 $0x7400  }
0x487: {  	[tilespmem:s0], [sflag:$0x1] =	stream.indirect_vreg.gather [hbm4b:s8+s2], $0x80, v3, vm1, $0xb8;
	[tilespmem:$0x18000] =	vst v63  }
0x488: {  	v3 =	vld.msk [tilespmem:s31+$0x1230], $0x3;
	_ =	sdelay $0x4  }
0x489: {  	v63 =	vshrl.u32 v3, $0x3  }
0x48a: {  	v4 =	vmul.u32 $0x18, v63  }
0x48b: {  	v3 =	vand.u32 $0x7, v3  }
0x48c: {  	v3 =	vor.u32 v3, v4  }
0x48d: {  	v3 =	vperm.xlane v3, v0;
	_ =	sdelay $0x1  }
0x48e: {  	v3 =	vadd.s32 v1, v3;
	_ =	sdelay $0x3  }
0x48f: {  	s0 =	simm.s32 $0x7800  }
0x490: {  	[tilespmem:s0], [sflag:$0x1] =	stream.indirect_vreg.gather [hbm4b:s3+s2], $0x80, v3, vm3, $0xb8;
	[tilespmem:$0x18000] =	vst v63  }
0x491: {  	s0 =	simm.s32 $0x8000  }
0x492: {  	[tilespmem:s0], [sflag:$0x1] =	stream.indirect_vreg.gather [hbm4b:s8+s2], $0x80, v3, vm2, $0xb8;
	[tilespmem:$0x18000] =	vst v63  }
.LBB2_11:
0x493: {  	_ =	swait.ge [sflag:s26], $0x4B00  }
0x494: {  	[sflag:s26] =	ssyncset.done $0x0  }
0x495: {  	[sflag:s26] =	ssyncadd.s32 $0xFFFFB500  }
0x496: {  	v3 =	vld [tilespmem:s31+$0x2100];
	_ =	sdelay $0x4  }
0x497: {  	v4 =	vshrl.u32 v3, $0x3  }
0x498: {  	v4 =	vmul.u32 $0x18, v4  }
0x499: {  	v3 =	vand.u32 $0x7, v3  }
0x49a: {  	v3 =	vor.u32 v3, v4  }
0x49b: {  	v4 =	vperm.xlane v3, v0;
	_ =	sdelay $0x1  }
0x49c: {  	v4 =	vadd.s32 v1, v4;
	_ =	sdelay $0x1  }
0x49d: {  	v3 =	vperm.xlane v3, v2;
	_ =	sdelay $0x1  }
0x49e: {  	s0 =	simm.s32 $0xD800;
	v3 =	vadd.s32 v1, v3  }
0x49f: {  	[hbm4b:s5+s2] =	stream.indirect_vreg.scatter [tilespmem:s0], [sflag:$0x7], $0x80, v4, vm0, $0xb8;
	[tilespmem:$0x18000] =	vst v63  }
0x4a0: {  	s0 =	simm.s32 $0xE000  }
0x4a1: {  	[hbm4b:s11+s2] =	stream.indirect_vreg.scatter [tilespmem:s0], [sflag:$0x7], $0x80, v4, vm1, $0xb8;
	[tilespmem:$0x18000] =	vst v63  }
0x4a2: {  	s0 =	simm.s32 $0xE400  }
0x4a3: {  	[hbm4b:s5+s2] =	stream.indirect_vreg.scatter [tilespmem:s0], [sflag:$0x7], $0x80, v3, vm0, $0xb8;
	[tilespmem:$0x18000] =	vst v63  }
0x4a4: {  	s0 =	simm.s32 $0xEC00  }
0x4a5: {  	[hbm4b:s11+s2] =	stream.indirect_vreg.scatter [tilespmem:s0], [sflag:$0x7], $0x80, v3, vm1, $0xb8;
	[tilespmem:$0x18000] =	vst v63  }
0x4a6: {  	v3 =	vld [tilespmem:s31+$0x2110];
	_ =	sdelay $0x4  }
0x4a7: {  	v61 =	vshrl.u32 v3, $0x3  }
0x4a8: {  	v4 =	vmul.u32 $0x18, v61  }
0x4a9: {  	v3 =	vand.u32 $0x7, v3  }
0x4aa: {  	v3 =	vor.u32 v3, v4  }
0x4ab: {  	v4 =	vperm.xlane v3, v0;
	_ =	sdelay $0x1  }
0x4ac: {  	v4 =	vadd.s32 v1, v4;
	_ =	sdelay $0x1  }
0x4ad: {  	v3 =	vperm.xlane v3, v2;
	_ =	sdelay $0x1  }
0x4ae: {  	s0 =	simm.s32 $0xF000;
	v3 =	vadd.s32 v1, v3  }
0x4af: {  	[hbm4b:s5+s2] =	stream.indirect_vreg.scatter [tilespmem:s0], [sflag:$0x7], $0x80, v4, vm0, $0xb8;
	[tilespmem:$0x18000] =	vst v63  }
0x4b0: {  	s0 =	simm.s32 $0xF800  }
0x4b1: {  	[hbm4b:s11+s2] =	stream.indirect_vreg.scatter [tilespmem:s0], [sflag:$0x7], $0x80, v4, vm1, $0xb8;
	[tilespmem:$0x18000] =	vst v63  }
0x4b2: {  	s0 =	simm.s32 $0xFC00  }
0x4b3: {  	[hbm4b:s5+s2] =	stream.indirect_vreg.scatter [tilespmem:s0], [sflag:$0x7], $0x80, v3, vm0, $0xb8;
	[tilespmem:$0x18000] =	vst v63  }
0x4b4: {  	s0 =	simm.s32 $0x10400  }
0x4b5: {  	[hbm4b:s11+s2] =	stream.indirect_vreg.scatter [tilespmem:s0], [sflag:$0x7], $0x80, v3, vm1, $0xb8;
	[tilespmem:$0x18000] =	vst v63  }
0x4b6: {  	v3 =	vld [tilespmem:s31+$0x2120];
	_ =	sdelay $0x4  }
0x4b7: {  	v62 =	vshrl.u32 v3, $0x3  }
0x4b8: {  	v4 =	vmul.u32 $0x18, v62  }
0x4b9: {  	v3 =	vand.u32 $0x7, v3  }
0x4ba: {  	v3 =	vor.u32 v3, v4  }
0x4bb: {  	v4 =	vperm.xlane v3, v0;
	_ =	sdelay $0x1  }
0x4bc: {  	v4 =	vadd.s32 v1, v4;
	_ =	sdelay $0x1  }
0x4bd: {  	v3 =	vperm.xlane v3, v2;
	_ =	sdelay $0x1  }
0x4be: {  	s0 =	simm.s32 $0x10800;
	v3 =	vadd.s32 v1, v3  }
0x4bf: {  	[hbm4b:s5+s2] =	stream.indirect_vreg.scatter [tilespmem:s0], [sflag:$0x7], $0x80, v4, vm0, $0xb8;
	[tilespmem:$0x18000] =	vst v63  }
0x4c0: {  	s0 =	simm.s32 $0x11000  }
0x4c1: {  	[hbm4b:s11+s2] =	stream.indirect_vreg.scatter [tilespmem:s0], [sflag:$0x7], $0x80, v4, vm1, $0xb8;
	[tilespmem:$0x18000] =	vst v63  }
0x4c2: {  	s0 =	simm.s32 $0x11400  }
0x4c3: {  	[hbm4b:s5+s2] =	stream.indirect_vreg.scatter [tilespmem:s0], [sflag:$0x7], $0x80, v3, vm0, $0xb8;
	[tilespmem:$0x18000] =	vst v63  }
0x4c4: {  	s0 =	simm.s32 $0x11C00  }
0x4c5: {  	[hbm4b:s11+s2] =	stream.indirect_vreg.scatter [tilespmem:s0], [sflag:$0x7], $0x80, v3, vm1, $0xb8;
	[tilespmem:$0x18000] =	vst v63  }
0x4c6: {  	v3 =	vld.msk [tilespmem:s31+$0x2130], $0x3;
	_ =	sdelay $0x4  }
0x4c7: {  	v63 =	vshrl.u32 v3, $0x3  }
0x4c8: {  	v4 =	vmul.u32 $0x18, v63  }
0x4c9: {  	v3 =	vand.u32 $0x7, v3  }
0x4ca: {  	v3 =	vor.u32 v3, v4  }
0x4cb: {  	v3 =	vperm.xlane v3, v0;
	_ =	sdelay $0x1  }
0x4cc: {  	v3 =	vadd.s32 v1, v3;
	_ =	sdelay $0x2  }
.Ltmp7:
0x4cd: {  	_ = 	snop;
	(pc) =	sbr.rel @p0 .LBB2_13-.Ltmp7, $4  }
0x4ce: {  	_ = 	snop  }
0x4cf: {  	[hbm4b:s5+s2] =	stream.indirect_vreg.scatter [tilespmem:s1], [sflag:$0x7], $0x80, v3, vm3, $0xb8;
	[tilespmem:$0x18000] =	vst v63  }
0x4d0: {  	_ = 	snop  }
0x4d1: {  	[hbm4b:s11+s2] =	stream.indirect_vreg.scatter [tilespmem:s14], [sflag:$0x7], $0x80, v3, vm2, $0xb8;
	[tilespmem:$0x18000] =	vst v63  }
0x4d2: {  	s0 =	simm.s32 $0x6  }
0x4d3: {  	_ =	swait.ge [sflag:s0], $0x4B00  }
0x4d4: {  	[sflag:s0] =	ssyncset.done $0x0  }
0x4d5: {  	[sflag:s0] =	ssyncadd.s32 $0xFFFFB500  }
0x4d6: {  	v3 =	vld [tilespmem:s31+$0x1280];
	_ =	sdelay $0x4  }
0x4d7: {  	v4 =	vshrl.u32 v3, $0x3  }
0x4d8: {  	v4 =	vmul.u32 $0x18, v4  }
0x4d9: {  	v3 =	vand.u32 $0x7, v3  }
0x4da: {  	v3 =	vor.u32 v3, v4  }
0x4db: {  	v4 =	vperm.xlane v3, v0;
	_ =	sdelay $0x1  }
0x4dc: {  	v4 =	vadd.s32 v1, v4;
	_ =	sdelay $0x1  }
0x4dd: {  	v3 =	vperm.xlane v3, v2;
	_ =	sdelay $0x1  }
0x4de: {  	s0 =	simm.s32 $0x8400;
	v3 =	vadd.s32 v1, v3  }
0x4df: {  	[tilespmem:s0], [sflag:$0x2] =	stream.indirect_vreg.gather [hbm4b:s3+s2], $0x80, v4, vm0, $0xb8;
	[tilespmem:$0x18000] =	vst v63  }
0x4e0: {  	s0 =	simm.s32 $0x8C00  }
0x4e1: {  	[tilespmem:s0], [sflag:$0x2] =	stream.indirect_vreg.gather [hbm4b:s8+s2], $0x80, v4, vm1, $0xb8;
	[tilespmem:$0x18000] =	vst v63  }
0x4e2: {  	s0 =	simm.s32 $0x9000  }
0x4e3: {  	[tilespmem:s0], [sflag:$0x2] =	stream.indirect_vreg.gather [hbm4b:s3+s2], $0x80, v3, vm0, $0xb8;
	[tilespmem:$0x18000] =	vst v63  }
0x4e4: {  	s0 =	simm.s32 $0x9800  }
0x4e5: {  	[tilespmem:s0], [sflag:$0x2] =	stream.indirect_vreg.gather [hbm4b:s8+s2], $0x80, v3, vm1, $0xb8;
	[tilespmem:$0x18000] =	vst v63  }
0x4e6: {  	v3 =	vld [tilespmem:s31+$0x1290];
	_ =	sdelay $0x4  }
0x4e7: {  	v61 =	vshrl.u32 v3, $0x3  }
0x4e8: {  	v4 =	vmul.u32 $0x18, v61  }
0x4e9: {  	v3 =	vand.u32 $0x7, v3  }
0x4ea: {  	v3 =	vor.u32 v3, v4  }
0x4eb: {  	v4 =	vperm.xlane v3, v0;
	_ =	sdelay $0x1  }
0x4ec: {  	v4 =	vadd.s32 v1, v4;
	_ =	sdelay $0x1  }
0x4ed: {  	v3 =	vperm.xlane v3, v2;
	_ =	sdelay $0x1  }
0x4ee: {  	s0 =	simm.s32 $0x9C00;
	v3 =	vadd.s32 v1, v3  }
0x4ef: {  	[tilespmem:s0], [sflag:$0x2] =	stream.indirect_vreg.gather [hbm4b:s3+s2], $0x80, v4, vm0, $0xb8;
	[tilespmem:$0x18000] =	vst v63  }
0x4f0: {  	s0 =	simm.s32 $0xA400  }
0x4f1: {  	[tilespmem:s0], [sflag:$0x2] =	stream.indirect_vreg.gather [hbm4b:s8+s2], $0x80, v4, vm1, $0xb8;
	[tilespmem:$0x18000] =	vst v63  }
0x4f2: {  	s0 =	simm.s32 $0xA800  }
0x4f3: {  	[tilespmem:s0], [sflag:$0x2] =	stream.indirect_vreg.gather [hbm4b:s3+s2], $0x80, v3, vm0, $0xb8;
	[tilespmem:$0x18000] =	vst v63  }
0x4f4: {  	s0 =	simm.s32 $0xB000  }
0x4f5: {  	[tilespmem:s0], [sflag:$0x2] =	stream.indirect_vreg.gather [hbm4b:s8+s2], $0x80, v3, vm1, $0xb8;
	[tilespmem:$0x18000] =	vst v63  }
0x4f6: {  	v3 =	vld [tilespmem:s31+$0x12A0];
	_ =	sdelay $0x4  }
0x4f7: {  	v62 =	vshrl.u32 v3, $0x3  }
0x4f8: {  	v4 =	vmul.u32 $0x18, v62  }
0x4f9: {  	v3 =	vand.u32 $0x7, v3  }
0x4fa: {  	v3 =	vor.u32 v3, v4  }
0x4fb: {  	v4 =	vperm.xlane v3, v0;
	_ =	sdelay $0x1  }
0x4fc: {  	v4 =	vadd.s32 v1, v4;
	_ =	sdelay $0x1  }
0x4fd: {  	v3 =	vperm.xlane v3, v2;
	_ =	sdelay $0x1  }
0x4fe: {  	s0 =	simm.s32 $0xB400;
	v3 =	vadd.s32 v1, v3  }
0x4ff: {  	[tilespmem:s0], [sflag:$0x2] =	stream.indirect_vreg.gather [hbm4b:s3+s2], $0x80, v4, vm0, $0xb8;
	[tilespmem:$0x18000] =	vst v63  }
0x500: {  	s0 =	simm.s32 $0xBC00  }
0x501: {  	[tilespmem:s0], [sflag:$0x2] =	stream.indirect_vreg.gather [hbm4b:s8+s2], $0x80, v4, vm1, $0xb8;
	[tilespmem:$0x18000] =	vst v63  }
0x502: {  	s0 =	simm.s32 $0xC000  }
0x503: {  	[tilespmem:s0], [sflag:$0x2] =	stream.indirect_vreg.gather [hbm4b:s3+s2], $0x80, v3, vm0, $0xb8;
	[tilespmem:$0x18000] =	vst v63  }
0x504: {  	s0 =	simm.s32 $0xC800  }
0x505: {  	[tilespmem:s0], [sflag:$0x2] =	stream.indirect_vreg.gather [hbm4b:s8+s2], $0x80, v3, vm1, $0xb8;
	[tilespmem:$0x18000] =	vst v63  }
0x506: {  	v3 =	vld.msk [tilespmem:s31+$0x12B0], $0x3;
	_ =	sdelay $0x4  }
0x507: {  	v63 =	vshrl.u32 v3, $0x3  }
0x508: {  	v4 =	vmul.u32 $0x18, v63  }
0x509: {  	v3 =	vand.u32 $0x7, v3  }
0x50a: {  	v3 =	vor.u32 v3, v4  }
0x50b: {  	v3 =	vperm.xlane v3, v0;
	_ =	sdelay $0x1  }
0x50c: {  	v3 =	vadd.s32 v1, v3;
	_ =	sdelay $0x3  }
0x50d: {  	s0 =	simm.s32 $0xCC00  }
0x50e: {  	[tilespmem:s0], [sflag:$0x2] =	stream.indirect_vreg.gather [hbm4b:s3+s2], $0x80, v3, vm3, $0xb8;
	[tilespmem:$0x18000] =	vst v63  }
0x50f: {  	s0 =	simm.s32 $0xD400  }
0x510: {  	[tilespmem:s0], [sflag:$0x2] =	stream.indirect_vreg.gather [hbm4b:s8+s2], $0x80, v3, vm2, $0xb8;
	[tilespmem:$0x18000] =	vst v63  }
.LBB2_13:
0x511: {  	_ =	swait.ge [sflag:s28], $0x4B00  }
0x512: {  	[sflag:s28] =	ssyncset.done $0x0  }
0x513: {  	[sflag:s28] =	ssyncadd.s32 $0xFFFFB500  }
0x514: {  	v3 =	vld [tilespmem:s31+$0x2180];
	_ =	sdelay $0x4  }
0x515: {  	v4 =	vshrl.u32 v3, $0x3  }
0x516: {  	v4 =	vmul.u32 $0x18, v4  }
0x517: {  	v3 =	vand.u32 $0x7, v3  }
0x518: {  	v3 =	vor.u32 v3, v4  }
0x519: {  	v4 =	vperm.xlane v3, v0;
	_ =	sdelay $0x1  }
0x51a: {  	v4 =	vadd.s32 v1, v4;
	_ =	sdelay $0x1  }
0x51b: {  	v3 =	vperm.xlane v3, v2;
	_ =	sdelay $0x1  }
0x51c: {  	v3 =	vadd.s32 v1, v3  }
0x51d: {  	[hbm4b:s5+s2] =	stream.indirect_vreg.scatter [tilespmem:s6], [sflag:$0x8], $0x80, v4, vm0, $0xb8;
	[tilespmem:$0x18000] =	vst v63  }
0x51e: {  	_ = 	snop  }
0x51f: {  	[hbm4b:s11+s2] =	stream.indirect_vreg.scatter [tilespmem:s7], [sflag:$0x8], $0x80, v4, vm1, $0xb8;
	[tilespmem:$0x18000] =	vst v63  }
0x520: {  	_ = 	snop  }
0x521: {  	[hbm4b:s5+s2] =	stream.indirect_vreg.scatter [tilespmem:s9], [sflag:$0x8], $0x80, v3, vm0, $0xb8;
	[tilespmem:$0x18000] =	vst v63  }
0x522: {  	_ = 	snop  }
0x523: {  	[hbm4b:s11+s2] =	stream.indirect_vreg.scatter [tilespmem:s12], [sflag:$0x8], $0x80, v3, vm1, $0xb8;
	[tilespmem:$0x18000] =	vst v63  }
0x524: {  	v3 =	vld [tilespmem:s31+$0x2190];
	_ =	sdelay $0x4  }
0x525: {  	v61 =	vshrl.u32 v3, $0x3  }
0x526: {  	v4 =	vmul.u32 $0x18, v61  }
0x527: {  	v3 =	vand.u32 $0x7, v3  }
0x528: {  	v3 =	vor.u32 v3, v4  }
0x529: {  	v4 =	vperm.xlane v3, v0;
	_ =	sdelay $0x1  }
0x52a: {  	v4 =	vadd.s32 v1, v4;
	_ =	sdelay $0x1  }
0x52b: {  	v3 =	vperm.xlane v3, v2;
	_ =	sdelay $0x1  }
0x52c: {  	v3 =	vadd.s32 v1, v3  }
0x52d: {  	[hbm4b:s5+s2] =	stream.indirect_vreg.scatter [tilespmem:s13], [sflag:$0x8], $0x80, v4, vm0, $0xb8;
	[tilespmem:$0x18000] =	vst v63  }
0x52e: {  	_ = 	snop  }
0x52f: {  	[hbm4b:s11+s2] =	stream.indirect_vreg.scatter [tilespmem:s16], [sflag:$0x8], $0x80, v4, vm1, $0xb8;
	[tilespmem:$0x18000] =	vst v63  }
0x530: {  	_ = 	snop  }
0x531: {  	[hbm4b:s5+s2] =	stream.indirect_vreg.scatter [tilespmem:s17], [sflag:$0x8], $0x80, v3, vm0, $0xb8;
	[tilespmem:$0x18000] =	vst v63  }
0x532: {  	_ = 	snop  }
0x533: {  	[hbm4b:s11+s2] =	stream.indirect_vreg.scatter [tilespmem:s18], [sflag:$0x8], $0x80, v3, vm1, $0xb8;
	[tilespmem:$0x18000] =	vst v63  }
0x534: {  	v3 =	vld [tilespmem:s31+$0x21A0];
	_ =	sdelay $0x4  }
0x535: {  	v62 =	vshrl.u32 v3, $0x3  }
0x536: {  	v4 =	vmul.u32 $0x18, v62  }
0x537: {  	v3 =	vand.u32 $0x7, v3  }
0x538: {  	v3 =	vor.u32 v3, v4  }
0x539: {  	v4 =	vperm.xlane v3, v0;
	_ =	sdelay $0x1  }
0x53a: {  	v4 =	vadd.s32 v1, v4;
	_ =	sdelay $0x1  }
0x53b: {  	v3 =	vperm.xlane v3, v2;
	_ =	sdelay $0x1  }
0x53c: {  	v3 =	vadd.s32 v1, v3  }
0x53d: {  	[hbm4b:s5+s2] =	stream.indirect_vreg.scatter [tilespmem:s19], [sflag:$0x8], $0x80, v4, vm0, $0xb8;
	[tilespmem:$0x18000] =	vst v63  }
0x53e: {  	_ = 	snop  }
0x53f: {  	[hbm4b:s11+s2] =	stream.indirect_vreg.scatter [tilespmem:s20], [sflag:$0x8], $0x80, v4, vm1, $0xb8;
	[tilespmem:$0x18000] =	vst v63  }
0x540: {  	_ = 	snop  }
0x541: {  	[hbm4b:s5+s2] =	stream.indirect_vreg.scatter [tilespmem:s21], [sflag:$0x8], $0x80, v3, vm0, $0xb8;
	[tilespmem:$0x18000] =	vst v63  }
0x542: {  	_ = 	snop  }
0x543: {  	[hbm4b:s11+s2] =	stream.indirect_vreg.scatter [tilespmem:s22], [sflag:$0x8], $0x80, v3, vm1, $0xb8;
	[tilespmem:$0x18000] =	vst v63  }
0x544: {  	v3 =	vld.msk [tilespmem:s31+$0x21B0], $0x3;
	_ =	sdelay $0x4  }
0x545: {  	v63 =	vshrl.u32 v3, $0x3  }
0x546: {  	v4 =	vmul.u32 $0x18, v63  }
0x547: {  	v3 =	vand.u32 $0x7, v3  }
0x548: {  	v3 =	vor.u32 v3, v4  }
0x549: {  	v3 =	vperm.xlane v3, v0;
	_ =	sdelay $0x1  }
0x54a: {  	v3 =	vadd.s32 v1, v3;
	_ =	sdelay $0x2  }
.Ltmp8:
0x54b: {  	_ = 	snop;
	(pc) =	sbr.rel @p0 .LBB2_15-.Ltmp8, $4  }
0x54c: {  	_ = 	snop  }
0x54d: {  	[hbm4b:s5+s2] =	stream.indirect_vreg.scatter [tilespmem:s23], [sflag:$0x8], $0x80, v3, vm3, $0xb8;
	[tilespmem:$0x18000] =	vst v63  }
0x54e: {  	_ = 	snop  }
0x54f: {  	[hbm4b:s11+s2] =	stream.indirect_vreg.scatter [tilespmem:s24], [sflag:$0x8], $0x80, v3, vm2, $0xb8;
	[tilespmem:$0x18000] =	vst v63  }
0x550: {  	_ =	swait.ge [sflag:s29], $0x4B00  }
0x551: {  	[sflag:s29] =	ssyncset.done $0x0  }
0x552: {  	[sflag:s29] =	ssyncadd.s32 $0xFFFFB500  }
0x553: {  	v3 =	vld [tilespmem:s31+$0x1300];
	_ =	sdelay $0x4  }
0x554: {  	v4 =	vshrl.u32 v3, $0x3  }
0x555: {  	v4 =	vmul.u32 $0x18, v4  }
0x556: {  	v3 =	vand.u32 $0x7, v3  }
0x557: {  	v3 =	vor.u32 v3, v4  }
0x558: {  	v4 =	vperm.xlane v3, v0;
	_ =	sdelay $0x1  }
0x559: {  	v4 =	vadd.s32 v1, v4;
	_ =	sdelay $0x1  }
0x55a: {  	v3 =	vperm.xlane v3, v2;
	_ =	sdelay $0x1  }
0x55b: {  	s0 =	simm.s32 $0xD800;
	v3 =	vadd.s32 v1, v3  }
0x55c: {  	[tilespmem:s0], [sflag:$0x3] =	stream.indirect_vreg.gather [hbm4b:s3+s2], $0x80, v4, vm0, $0xb8;
	[tilespmem:$0x18000] =	vst v63  }
0x55d: {  	s0 =	simm.s32 $0xE000  }
0x55e: {  	[tilespmem:s0], [sflag:$0x3] =	stream.indirect_vreg.gather [hbm4b:s8+s2], $0x80, v4, vm1, $0xb8;
	[tilespmem:$0x18000] =	vst v63  }
0x55f: {  	s0 =	simm.s32 $0xE400  }
0x560: {  	[tilespmem:s0], [sflag:$0x3] =	stream.indirect_vreg.gather [hbm4b:s3+s2], $0x80, v3, vm0, $0xb8;
	[tilespmem:$0x18000] =	vst v63  }
0x561: {  	s0 =	simm.s32 $0xEC00  }
0x562: {  	[tilespmem:s0], [sflag:$0x3] =	stream.indirect_vreg.gather [hbm4b:s8+s2], $0x80, v3, vm1, $0xb8;
	[tilespmem:$0x18000] =	vst v63  }
0x563: {  	v3 =	vld [tilespmem:s31+$0x1310];
	_ =	sdelay $0x4  }
0x564: {  	v61 =	vshrl.u32 v3, $0x3  }
0x565: {  	v4 =	vmul.u32 $0x18, v61  }
0x566: {  	v3 =	vand.u32 $0x7, v3  }
0x567: {  	v3 =	vor.u32 v3, v4  }
0x568: {  	v4 =	vperm.xlane v3, v0;
	_ =	sdelay $0x1  }
0x569: {  	v4 =	vadd.s32 v1, v4;
	_ =	sdelay $0x1  }
0x56a: {  	v3 =	vperm.xlane v3, v2;
	_ =	sdelay $0x1  }
0x56b: {  	s0 =	simm.s32 $0xF000;
	v3 =	vadd.s32 v1, v3  }
0x56c: {  	[tilespmem:s0], [sflag:$0x3] =	stream.indirect_vreg.gather [hbm4b:s3+s2], $0x80, v4, vm0, $0xb8;
	[tilespmem:$0x18000] =	vst v63  }
0x56d: {  	s0 =	simm.s32 $0xF800  }
0x56e: {  	[tilespmem:s0], [sflag:$0x3] =	stream.indirect_vreg.gather [hbm4b:s8+s2], $0x80, v4, vm1, $0xb8;
	[tilespmem:$0x18000] =	vst v63  }
0x56f: {  	s0 =	simm.s32 $0xFC00  }
0x570: {  	[tilespmem:s0], [sflag:$0x3] =	stream.indirect_vreg.gather [hbm4b:s3+s2], $0x80, v3, vm0, $0xb8;
	[tilespmem:$0x18000] =	vst v63  }
0x571: {  	s0 =	simm.s32 $0x10400  }
0x572: {  	[tilespmem:s0], [sflag:$0x3] =	stream.indirect_vreg.gather [hbm4b:s8+s2], $0x80, v3, vm1, $0xb8;
	[tilespmem:$0x18000] =	vst v63  }
0x573: {  	v3 =	vld [tilespmem:s31+$0x1320];
	_ =	sdelay $0x4  }
0x574: {  	v62 =	vshrl.u32 v3, $0x3  }
0x575: {  	v4 =	vmul.u32 $0x18, v62  }
0x576: {  	v3 =	vand.u32 $0x7, v3  }
0x577: {  	v3 =	vor.u32 v3, v4  }
0x578: {  	v4 =	vperm.xlane v3, v0;
	_ =	sdelay $0x1  }
0x579: {  	v4 =	vadd.s32 v1, v4;
	_ =	sdelay $0x1  }
0x57a: {  	v3 =	vperm.xlane v3, v2;
	_ =	sdelay $0x1  }
0x57b: {  	s0 =	simm.s32 $0x10800;
	v3 =	vadd.s32 v1, v3  }
0x57c: {  	[tilespmem:s0], [sflag:$0x3] =	stream.indirect_vreg.gather [hbm4b:s3+s2], $0x80, v4, vm0, $0xb8;
	[tilespmem:$0x18000] =	vst v63  }
0x57d: {  	s0 =	simm.s32 $0x11000  }
0x57e: {  	[tilespmem:s0], [sflag:$0x3] =	stream.indirect_vreg.gather [hbm4b:s8+s2], $0x80, v4, vm1, $0xb8;
	[tilespmem:$0x18000] =	vst v63  }
0x57f: {  	s0 =	simm.s32 $0x11400  }
0x580: {  	[tilespmem:s0], [sflag:$0x3] =	stream.indirect_vreg.gather [hbm4b:s3+s2], $0x80, v3, vm0, $0xb8;
	[tilespmem:$0x18000] =	vst v63  }
0x581: {  	s0 =	simm.s32 $0x11C00  }
0x582: {  	[tilespmem:s0], [sflag:$0x3] =	stream.indirect_vreg.gather [hbm4b:s8+s2], $0x80, v3, vm1, $0xb8;
	[tilespmem:$0x18000] =	vst v63  }
0x583: {  	v3 =	vld.msk [tilespmem:s31+$0x1330], $0x3;
	_ =	sdelay $0x4  }
0x584: {  	v63 =	vshrl.u32 v3, $0x3  }
0x585: {  	v4 =	vmul.u32 $0x18, v63  }
0x586: {  	v3 =	vand.u32 $0x7, v3  }
0x587: {  	v3 =	vor.u32 v3, v4  }
0x588: {  	v3 =	vperm.xlane v3, v0;
	_ =	sdelay $0x1  }
0x589: {  	v3 =	vadd.s32 v1, v3;
	_ =	sdelay $0x2  }
.Ltmp9:
0x58a: {  	_ = 	snop;
	(pc) =	sbr.rel .LBB2_9-.Ltmp9, $4  }
0x58b: {  	_ = 	snop  }
0x58c: {  	[tilespmem:s1], [sflag:$0x3] =	stream.indirect_vreg.gather [hbm4b:s3+s2], $0x80, v3, vm3, $0xb8;
	[tilespmem:$0x18000] =	vst v63  }
0x58d: {  	s30 =	sadd.s32 $0x800, s30  }
0x58e: {  	[tilespmem:s14], [sflag:$0x3] =	stream.indirect_vreg.gather [hbm4b:s8+s2], $0x80, v3, vm2, $0xb8;
	[tilespmem:$0x18000] =	vst v63  }
.LBB2_16:
0x58f: {  	_ =	sfence.sel $0x180000  }
0x590: {  	[bflag:$0x0] =	sbarrier.arrive $0xFFFF  }
0x591: {  	_ =	strace $0x90000047  }
0x592: {  	s0 =	stileid.u32;
	[bflag:$0x2] =	sbarrier.arrive $0xFFFF  }
0x593: {  	p0 =	sne.s32 s0, $0x0;
	s0 =	rddreg [dreg:$0x3]  }
0x594: {  	s0 =	sadd.s32 @!p0 $0x100000, s0  }
0x595: {  	[sflag:s0] =	ssyncadd.tile.s32 @!p0 $0x1;
	_ =	shalt  }
.Lfunc_end2:
_tile_overlayer_lowered:
.L_overlay_start_2:
0x596: {  	(tag) =	ssettag $0x2  }
0x597: {  	s0 =	rddreg [dreg:$0x0];
	s2 =	stileid.u32  }
0x598: {  	s1 =	rddreg [dreg:$0x1];
	p0 =	sne.s32 s2, $0x0  }
0x599: {  	s3 =	rddreg [dreg:$0x2];
	[bflag:$0x3] =	sbarrier.arrive $0xFFFF;
	s2 =	simm.s32 @!p0 $0x1C09  }
0x59a: {  	[timem:s3], [sflag:s2] =	dma.local @!p0 [hbm:s0], s1  }
0x59b: {  	s0 =	simm.s32 @!p0 $0x9  }
0x59c: {  	_ =	swait.ge @!p0 [sflag:s0], s1  }
0x59d: {  	s1 =	ssub.s32 @!p0 $0x0, s1;
	[sflag:s0] =	ssyncset.done @!p0 $0x0  }
0x59e: {  	[sflag:s0] =	ssyncadd.s32 @!p0 s1  }
0x59f: {  	[bflag:$0x3] =	sbarrier.arrive $0xFFFF  }
0x5a0: {  	_ =	shalt  }

</sc_bundles>
